<compile_context>
chip_gen: v7x
topology: tpu7x:2x2x1
jax: 0.10.2.dev20260603
libtpu: 0.0.44.dev20260713+nightly
codegen_flags: <defaults>
</compile_context>

<pallas_src>
import functools

import jax
import jax.numpy as jnp
from jax import lax
from jax.experimental import pallas as pl
from jax.experimental.pallas import tpu as pltpu
from jax.experimental.pallas import tpu_sc as plsc

N = 10000
E = 320000
D = 128

NC = 2
NS = 16
NW = NC * NS
EPW = E // NW
CHUNK = 80
NCHUNK = -(-EPW // CHUNK)
EPW_PAD = NCHUNK * CHUNK
ROWS_PT = N // NS


def _sc_body(pre_hbm, rows_hbm, cols_hbm, vals_hbm, zeros_hbm, out_hbm,
             accum, rows_e, cols_e, vals_e, gb0, gb1,
             cidx0, cidx1, ridx0, vbuf0, gsem0, gsem1):
    c = lax.axis_index("c")
    s = lax.axis_index("s")
    w = c * NS + s

    r0 = pl.multiple_of(s * ROWS_PT, 8)
    pltpu.sync_copy(zeros_hbm.at[pl.ds(r0, ROWS_PT), :],
                    accum.at[pl.ds(r0, ROWS_PT), :])

    pltpu.sync_copy(rows_hbm.at[w], rows_e)
    pltpu.sync_copy(cols_hbm.at[w], cols_e)
    pltpu.sync_copy(vals_hbm.at[w], vals_e)
    plsc.subcore_barrier()

    def copy_chunk(src2d, j, dst):
        for q in range(CHUNK // 16):
            sl = pl.ds(q * 16, 16)
            dst[sl] = src2d[j, sl]

    def scale(buf, vbuf):
        def edge_body(e, carry):
            ev = plsc.load_gather(vbuf, [jnp.full((16,), e, jnp.int32)])
            for q in range(D // 16):
                sl = pl.ds(q * 16, 16)
                buf[e, sl] = buf[e, sl] * ev
            return carry
        lax.fori_loop(0, CHUNK, edge_body, 0, unroll=8)

    def gather_start(j, cidx, buf, sem):
        copy_chunk(cols_e, j, cidx)
        pltpu.async_copy(pre_hbm.at[cidx], buf, sem)

    def finish_chunk(j, cidx, buf, sem):
        pltpu.make_async_copy(pre_hbm.at[cidx], buf, sem).wait()
        copy_chunk(rows_e, j, ridx0)
        copy_chunk(vals_e, j, vbuf0)
        scale(buf, vbuf0)
        pltpu.sync_copy(buf, accum.at[ridx0], add=True)

    gather_start(0, cidx0, gb0, gsem0)

    @pl.loop(0, NCHUNK, step=2)
    def pipeline(j):
        @pl.when(j + 1 < NCHUNK)
        def _():
            gather_start(j + 1, cidx1, gb1, gsem1)

        finish_chunk(j, cidx0, gb0, gsem0)

        @pl.when(j + 1 < NCHUNK)
        def _():
            @pl.when(j + 2 < NCHUNK)
            def _():
                gather_start(j + 2, cidx0, gb0, gsem0)

            finish_chunk(j + 1, cidx1, gb1, gsem1)

    plsc.subcore_barrier()
    pltpu.sync_copy(accum.at[pl.ds(r0, ROWS_PT), :],
                    out_hbm.at[c, pl.ds(r0, ROWS_PT), :])


_sc_scatter = functools.partial(
    pl.kernel,
    out_type=jax.ShapeDtypeStruct((NC, N, D), jnp.float32),
    mesh=plsc.VectorSubcoreMesh(core_axis_name="c", subcore_axis_name="s"),
    scratch_types=[
        pltpu.VMEM_SHARED((N, D), jnp.float32),
        pltpu.VMEM((NCHUNK, CHUNK), jnp.int32),
        pltpu.VMEM((NCHUNK, CHUNK), jnp.int32),
        pltpu.VMEM((NCHUNK, CHUNK), jnp.float32),
        pltpu.VMEM((CHUNK, D), jnp.float32),
        pltpu.VMEM((CHUNK, D), jnp.float32),
        pltpu.VMEM((CHUNK,), jnp.int32),
        pltpu.VMEM((CHUNK,), jnp.int32),
        pltpu.VMEM((CHUNK,), jnp.int32),
        pltpu.VMEM((CHUNK,), jnp.float32),
        pltpu.SemaphoreType.DMA,
        pltpu.SemaphoreType.DMA,
    ],
    compiler_params=pltpu.CompilerParams(use_tc_tiling_on_sc=False,
                                         needs_layout_passes=False),
)(_sc_body)


def _mm_body(x_ref, w_ref, o_ref):
    o_ref[...] = jnp.dot(x_ref[...], w_ref[...],
                         preferred_element_type=jnp.float32)


def _fin_body(p_ref, b_ref, o_ref):
    o_ref[...] = jnp.maximum(p_ref[0] + p_ref[1] + b_ref[...], 0.0)


_MM_ROWS = 1000


def _pad_edges(a, dtype):
    a = a.reshape(NW, EPW)
    pad = jnp.zeros((NW, EPW_PAD - EPW), dtype)
    return jnp.concatenate([a, pad], axis=1).reshape(NW, NCHUNK, CHUNK)


def kernel(x, edge_index, edge_values, W0, b):
    pre = pl.pallas_call(
        _mm_body,
        grid=(N // _MM_ROWS,),
        in_specs=[
            pl.BlockSpec((_MM_ROWS, D), lambda i: (i, 0)),
            pl.BlockSpec((D, D), lambda i: (0, 0)),
        ],
        out_specs=pl.BlockSpec((_MM_ROWS, D), lambda i: (i, 0)),
        out_shape=jax.ShapeDtypeStruct((N, D), jnp.float32),
    )(x, W0)

    rows3 = _pad_edges(edge_index[0], jnp.int32)
    cols3 = _pad_edges(edge_index[1], jnp.int32)
    vals3 = _pad_edges(edge_values, jnp.float32)
    zeros = jnp.zeros((N, D), jnp.float32)
    parts = _sc_scatter(pre, rows3, cols3, vals3, zeros)

    return pl.pallas_call(
        _fin_body,
        grid=(N // _MM_ROWS,),
        in_specs=[
            pl.BlockSpec((NC, _MM_ROWS, D), lambda i: (0, i, 0)),
            pl.BlockSpec((1, D), lambda i: (0, 0)),
        ],
        out_specs=pl.BlockSpec((_MM_ROWS, D), lambda i: (i, 0)),
        out_shape=jax.ShapeDtypeStruct((N, D), jnp.float32),
    )(parts, b.reshape(1, D))

# --- scband reference (transcript-rebuilt; emitter-appended) ---
"""Pipeline reference for scband-graph-convolution-74071005986924 (READ-ONLY COPY).

The authoritative reference and input builder live on the scoring server;
editing this copy changes nothing except your own understanding.
"""

import jax, jax.numpy as jnp
import numpy as np

N_NODES = 10000
N_EDGES = 320000
D_IN = 128
D_OUT = 128


def setup_inputs(seed: int = 0) -> dict:
    key = jax.random.key(seed)
    k1, k2, k3, k4, k5 = jax.random.split(key, 5)
    x = jax.random.normal(k1, (N_NODES, D_IN), dtype=jnp.float32)
    # support sparse adjacency in COO form: row 0 = dst (row index), row 1 = src (col index)
    edge_index = jax.random.randint(k2, (2, N_EDGES), 0, N_NODES, dtype=jnp.int32)
    edge_values = jax.random.uniform(k3, (N_EDGES,), dtype=jnp.float32)
    # learned parameters (single support since gcn_block_id=1 with one support matrix)
    W0 = jax.random.normal(k4, (D_IN, D_OUT), dtype=jnp.float32) * 0.05
    b = jax.random.normal(k5, (D_OUT,), dtype=jnp.float32) * 0.05
    return {"x": x, "edge_index": edge_index, "edge_values": edge_values, "W0": W0, "b": b}


def reference(x, edge_index, edge_values, W0, b):
    # dropout rate is 0.0 (dropout=False in __init__), so tf.nn.dropout is identity.
    # pre_sup = dot(x, W) (dense matmul, sparse_inputs=False)
    pre_sup = jnp.matmul(x, W0)
    # support = sparse_dense_matmul(A, pre_sup): out[r] += v * pre_sup[c]
    rows = edge_index[0]
    cols = edge_index[1]
    gathered = jnp.take(pre_sup, cols, axis=0) * edge_values[:, None]
    support = jax.ops.segment_sum(gathered, rows, num_segments=N_NODES)
    # single support -> add_n is identity; add bias; relu activation
    output = support + b
    return jax.nn.relu(output)

if __name__ == "__main__":
    import jax
    _d = setup_inputs()
    print(jax.jit(kernel)(*tuple(_d.values())))

</pallas_src>

<mosaic_0001>
#map = affine_map<(d0, d1) -> (0, 0)>
#map1 = affine_map<(d0, d1) -> (0, 0, 0)>
module attributes {stable_mosaic.version = 14 : i64} {
  func.func @_sc_body(%arg0: i32, %arg1: i32, %arg2: memref<10000x128xf32, #tpu.memory_space<hbm>>, %arg3: memref<32x125x80xi32, #tpu.memory_space<hbm>>, %arg4: memref<32x125x80xi32, #tpu.memory_space<hbm>>, %arg5: memref<32x125x80xf32, #tpu.memory_space<hbm>>, %arg6: memref<10000x128xf32, #tpu.memory_space<hbm>>, %arg7: memref<2x10000x128xf32, #tpu.memory_space<hbm>>, %arg8: memref<10000x128xf32, #tpu.memory_space<vmem_shared>>, %arg9: memref<125x80xi32, #tpu.memory_space<vmem>>, %arg10: memref<125x80xi32, #tpu.memory_space<vmem>>, %arg11: memref<125x80xf32, #tpu.memory_space<vmem>>, %arg12: memref<80x128xf32, #tpu.memory_space<vmem>>, %arg13: memref<80x128xf32, #tpu.memory_space<vmem>>, %arg14: memref<80xi32, #tpu.memory_space<vmem>>, %arg15: memref<80xi32, #tpu.memory_space<vmem>>, %arg16: memref<80xi32, #tpu.memory_space<vmem>>, %arg17: memref<80xf32, #tpu.memory_space<vmem>>, %arg18: memref<!tpu.dma_semaphore, #tpu.memory_space<semaphore_mem>>, %arg19: memref<!tpu.dma_semaphore, #tpu.memory_space<semaphore_mem>>) attributes {dimension_semantics = [#tpu.dimension_semantics<core_parallel>, #tpu.dimension_semantics<subcore_parallel>], iteration_bounds = array<i64: 2, 16>, scalar_prefetch = 0 : i64, scratch_operands = 12 : i64, tpu.core_type = #tpu.core_type<sc_vector_subcore>, window_params = [{transform_indices = #map}, {transform_indices = #map1}, {transform_indices = #map1}, {transform_indices = #map1}, {transform_indices = #map}, {transform_indices = #map1}]} {
    %mul3A = arith.constant 16 : i32
    %mul3A_0 = arith.muli %arg0, %mul3A : i32
    %add3A = arith.addi %mul3A_0, %arg1 : i32
    %mul3A_1 = arith.constant 625 : i32
    %mul3A_2 = arith.muli %arg1, %mul3A_1 : i32
    %multiple_of3A = tpu.assume_multiple %mul3A_2, 8 : i32
    "tpu.region"() ({
      %run_scoped3A = tpu.sem_alloc : memref<!tpu.dma_semaphore, #tpu.memory_space<semaphore_mem>>
      %dma_start3A_38 = arith.constant 0 : i32
      %dma_start3A_39 = tpu.memref_slice %arg8[%multiple_of3A, %dma_start3A_38] : memref<10000x128xf32, #tpu.memory_space<vmem_shared>> -> memref<625x128xf32, #tpu.memory_space<vmem_shared>>
      %dma_start3A_40 = arith.constant 0 : i32
      %dma_start3A_41 = tpu.memref_slice %arg6[%multiple_of3A, %dma_start3A_40] : memref<10000x128xf32, #tpu.memory_space<hbm>> -> memref<625x128xf32, #tpu.memory_space<hbm>>
      tpu.enqueue_dma source(%dma_start3A_41 : memref<625x128xf32, #tpu.memory_space<hbm>>) target(%dma_start3A_39 : memref<625x128xf32, #tpu.memory_space<vmem_shared>>) target_semaphore(%run_scoped3A : memref<!tpu.dma_semaphore, #tpu.memory_space<semaphore_mem>>)
      %dma_wait3A = arith.constant 0 : i32
      %dma_wait3A_42 = tpu.memref_slice %arg8[%multiple_of3A, %dma_wait3A] : memref<10000x128xf32, #tpu.memory_space<vmem_shared>> -> memref<625x128xf32, #tpu.memory_space<vmem_shared>>
      %dma_wait3A_43 = arith.constant 0 : i32
      %dma_wait3A_44 = tpu.memref_slice %arg6[%multiple_of3A, %dma_wait3A_43] : memref<10000x128xf32, #tpu.memory_space<hbm>> -> memref<625x128xf32, #tpu.memory_space<hbm>>
      tpu.wait_dma2 semaphore(%run_scoped3A : memref<!tpu.dma_semaphore, #tpu.memory_space<semaphore_mem>>) src(%dma_wait3A_44 : memref<625x128xf32, #tpu.memory_space<hbm>>) dst(%dma_wait3A_42 : memref<625x128xf32, #tpu.memory_space<vmem_shared>>)
      tpu.yield
    }) : () -> ()
    "tpu.region"() ({
      %run_scoped3A = tpu.sem_alloc : memref<!tpu.dma_semaphore, #tpu.memory_space<semaphore_mem>>
      %dma_start3A_38 = arith.constant 0 : i32
      %dma_start3A_39 = arith.constant 0 : i32
      %dma_start3A_40 = tpu.memref_slice %arg3[%add3A, %dma_start3A_38, %dma_start3A_39] : memref<32x125x80xi32, #tpu.memory_space<hbm>> -> memref<1x125x80xi32, #tpu.memory_space<hbm>>
      %dma_start3A_41 = tpu.memref_squeeze %dma_start3A_40 : memref<1x125x80xi32, #tpu.memory_space<hbm>> -> memref<125x80xi32, #tpu.memory_space<hbm>>
      %dma_start3A_42 = arith.constant 0 : i32
      %dma_start3A_43 = arith.constant 0 : i32
      %dma_start3A_44 = tpu.memref_slice %arg3[%add3A, %dma_start3A_42, %dma_start3A_43] : memref<32x125x80xi32, #tpu.memory_space<hbm>> -> memref<1x125x80xi32, #tpu.memory_space<hbm>>
      %dma_start3A_45 = tpu.memref_squeeze %dma_start3A_44 : memref<1x125x80xi32, #tpu.memory_space<hbm>> -> memref<125x80xi32, #tpu.memory_space<hbm>>
      tpu.enqueue_dma source(%dma_start3A_45 : memref<125x80xi32, #tpu.memory_space<hbm>>) target(%arg9 : memref<125x80xi32, #tpu.memory_space<vmem>>) target_semaphore(%run_scoped3A : memref<!tpu.dma_semaphore, #tpu.memory_space<semaphore_mem>>)
      %dma_wait3A = arith.constant 0 : i32
      %dma_wait3A_46 = arith.constant 0 : i32
      %dma_wait3A_47 = tpu.memref_slice %arg3[%add3A, %dma_wait3A, %dma_wait3A_46] : memref<32x125x80xi32, #tpu.memory_space<hbm>> -> memref<1x125x80xi32, #tpu.memory_space<hbm>>
      %dma_wait3A_48 = tpu.memref_squeeze %dma_wait3A_47 : memref<1x125x80xi32, #tpu.memory_space<hbm>> -> memref<125x80xi32, #tpu.memory_space<hbm>>
      %dma_wait3A_49 = arith.constant 0 : i32
      %dma_wait3A_50 = arith.constant 0 : i32
      %dma_wait3A_51 = tpu.memref_slice %arg3[%add3A, %dma_wait3A_49, %dma_wait3A_50] : memref<32x125x80xi32, #tpu.memory_space<hbm>> -> memref<1x125x80xi32, #tpu.memory_space<hbm>>
      %dma_wait3A_52 = tpu.memref_squeeze %dma_wait3A_51 : memref<1x125x80xi32, #tpu.memory_space<hbm>> -> memref<125x80xi32, #tpu.memory_space<hbm>>
      tpu.wait_dma2 semaphore(%run_scoped3A : memref<!tpu.dma_semaphore, #tpu.memory_space<semaphore_mem>>) src(%dma_wait3A_52 : memref<125x80xi32, #tpu.memory_space<hbm>>) dst(%arg9 : memref<125x80xi32, #tpu.memory_space<vmem>>)
      tpu.yield
    }) : () -> ()
    "tpu.region"() ({
      %run_scoped3A = tpu.sem_alloc : memref<!tpu.dma_semaphore, #tpu.memory_space<semaphore_mem>>
      %dma_start3A_38 = arith.constant 0 : i32
      %dma_start3A_39 = arith.constant 0 : i32
      %dma_start3A_40 = tpu.memref_slice %arg4[%add3A, %dma_start3A_38, %dma_start3A_39] : memref<32x125x80xi32, #tpu.memory_space<hbm>> -> memref<1x125x80xi32, #tpu.memory_space<hbm>>
      %dma_start3A_41 = tpu.memref_squeeze %dma_start3A_40 : memref<1x125x80xi32, #tpu.memory_space<hbm>> -> memref<125x80xi32, #tpu.memory_space<hbm>>
      %dma_start3A_42 = arith.constant 0 : i32
      %dma_start3A_43 = arith.constant 0 : i32
      %dma_start3A_44 = tpu.memref_slice %arg4[%add3A, %dma_start3A_42, %dma_start3A_43] : memref<32x125x80xi32, #tpu.memory_space<hbm>> -> memref<1x125x80xi32, #tpu.memory_space<hbm>>
      %dma_start3A_45 = tpu.memref_squeeze %dma_start3A_44 : memref<1x125x80xi32, #tpu.memory_space<hbm>> -> memref<125x80xi32, #tpu.memory_space<hbm>>
      tpu.enqueue_dma source(%dma_start3A_45 : memref<125x80xi32, #tpu.memory_space<hbm>>) target(%arg10 : memref<125x80xi32, #tpu.memory_space<vmem>>) target_semaphore(%run_scoped3A : memref<!tpu.dma_semaphore, #tpu.memory_space<semaphore_mem>>)
      %dma_wait3A = arith.constant 0 : i32
      %dma_wait3A_46 = arith.constant 0 : i32
      %dma_wait3A_47 = tpu.memref_slice %arg4[%add3A, %dma_wait3A, %dma_wait3A_46] : memref<32x125x80xi32, #tpu.memory_space<hbm>> -> memref<1x125x80xi32, #tpu.memory_space<hbm>>
      %dma_wait3A_48 = tpu.memref_squeeze %dma_wait3A_47 : memref<1x125x80xi32, #tpu.memory_space<hbm>> -> memref<125x80xi32, #tpu.memory_space<hbm>>
      %dma_wait3A_49 = arith.constant 0 : i32
      %dma_wait3A_50 = arith.constant 0 : i32
      %dma_wait3A_51 = tpu.memref_slice %arg4[%add3A, %dma_wait3A_49, %dma_wait3A_50] : memref<32x125x80xi32, #tpu.memory_space<hbm>> -> memref<1x125x80xi32, #tpu.memory_space<hbm>>
      %dma_wait3A_52 = tpu.memref_squeeze %dma_wait3A_51 : memref<1x125x80xi32, #tpu.memory_space<hbm>> -> memref<125x80xi32, #tpu.memory_space<hbm>>
      tpu.wait_dma2 semaphore(%run_scoped3A : memref<!tpu.dma_semaphore, #tpu.memory_space<semaphore_mem>>) src(%dma_wait3A_52 : memref<125x80xi32, #tpu.memory_space<hbm>>) dst(%arg10 : memref<125x80xi32, #tpu.memory_space<vmem>>)
      tpu.yield
    }) : () -> ()
    "tpu.region"() ({
      %run_scoped3A = tpu.sem_alloc : memref<!tpu.dma_semaphore, #tpu.memory_space<semaphore_mem>>
      %dma_start3A_38 = arith.constant 0 : i32
      %dma_start3A_39 = arith.constant 0 : i32
      %dma_start3A_40 = tpu.memref_slice %arg5[%add3A, %dma_start3A_38, %dma_start3A_39] : memref<32x125x80xf32, #tpu.memory_space<hbm>> -> memref<1x125x80xf32, #tpu.memory_space<hbm>>
      %dma_start3A_41 = tpu.memref_squeeze %dma_start3A_40 : memref<1x125x80xf32, #tpu.memory_space<hbm>> -> memref<125x80xf32, #tpu.memory_space<hbm>>
      %dma_start3A_42 = arith.constant 0 : i32
      %dma_start3A_43 = arith.constant 0 : i32
      %dma_start3A_44 = tpu.memref_slice %arg5[%add3A, %dma_start3A_42, %dma_start3A_43] : memref<32x125x80xf32, #tpu.memory_space<hbm>> -> memref<1x125x80xf32, #tpu.memory_space<hbm>>
      %dma_start3A_45 = tpu.memref_squeeze %dma_start3A_44 : memref<1x125x80xf32, #tpu.memory_space<hbm>> -> memref<125x80xf32, #tpu.memory_space<hbm>>
      tpu.enqueue_dma source(%dma_start3A_45 : memref<125x80xf32, #tpu.memory_space<hbm>>) target(%arg11 : memref<125x80xf32, #tpu.memory_space<vmem>>) target_semaphore(%run_scoped3A : memref<!tpu.dma_semaphore, #tpu.memory_space<semaphore_mem>>)
      %dma_wait3A = arith.constant 0 : i32
      %dma_wait3A_46 = arith.constant 0 : i32
      %dma_wait3A_47 = tpu.memref_slice %arg5[%add3A, %dma_wait3A, %dma_wait3A_46] : memref<32x125x80xf32, #tpu.memory_space<hbm>> -> memref<1x125x80xf32, #tpu.memory_space<hbm>>
      %dma_wait3A_48 = tpu.memref_squeeze %dma_wait3A_47 : memref<1x125x80xf32, #tpu.memory_space<hbm>> -> memref<125x80xf32, #tpu.memory_space<hbm>>
      %dma_wait3A_49 = arith.constant 0 : i32
      %dma_wait3A_50 = arith.constant 0 : i32
      %dma_wait3A_51 = tpu.memref_slice %arg5[%add3A, %dma_wait3A_49, %dma_wait3A_50] : memref<32x125x80xf32, #tpu.memory_space<hbm>> -> memref<1x125x80xf32, #tpu.memory_space<hbm>>
      %dma_wait3A_52 = tpu.memref_squeeze %dma_wait3A_51 : memref<1x125x80xf32, #tpu.memory_space<hbm>> -> memref<125x80xf32, #tpu.memory_space<hbm>>
      tpu.wait_dma2 semaphore(%run_scoped3A : memref<!tpu.dma_semaphore, #tpu.memory_space<semaphore_mem>>) src(%dma_wait3A_52 : memref<125x80xf32, #tpu.memory_space<hbm>>) dst(%arg11 : memref<125x80xf32, #tpu.memory_space<vmem>>)
      tpu.yield
    }) : () -> ()
    %barrier3A = arith.constant 0 : index
    tpu.barrier barrier_id(%barrier3A)
    %get3A = arith.constant 0 : i32
    %get3A_3 = arith.index_cast %get3A : i32 to index
    %get3A_4 = arith.constant 0 : index
    %get3A_5 = tpu.vector_load %arg10[%get3A_3, %get3A_4] {strides = array<i32>} : memref<125x80xi32, #tpu.memory_space<vmem>>, vector<16xi32>,
    %swap3A = arith.constant 0 : index
    %swap3A_6 = tpu.vector_load %arg14[%swap3A] {strides = array<i32>} : memref<80xi32, #tpu.memory_space<vmem>>, vector<16xi32>,
    tpu.vector_store %arg14[%swap3A], %get3A_5 {strides = array<i32>} : memref<80xi32, #tpu.memory_space<vmem>>, vector<16xi32>,
    %get3A_7 = arith.constant 0 : i32
    %get3A_8 = arith.index_cast %get3A_7 : i32 to index
    %get3A_9 = arith.constant 16 : index
    %get3A_10 = tpu.vector_load %arg10[%get3A_8, %get3A_9] {strides = array<i32>} : memref<125x80xi32, #tpu.memory_space<vmem>>, vector<16xi32>,
    %swap3A_11 = arith.constant 16 : index
    %swap3A_12 = tpu.vector_load %arg14[%swap3A_11] {strides = array<i32>} : memref<80xi32, #tpu.memory_space<vmem>>, vector<16xi32>,
    tpu.vector_store %arg14[%swap3A_11], %get3A_10 {strides = array<i32>} : memref<80xi32, #tpu.memory_space<vmem>>, vector<16xi32>,
    %get3A_13 = arith.constant 0 : i32
    %get3A_14 = arith.index_cast %get3A_13 : i32 to index
    %get3A_15 = arith.constant 32 : index
    %get3A_16 = tpu.vector_load %arg10[%get3A_14, %get3A_15] {strides = array<i32>} : memref<125x80xi32, #tpu.memory_space<vmem>>, vector<16xi32>,
    %swap3A_17 = arith.constant 32 : index
    %swap3A_18 = tpu.vector_load %arg14[%swap3A_17] {strides = array<i32>} : memref<80xi32, #tpu.memory_space<vmem>>, vector<16xi32>,
    tpu.vector_store %arg14[%swap3A_17], %get3A_16 {strides = array<i32>} : memref<80xi32, #tpu.memory_space<vmem>>, vector<16xi32>,
    %get3A_19 = arith.constant 0 : i32
    %get3A_20 = arith.index_cast %get3A_19 : i32 to index
    %get3A_21 = arith.constant 48 : index
    %get3A_22 = tpu.vector_load %arg10[%get3A_20, %get3A_21] {strides = array<i32>} : memref<125x80xi32, #tpu.memory_space<vmem>>, vector<16xi32>,
    %swap3A_23 = arith.constant 48 : index
    %swap3A_24 = tpu.vector_load %arg14[%swap3A_23] {strides = array<i32>} : memref<80xi32, #tpu.memory_space<vmem>>, vector<16xi32>,
    tpu.vector_store %arg14[%swap3A_23], %get3A_22 {strides = array<i32>} : memref<80xi32, #tpu.memory_space<vmem>>, vector<16xi32>,
    %get3A_25 = arith.constant 0 : i32
    %get3A_26 = arith.index_cast %get3A_25 : i32 to index
    %get3A_27 = arith.constant 64 : index
    %get3A_28 = tpu.vector_load %arg10[%get3A_26, %get3A_27] {strides = array<i32>} : memref<125x80xi32, #tpu.memory_space<vmem>>, vector<16xi32>,
    %swap3A_29 = arith.constant 64 : index
    %swap3A_30 = tpu.vector_load %arg14[%swap3A_29] {strides = array<i32>} : memref<80xi32, #tpu.memory_space<vmem>>, vector<16xi32>,
    tpu.vector_store %arg14[%swap3A_29], %get3A_28 {strides = array<i32>} : memref<80xi32, #tpu.memory_space<vmem>>, vector<16xi32>,
    %dma_start3A = arith.constant 0 : i32
    %dma_start3A_31 = arith.constant 0 : i32
    %dma_start3A_32 = tpu.memref_slice %arg2[%dma_start3A, %dma_start3A_31] : memref<10000x128xf32, #tpu.memory_space<hbm>> -> memref<10000x128xf32, #tpu.memory_space<hbm>>
    tpu.enqueue_indirect_dma source(%dma_start3A_32 : memref<10000x128xf32, #tpu.memory_space<hbm>>) target(%arg12 : memref<80x128xf32, #tpu.memory_space<vmem>>) offsets(%arg14 : memref<80xi32, #tpu.memory_space<vmem>>) semaphore(%arg18 : memref<!tpu.dma_semaphore, #tpu.memory_space<semaphore_mem>>)
    %scan3A = arith.constant 0 : i32
    %scan3A_33 = arith.constant 63 : i32
    %scan3A_34 = arith.addi %scan3A, %scan3A_33 : i32
    %scan3A_35 = arith.constant 1 : i32
    scf.for %scan3A_38 = %scan3A to %scan3A_34 step %scan3A_35  : i32 {
      %mul3A_39 = arith.constant 2 : i32
      %mul3A_40 = arith.muli %scan3A_38, %mul3A_39 : i32
      %add3A_41 = arith.constant 0 : i32
      %add3A_42 = arith.addi %add3A_41, %mul3A_40 : i32
      %add3A_43 = arith.constant 1 : i32
      %add3A_44 = arith.addi %add3A_42, %add3A_43 : i32
      %lt3A = arith.constant 125 : i32
      %lt3A_45 = arith.cmpi slt, %add3A_44, %lt3A : i32
      %convert_element_type3A = arith.extui %lt3A_45 : i1 to i32
      %cond3A = arith.constant 0 : i32
      %cond3A_46 = arith.cmpi ne, %convert_element_type3A, %cond3A : i32
      scf.if %cond3A_46 {
        %add3A_112 = arith.constant 1 : i32
        %add3A_113 = arith.addi %add3A_42, %add3A_112 : i32
        %get3A_114 = arith.index_cast %add3A_113 : i32 to index
        %get3A_115 = arith.constant 0 : index
        %get3A_116 = tpu.vector_load %arg10[%get3A_114, %get3A_115] {strides = array<i32>} : memref<125x80xi32, #tpu.memory_space<vmem>>, vector<16xi32>,
        %swap3A_117 = arith.constant 0 : index
        %swap3A_118 = tpu.vector_load %arg15[%swap3A_117] {strides = array<i32>} : memref<80xi32, #tpu.memory_space<vmem>>, vector<16xi32>,
        tpu.vector_store %arg15[%swap3A_117], %get3A_116 {strides = array<i32>} : memref<80xi32, #tpu.memory_space<vmem>>, vector<16xi32>,
        %get3A_119 = arith.index_cast %add3A_113 : i32 to index
        %get3A_120 = arith.constant 16 : index
        %get3A_121 = tpu.vector_load %arg10[%get3A_119, %get3A_120] {strides = array<i32>} : memref<125x80xi32, #tpu.memory_space<vmem>>, vector<16xi32>,
        %swap3A_122 = arith.constant 16 : index
        %swap3A_123 = tpu.vector_load %arg15[%swap3A_122] {strides = array<i32>} : memref<80xi32, #tpu.memory_space<vmem>>, vector<16xi32>,
        tpu.vector_store %arg15[%swap3A_122], %get3A_121 {strides = array<i32>} : memref<80xi32, #tpu.memory_space<vmem>>, vector<16xi32>,
        %get3A_124 = arith.index_cast %add3A_113 : i32 to index
        %get3A_125 = arith.constant 32 : index
        %get3A_126 = tpu.vector_load %arg10[%get3A_124, %get3A_125] {strides = array<i32>} : memref<125x80xi32, #tpu.memory_space<vmem>>, vector<16xi32>,
        %swap3A_127 = arith.constant 32 : index
        %swap3A_128 = tpu.vector_load %arg15[%swap3A_127] {strides = array<i32>} : memref<80xi32, #tpu.memory_space<vmem>>, vector<16xi32>,
        tpu.vector_store %arg15[%swap3A_127], %get3A_126 {strides = array<i32>} : memref<80xi32, #tpu.memory_space<vmem>>, vector<16xi32>,
        %get3A_129 = arith.index_cast %add3A_113 : i32 to index
        %get3A_130 = arith.constant 48 : index
        %get3A_131 = tpu.vector_load %arg10[%get3A_129, %get3A_130] {strides = array<i32>} : memref<125x80xi32, #tpu.memory_space<vmem>>, vector<16xi32>,
        %swap3A_132 = arith.constant 48 : index
        %swap3A_133 = tpu.vector_load %arg15[%swap3A_132] {strides = array<i32>} : memref<80xi32, #tpu.memory_space<vmem>>, vector<16xi32>,
        tpu.vector_store %arg15[%swap3A_132], %get3A_131 {strides = array<i32>} : memref<80xi32, #tpu.memory_space<vmem>>, vector<16xi32>,
        %get3A_134 = arith.index_cast %add3A_113 : i32 to index
        %get3A_135 = arith.constant 64 : index
        %get3A_136 = tpu.vector_load %arg10[%get3A_134, %get3A_135] {strides = array<i32>} : memref<125x80xi32, #tpu.memory_space<vmem>>, vector<16xi32>,
        %swap3A_137 = arith.constant 64 : index
        %swap3A_138 = tpu.vector_load %arg15[%swap3A_137] {strides = array<i32>} : memref<80xi32, #tpu.memory_space<vmem>>, vector<16xi32>,
        tpu.vector_store %arg15[%swap3A_137], %get3A_136 {strides = array<i32>} : memref<80xi32, #tpu.memory_space<vmem>>, vector<16xi32>,
        %dma_start3A_139 = arith.constant 0 : i32
        %dma_start3A_140 = arith.constant 0 : i32
        %dma_start3A_141 = tpu.memref_slice %arg2[%dma_start3A_139, %dma_start3A_140] : memref<10000x128xf32, #tpu.memory_space<hbm>> -> memref<10000x128xf32, #tpu.memory_space<hbm>>
        tpu.enqueue_indirect_dma source(%dma_start3A_141 : memref<10000x128xf32, #tpu.memory_space<hbm>>) target(%arg13 : memref<80x128xf32, #tpu.memory_space<vmem>>) offsets(%arg15 : memref<80xi32, #tpu.memory_space<vmem>>) semaphore(%arg19 : memref<!tpu.dma_semaphore, #tpu.memory_space<semaphore_mem>>)
      } else {
      }
      %dma_wait3A = arith.constant 0 : i32
      %dma_wait3A_47 = arith.constant 0 : i32
      %dma_wait3A_48 = tpu.memref_slice %arg2[%dma_wait3A, %dma_wait3A_47] : memref<10000x128xf32, #tpu.memory_space<hbm>> -> memref<10000x128xf32, #tpu.memory_space<hbm>>
      tpu.wait_indirect_dma semaphore(%arg18 : memref<!tpu.dma_semaphore, #tpu.memory_space<semaphore_mem>>) src(%dma_wait3A_48 : memref<10000x128xf32, #tpu.memory_space<hbm>>) dst(%arg12 : memref<80x128xf32, #tpu.memory_space<vmem>>)
      %get3A_49 = arith.index_cast %add3A_42 : i32 to index
      %get3A_50 = arith.constant 0 : index
      %get3A_51 = tpu.vector_load %arg9[%get3A_49, %get3A_50] {strides = array<i32>} : memref<125x80xi32, #tpu.memory_space<vmem>>, vector<16xi32>,
      %swap3A_52 = arith.constant 0 : index
      %swap3A_53 = tpu.vector_load %arg16[%swap3A_52] {strides = array<i32>} : memref<80xi32, #tpu.memory_space<vmem>>, vector<16xi32>,
      tpu.vector_store %arg16[%swap3A_52], %get3A_51 {strides = array<i32>} : memref<80xi32, #tpu.memory_space<vmem>>, vector<16xi32>,
      %get3A_54 = arith.index_cast %add3A_42 : i32 to index
      %get3A_55 = arith.constant 16 : index
      %get3A_56 = tpu.vector_load %arg9[%get3A_54, %get3A_55] {strides = array<i32>} : memref<125x80xi32, #tpu.memory_space<vmem>>, vector<16xi32>,
      %swap3A_57 = arith.constant 16 : index
      %swap3A_58 = tpu.vector_load %arg16[%swap3A_57] {strides = array<i32>} : memref<80xi32, #tpu.memory_space<vmem>>, vector<16xi32>,
      tpu.vector_store %arg16[%swap3A_57], %get3A_56 {strides = array<i32>} : memref<80xi32, #tpu.memory_space<vmem>>, vector<16xi32>,
      %get3A_59 = arith.index_cast %add3A_42 : i32 to index
      %get3A_60 = arith.constant 32 : index
      %get3A_61 = tpu.vector_load %arg9[%get3A_59, %get3A_60] {strides = array<i32>} : memref<125x80xi32, #tpu.memory_space<vmem>>, vector<16xi32>,
      %swap3A_62 = arith.constant 32 : index
      %swap3A_63 = tpu.vector_load %arg16[%swap3A_62] {strides = array<i32>} : memref<80xi32, #tpu.memory_space<vmem>>, vector<16xi32>,
      tpu.vector_store %arg16[%swap3A_62], %get3A_61 {strides = array<i32>} : memref<80xi32, #tpu.memory_space<vmem>>, vector<16xi32>,
      %get3A_64 = arith.index_cast %add3A_42 : i32 to index
      %get3A_65 = arith.constant 48 : index
      %get3A_66 = tpu.vector_load %arg9[%get3A_64, %get3A_65] {strides = array<i32>} : memref<125x80xi32, #tpu.memory_space<vmem>>, vector<16xi32>,
      %swap3A_67 = arith.constant 48 : index
      %swap3A_68 = tpu.vector_load %arg16[%swap3A_67] {strides = array<i32>} : memref<80xi32, #tpu.memory_space<vmem>>, vector<16xi32>,
      tpu.vector_store %arg16[%swap3A_67], %get3A_66 {strides = array<i32>} : memref<80xi32, #tpu.memory_space<vmem>>, vector<16xi32>,
      %get3A_69 = arith.index_cast %add3A_42 : i32 to index
      %get3A_70 = arith.constant 64 : index
      %get3A_71 = tpu.vector_load %arg9[%get3A_69, %get3A_70] {strides = array<i32>} : memref<125x80xi32, #tpu.memory_space<vmem>>, vector<16xi32>,
      %swap3A_72 = arith.constant 64 : index
      %swap3A_73 = tpu.vector_load %arg16[%swap3A_72] {strides = array<i32>} : memref<80xi32, #tpu.memory_space<vmem>>, vector<16xi32>,
      tpu.vector_store %arg16[%swap3A_72], %get3A_71 {strides = array<i32>} : memref<80xi32, #tpu.memory_space<vmem>>, vector<16xi32>,
      %get3A_74 = arith.index_cast %add3A_42 : i32 to index
      %get3A_75 = arith.constant 0 : index
      %get3A_76 = tpu.vector_load %arg11[%get3A_74, %get3A_75] {strides = array<i32>} : memref<125x80xf32, #tpu.memory_space<vmem>>, vector<16xf32>,
      %swap3A_77 = arith.constant 0 : index
      %swap3A_78 = tpu.vector_load %arg17[%swap3A_77] {strides = array<i32>} : memref<80xf32, #tpu.memory_space<vmem>>, vector<16xf32>,
      tpu.vector_store %arg17[%swap3A_77], %get3A_76 {strides = array<i32>} : memref<80xf32, #tpu.memory_space<vmem>>, vector<16xf32>,
      %get3A_79 = arith.index_cast %add3A_42 : i32 to index
      %get3A_80 = arith.constant 16 : index
      %get3A_81 = tpu.vector_load %arg11[%get3A_79, %get3A_80] {strides = array<i32>} : memref<125x80xf32, #tpu.memory_space<vmem>>, vector<16xf32>,
      %swap3A_82 = arith.constant 16 : index
      %swap3A_83 = tpu.vector_load %arg17[%swap3A_82] {strides = array<i32>} : memref<80xf32, #tpu.memory_space<vmem>>, vector<16xf32>,
      tpu.vector_store %arg17[%swap3A_82], %get3A_81 {strides = array<i32>} : memref<80xf32, #tpu.memory_space<vmem>>, vector<16xf32>,
      %get3A_84 = arith.index_cast %add3A_42 : i32 to index
      %get3A_85 = arith.constant 32 : index
      %get3A_86 = tpu.vector_load %arg11[%get3A_84, %get3A_85] {strides = array<i32>} : memref<125x80xf32, #tpu.memory_space<vmem>>, vector<16xf32>,
      %swap3A_87 = arith.constant 32 : index
      %swap3A_88 = tpu.vector_load %arg17[%swap3A_87] {strides = array<i32>} : memref<80xf32, #tpu.memory_space<vmem>>, vector<16xf32>,
      tpu.vector_store %arg17[%swap3A_87], %get3A_86 {strides = array<i32>} : memref<80xf32, #tpu.memory_space<vmem>>, vector<16xf32>,
      %get3A_89 = arith.index_cast %add3A_42 : i32 to index
      %get3A_90 = arith.constant 48 : index
      %get3A_91 = tpu.vector_load %arg11[%get3A_89, %get3A_90] {strides = array<i32>} : memref<125x80xf32, #tpu.memory_space<vmem>>, vector<16xf32>,
      %swap3A_92 = arith.constant 48 : index
      %swap3A_93 = tpu.vector_load %arg17[%swap3A_92] {strides = array<i32>} : memref<80xf32, #tpu.memory_space<vmem>>, vector<16xf32>,
      tpu.vector_store %arg17[%swap3A_92], %get3A_91 {strides = array<i32>} : memref<80xf32, #tpu.memory_space<vmem>>, vector<16xf32>,
      %get3A_94 = arith.index_cast %add3A_42 : i32 to index
      %get3A_95 = arith.constant 64 : index
      %get3A_96 = tpu.vector_load %arg11[%get3A_94, %get3A_95] {strides = array<i32>} : memref<125x80xf32, #tpu.memory_space<vmem>>, vector<16xf32>,
      %swap3A_97 = arith.constant 64 : index
      %swap3A_98 = tpu.vector_load %arg17[%swap3A_97] {strides = array<i32>} : memref<80xf32, #tpu.memory_space<vmem>>, vector<16xf32>,
      tpu.vector_store %arg17[%swap3A_97], %get3A_96 {strides = array<i32>} : memref<80xf32, #tpu.memory_space<vmem>>, vector<16xf32>,
      %scan3A_99 = arith.constant 0 : i32
      %scan3A_100 = arith.constant 0 : i32
      %scan3A_101 = arith.constant 80 : i32
      %scan3A_102 = arith.addi %scan3A_100, %scan3A_101 : i32
      %scan3A_103 = arith.constant 8 : i32
      scf.for %scan3A_112 = %scan3A_100 to %scan3A_102 step %scan3A_103  : i32 {
        %broadcast_in_dim3A = vector.broadcast %scan3A_112 : i32 to vector<16xi32>
        %gather3A = tpu.vector_load_idx %arg17[%broadcast_in_dim3A] : memref<80xf32, #tpu.memory_space<vmem>>[vector<16xi32>], vector<16xf32>,
        %get3A_113 = arith.index_cast %scan3A_112 : i32 to index
        %get3A_114 = arith.constant 0 : index
        %get3A_115 = tpu.vector_load %arg12[%get3A_113, %get3A_114] {strides = array<i32>} : memref<80x128xf32, #tpu.memory_space<vmem>>, vector<16xf32>,
        %mul3A_116 = arith.mulf %get3A_115, %gather3A : vector<16xf32>
        %swap3A_117 = arith.index_cast %scan3A_112 : i32 to index
        %swap3A_118 = arith.constant 0 : index
        %swap3A_119 = tpu.vector_load %arg12[%swap3A_117, %swap3A_118] {strides = array<i32>} : memref<80x128xf32, #tpu.memory_space<vmem>>, vector<16xf32>,
        tpu.vector_store %arg12[%swap3A_117, %swap3A_118], %mul3A_116 {strides = array<i32>} : memref<80x128xf32, #tpu.memory_space<vmem>>, vector<16xf32>,
        %get3A_120 = arith.index_cast %scan3A_112 : i32 to index
        %get3A_121 = arith.constant 16 : index
        %get3A_122 = tpu.vector_load %arg12[%get3A_120, %get3A_121] {strides = array<i32>} : memref<80x128xf32, #tpu.memory_space<vmem>>, vector<16xf32>,
        %mul3A_123 = arith.mulf %get3A_122, %gather3A : vector<16xf32>
        %swap3A_124 = arith.index_cast %scan3A_112 : i32 to index
        %swap3A_125 = arith.constant 16 : index
        %swap3A_126 = tpu.vector_load %arg12[%swap3A_124, %swap3A_125] {strides = array<i32>} : memref<80x128xf32, #tpu.memory_space<vmem>>, vector<16xf32>,
        tpu.vector_store %arg12[%swap3A_124, %swap3A_125], %mul3A_123 {strides = array<i32>} : memref<80x128xf32, #tpu.memory_space<vmem>>, vector<16xf32>,
        %get3A_127 = arith.index_cast %scan3A_112 : i32 to index
        %get3A_128 = arith.constant 32 : index
        %get3A_129 = tpu.vector_load %arg12[%get3A_127, %get3A_128] {strides = array<i32>} : memref<80x128xf32, #tpu.memory_space<vmem>>, vector<16xf32>,
        %mul3A_130 = arith.mulf %get3A_129, %gather3A : vector<16xf32>
        %swap3A_131 = arith.index_cast %scan3A_112 : i32 to index
        %swap3A_132 = arith.constant 32 : index
        %swap3A_133 = tpu.vector_load %arg12[%swap3A_131, %swap3A_132] {strides = array<i32>} : memref<80x128xf32, #tpu.memory_space<vmem>>, vector<16xf32>,
        tpu.vector_store %arg12[%swap3A_131, %swap3A_132], %mul3A_130 {strides = array<i32>} : memref<80x128xf32, #tpu.memory_space<vmem>>, vector<16xf32>,
        %get3A_134 = arith.index_cast %scan3A_112 : i32 to index
        %get3A_135 = arith.constant 48 : index
        %get3A_136 = tpu.vector_load %arg12[%get3A_134, %get3A_135] {strides = array<i32>} : memref<80x128xf32, #tpu.memory_space<vmem>>, vector<16xf32>,
        %mul3A_137 = arith.mulf %get3A_136, %gather3A : vector<16xf32>
        %swap3A_138 = arith.index_cast %scan3A_112 : i32 to index
        %swap3A_139 = arith.constant 48 : index
        %swap3A_140 = tpu.vector_load %arg12[%swap3A_138, %swap3A_139] {strides = array<i32>} : memref<80x128xf32, #tpu.memory_space<vmem>>, vector<16xf32>,
        tpu.vector_store %arg12[%swap3A_138, %swap3A_139], %mul3A_137 {strides = array<i32>} : memref<80x128xf32, #tpu.memory_space<vmem>>, vector<16xf32>,
        %get3A_141 = arith.index_cast %scan3A_112 : i32 to index
        %get3A_142 = arith.constant 64 : index
        %get3A_143 = tpu.vector_load %arg12[%get3A_141, %get3A_142] {strides = array<i32>} : memref<80x128xf32, #tpu.memory_space<vmem>>, vector<16xf32>,
        %mul3A_144 = arith.mulf %get3A_143, %gather3A : vector<16xf32>
        %swap3A_145 = arith.index_cast %scan3A_112 : i32 to index
        %swap3A_146 = arith.constant 64 : index
        %swap3A_147 = tpu.vector_load %arg12[%swap3A_145, %swap3A_146] {strides = array<i32>} : memref<80x128xf32, #tpu.memory_space<vmem>>, vector<16xf32>,
        tpu.vector_store %arg12[%swap3A_145, %swap3A_146], %mul3A_144 {strides = array<i32>} : memref<80x128xf32, #tpu.memory_space<vmem>>, vector<16xf32>,
        %get3A_148 = arith.index_cast %scan3A_112 : i32 to index
        %get3A_149 = arith.constant 80 : index
        %get3A_150 = tpu.vector_load %arg12[%get3A_148, %get3A_149] {strides = array<i32>} : memref<80x128xf32, #tpu.memory_space<vmem>>, vector<16xf32>,
        %mul3A_151 = arith.mulf %get3A_150, %gather3A : vector<16xf32>
        %swap3A_152 = arith.index_cast %scan3A_112 : i32 to index
        %swap3A_153 = arith.constant 80 : index
        %swap3A_154 = tpu.vector_load %arg12[%swap3A_152, %swap3A_153] {strides = array<i32>} : memref<80x128xf32, #tpu.memory_space<vmem>>, vector<16xf32>,
        tpu.vector_store %arg12[%swap3A_152, %swap3A_153], %mul3A_151 {strides = array<i32>} : memref<80x128xf32, #tpu.memory_space<vmem>>, vector<16xf32>,
        %get3A_155 = arith.index_cast %scan3A_112 : i32 to index
        %get3A_156 = arith.constant 96 : index
        %get3A_157 = tpu.vector_load %arg12[%get3A_155, %get3A_156] {strides = array<i32>} : memref<80x128xf32, #tpu.memory_space<vmem>>, vector<16xf32>,
        %mul3A_158 = arith.mulf %get3A_157, %gather3A : vector<16xf32>
        %swap3A_159 = arith.index_cast %scan3A_112 : i32 to index
        %swap3A_160 = arith.constant 96 : index
        %swap3A_161 = tpu.vector_load %arg12[%swap3A_159, %swap3A_160] {strides = array<i32>} : memref<80x128xf32, #tpu.memory_space<vmem>>, vector<16xf32>,
        tpu.vector_store %arg12[%swap3A_159, %swap3A_160], %mul3A_158 {strides = array<i32>} : memref<80x128xf32, #tpu.memory_space<vmem>>, vector<16xf32>,
        %get3A_162 = arith.index_cast %scan3A_112 : i32 to index
        %get3A_163 = arith.constant 112 : index
        %get3A_164 = tpu.vector_load %arg12[%get3A_162, %get3A_163] {strides = array<i32>} : memref<80x128xf32, #tpu.memory_space<vmem>>, vector<16xf32>,
        %mul3A_165 = arith.mulf %get3A_164, %gather3A : vector<16xf32>
        %swap3A_166 = arith.index_cast %scan3A_112 : i32 to index
        %swap3A_167 = arith.constant 112 : index
        %swap3A_168 = tpu.vector_load %arg12[%swap3A_166, %swap3A_167] {strides = array<i32>} : memref<80x128xf32, #tpu.memory_space<vmem>>, vector<16xf32>,
        tpu.vector_store %arg12[%swap3A_166, %swap3A_167], %mul3A_165 {strides = array<i32>} : memref<80x128xf32, #tpu.memory_space<vmem>>, vector<16xf32>,
        %scan3A_169 = arith.constant 1 : i32
        %scan3A_170 = arith.addi %scan3A_112, %scan3A_169 : i32
        %broadcast_in_dim3A_171 = vector.broadcast %scan3A_170 : i32 to vector<16xi32>
        %gather3A_172 = tpu.vector_load_idx %arg17[%broadcast_in_dim3A_171] : memref<80xf32, #tpu.memory_space<vmem>>[vector<16xi32>], vector<16xf32>,
        %get3A_173 = arith.index_cast %scan3A_170 : i32 to index
        %get3A_174 = arith.constant 0 : index
        %get3A_175 = tpu.vector_load %arg12[%get3A_173, %get3A_174] {strides = array<i32>} : memref<80x128xf32, #tpu.memory_space<vmem>>, vector<16xf32>,
        %mul3A_176 = arith.mulf %get3A_175, %gather3A_172 : vector<16xf32>
        %swap3A_177 = arith.index_cast %scan3A_170 : i32 to index
        %swap3A_178 = arith.constant 0 : index
        %swap3A_179 = tpu.vector_load %arg12[%swap3A_177, %swap3A_178] {strides = array<i32>} : memref<80x128xf32, #tpu.memory_space<vmem>>, vector<16xf32>,
        tpu.vector_store %arg12[%swap3A_177, %swap3A_178], %mul3A_176 {strides = array<i32>} : memref<80x128xf32, #tpu.memory_space<vmem>>, vector<16xf32>,
        %get3A_180 = arith.index_cast %scan3A_170 : i32 to index
        %get3A_181 = arith.constant 16 : index
        %get3A_182 = tpu.vector_load %arg12[%get3A_180, %get3A_181] {strides = array<i32>} : memref<80x128xf32, #tpu.memory_space<vmem>>, vector<16xf32>,
        %mul3A_183 = arith.mulf %get3A_182, %gather3A_172 : vector<16xf32>
        %swap3A_184 = arith.index_cast %scan3A_170 : i32 to index
        %swap3A_185 = arith.constant 16 : index
        %swap3A_186 = tpu.vector_load %arg12[%swap3A_184, %swap3A_185] {strides = array<i32>} : memref<80x128xf32, #tpu.memory_space<vmem>>, vector<16xf32>,
        tpu.vector_store %arg12[%swap3A_184, %swap3A_185], %mul3A_183 {strides = array<i32>} : memref<80x128xf32, #tpu.memory_space<vmem>>, vector<16xf32>,
        %get3A_187 = arith.index_cast %scan3A_170 : i32 to index
        %get3A_188 = arith.constant 32 : index
        %get3A_189 = tpu.vector_load %arg12[%get3A_187, %get3A_188] {strides = array<i32>} : memref<80x128xf32, #tpu.memory_space<vmem>>, vector<16xf32>,
        %mul3A_190 = arith.mulf %get3A_189, %gather3A_172 : vector<16xf32>
        %swap3A_191 = arith.index_cast %scan3A_170 : i32 to index
        %swap3A_192 = arith.constant 32 : index
        %swap3A_193 = tpu.vector_load %arg12[%swap3A_191, %swap3A_192] {strides = array<i32>} : memref<80x128xf32, #tpu.memory_space<vmem>>, vector<16xf32>,
        tpu.vector_store %arg12[%swap3A_191, %swap3A_192], %mul3A_190 {strides = array<i32>} : memref<80x128xf32, #tpu.memory_space<vmem>>, vector<16xf32>,
        %get3A_194 = arith.index_cast %scan3A_170 : i32 to index
        %get3A_195 = arith.constant 48 : index
        %get3A_196 = tpu.vector_load %arg12[%get3A_194, %get3A_195] {strides = array<i32>} : memref<80x128xf32, #tpu.memory_space<vmem>>, vector<16xf32>,
        %mul3A_197 = arith.mulf %get3A_196, %gather3A_172 : vector<16xf32>
        %swap3A_198 = arith.index_cast %scan3A_170 : i32 to index
        %swap3A_199 = arith.constant 48 : index
        %swap3A_200 = tpu.vector_load %arg12[%swap3A_198, %swap3A_199] {strides = array<i32>} : memref<80x128xf32, #tpu.memory_space<vmem>>, vector<16xf32>,
        tpu.vector_store %arg12[%swap3A_198, %swap3A_199], %mul3A_197 {strides = array<i32>} : memref<80x128xf32, #tpu.memory_space<vmem>>, vector<16xf32>,
        %get3A_201 = arith.index_cast %scan3A_170 : i32 to index
        %get3A_202 = arith.constant 64 : index
        %get3A_203 = tpu.vector_load %arg12[%get3A_201, %get3A_202] {strides = array<i32>} : memref<80x128xf32, #tpu.memory_space<vmem>>, vector<16xf32>,
        %mul3A_204 = arith.mulf %get3A_203, %gather3A_172 : vector<16xf32>
        %swap3A_205 = arith.index_cast %scan3A_170 : i32 to index
        %swap3A_206 = arith.constant 64 : index
        %swap3A_207 = tpu.vector_load %arg12[%swap3A_205, %swap3A_206] {strides = array<i32>} : memref<80x128xf32, #tpu.memory_space<vmem>>, vector<16xf32>,
        tpu.vector_store %arg12[%swap3A_205, %swap3A_206], %mul3A_204 {strides = array<i32>} : memref<80x128xf32, #tpu.memory_space<vmem>>, vector<16xf32>,
        %get3A_208 = arith.index_cast %scan3A_170 : i32 to index
        %get3A_209 = arith.constant 80 : index
        %get3A_210 = tpu.vector_load %arg12[%get3A_208, %get3A_209] {strides = array<i32>} : memref<80x128xf32, #tpu.memory_space<vmem>>, vector<16xf32>,
        %mul3A_211 = arith.mulf %get3A_210, %gather3A_172 : vector<16xf32>
        %swap3A_212 = arith.index_cast %scan3A_170 : i32 to index
        %swap3A_213 = arith.constant 80 : index
        %swap3A_214 = tpu.vector_load %arg12[%swap3A_212, %swap3A_213] {strides = array<i32>} : memref<80x128xf32, #tpu.memory_space<vmem>>, vector<16xf32>,
        tpu.vector_store %arg12[%swap3A_212, %swap3A_213], %mul3A_211 {strides = array<i32>} : memref<80x128xf32, #tpu.memory_space<vmem>>, vector<16xf32>,
        %get3A_215 = arith.index_cast %scan3A_170 : i32 to index
        %get3A_216 = arith.constant 96 : index
        %get3A_217 = tpu.vector_load %arg12[%get3A_215, %get3A_216] {strides = array<i32>} : memref<80x128xf32, #tpu.memory_space<vmem>>, vector<16xf32>,
        %mul3A_218 = arith.mulf %get3A_217, %gather3A_172 : vector<16xf32>
        %swap3A_219 = arith.index_cast %scan3A_170 : i32 to index
        %swap3A_220 = arith.constant 96 : index
        %swap3A_221 = tpu.vector_load %arg12[%swap3A_219, %swap3A_220] {strides = array<i32>} : memref<80x128xf32, #tpu.memory_space<vmem>>, vector<16xf32>,
        tpu.vector_store %arg12[%swap3A_219, %swap3A_220], %mul3A_218 {strides = array<i32>} : memref<80x128xf32, #tpu.memory_space<vmem>>, vector<16xf32>,
        %get3A_222 = arith.index_cast %scan3A_170 : i32 to index
        %get3A_223 = arith.constant 112 : index
        %get3A_224 = tpu.vector_load %arg12[%get3A_222, %get3A_223] {strides = array<i32>} : memref<80x128xf32, #tpu.memory_space<vmem>>, vector<16xf32>,
        %mul3A_225 = arith.mulf %get3A_224, %gather3A_172 : vector<16xf32>
        %swap3A_226 = arith.index_cast %scan3A_170 : i32 to index
        %swap3A_227 = arith.constant 112 : index
        %swap3A_228 = tpu.vector_load %arg12[%swap3A_226, %swap3A_227] {strides = array<i32>} : memref<80x128xf32, #tpu.memory_space<vmem>>, vector<16xf32>,
        tpu.vector_store %arg12[%swap3A_226, %swap3A_227], %mul3A_225 {strides = array<i32>} : memref<80x128xf32, #tpu.memory_space<vmem>>, vector<16xf32>,
        %scan3A_229 = arith.constant 2 : i32
        %scan3A_230 = arith.addi %scan3A_112, %scan3A_229 : i32
        %broadcast_in_dim3A_231 = vector.broadcast %scan3A_230 : i32 to vector<16xi32>
        %gather3A_232 = tpu.vector_load_idx %arg17[%broadcast_in_dim3A_231] : memref<80xf32, #tpu.memory_space<vmem>>[vector<16xi32>], vector<16xf32>,
        %get3A_233 = arith.index_cast %scan3A_230 : i32 to index
        %get3A_234 = arith.constant 0 : index
        %get3A_235 = tpu.vector_load %arg12[%get3A_233, %get3A_234] {strides = array<i32>} : memref<80x128xf32, #tpu.memory_space<vmem>>, vector<16xf32>,
        %mul3A_236 = arith.mulf %get3A_235, %gather3A_232 : vector<16xf32>
        %swap3A_237 = arith.index_cast %scan3A_230 : i32 to index
        %swap3A_238 = arith.constant 0 : index
        %swap3A_239 = tpu.vector_load %arg12[%swap3A_237, %swap3A_238] {strides = array<i32>} : memref<80x128xf32, #tpu.memory_space<vmem>>, vector<16xf32>,
        tpu.vector_store %arg12[%swap3A_237, %swap3A_238], %mul3A_236 {strides = array<i32>} : memref<80x128xf32, #tpu.memory_space<vmem>>, vector<16xf32>,
        %get3A_240 = arith.index_cast %scan3A_230 : i32 to index
        %get3A_241 = arith.constant 16 : index
        %get3A_242 = tpu.vector_load %arg12[%get3A_240, %get3A_241] {strides = array<i32>} : memref<80x128xf32, #tpu.memory_space<vmem>>, vector<16xf32>,
        %mul3A_243 = arith.mulf %get3A_242, %gather3A_232 : vector<16xf32>
        %swap3A_244 = arith.index_cast %scan3A_230 : i32 to index
        %swap3A_245 = arith.constant 16 : index
        %swap3A_246 = tpu.vector_load %arg12[%swap3A_244, %swap3A_245] {strides = array<i32>} : memref<80x128xf32, #tpu.memory_space<vmem>>, vector<16xf32>,
        tpu.vector_store %arg12[%swap3A_244, %swap3A_245], %mul3A_243 {strides = array<i32>} : memref<80x128xf32, #tpu.memory_space<vmem>>, vector<16xf32>,
        %get3A_247 = arith.index_cast %scan3A_230 : i32 to index
        %get3A_248 = arith.constant 32 : index
        %get3A_249 = tpu.vector_load %arg12[%get3A_247, %get3A_248] {strides = array<i32>} : memref<80x128xf32, #tpu.memory_space<vmem>>, vector<16xf32>,
        %mul3A_250 = arith.mulf %get3A_249, %gather3A_232 : vector<16xf32>
        %swap3A_251 = arith.index_cast %scan3A_230 : i32 to index
        %swap3A_252 = arith.constant 32 : index
        %swap3A_253 = tpu.vector_load %arg12[%swap3A_251, %swap3A_252] {strides = array<i32>} : memref<80x128xf32, #tpu.memory_space<vmem>>, vector<16xf32>,
        tpu.vector_store %arg12[%swap3A_251, %swap3A_252], %mul3A_250 {strides = array<i32>} : memref<80x128xf32, #tpu.memory_space<vmem>>, vector<16xf32>,
        %get3A_254 = arith.index_cast %scan3A_230 : i32 to index
        %get3A_255 = arith.constant 48 : index
        %get3A_256 = tpu.vector_load %arg12[%get3A_254, %get3A_255] {strides = array<i32>} : memref<80x128xf32, #tpu.memory_space<vmem>>, vector<16xf32>,
        %mul3A_257 = arith.mulf %get3A_256, %gather3A_232 : vector<16xf32>
        %swap3A_258 = arith.index_cast %scan3A_230 : i32 to index
        %swap3A_259 = arith.constant 48 : index
        %swap3A_260 = tpu.vector_load %arg12[%swap3A_258, %swap3A_259] {strides = array<i32>} : memref<80x128xf32, #tpu.memory_space<vmem>>, vector<16xf32>,
        tpu.vector_store %arg12[%swap3A_258, %swap3A_259], %mul3A_257 {strides = array<i32>} : memref<80x128xf32, #tpu.memory_space<vmem>>, vector<16xf32>,
        %get3A_261 = arith.index_cast %scan3A_230 : i32 to index
        %get3A_262 = arith.constant 64 : index
        %get3A_263 = tpu.vector_load %arg12[%get3A_261, %get3A_262] {strides = array<i32>} : memref<80x128xf32, #tpu.memory_space<vmem>>, vector<16xf32>,
        %mul3A_264 = arith.mulf %get3A_263, %gather3A_232 : vector<16xf32>
        %swap3A_265 = arith.index_cast %scan3A_230 : i32 to index
        %swap3A_266 = arith.constant 64 : index
        %swap3A_267 = tpu.vector_load %arg12[%swap3A_265, %swap3A_266] {strides = array<i32>} : memref<80x128xf32, #tpu.memory_space<vmem>>, vector<16xf32>,
        tpu.vector_store %arg12[%swap3A_265, %swap3A_266], %mul3A_264 {strides = array<i32>} : memref<80x128xf32, #tpu.memory_space<vmem>>, vector<16xf32>,
        %get3A_268 = arith.index_cast %scan3A_230 : i32 to index
        %get3A_269 = arith.constant 80 : index
        %get3A_270 = tpu.vector_load %arg12[%get3A_268, %get3A_269] {strides = array<i32>} : memref<80x128xf32, #tpu.memory_space<vmem>>, vector<16xf32>,
        %mul3A_271 = arith.mulf %get3A_270, %gather3A_232 : vector<16xf32>
        %swap3A_272 = arith.index_cast %scan3A_230 : i32 to index
        %swap3A_273 = arith.constant 80 : index
        %swap3A_274 = tpu.vector_load %arg12[%swap3A_272, %swap3A_273] {strides = array<i32>} : memref<80x128xf32, #tpu.memory_space<vmem>>, vector<16xf32>,
        tpu.vector_store %arg12[%swap3A_272, %swap3A_273], %mul3A_271 {strides = array<i32>} : memref<80x128xf32, #tpu.memory_space<vmem>>, vector<16xf32>,
        %get3A_275 = arith.index_cast %scan3A_230 : i32 to index
        %get3A_276 = arith.constant 96 : index
        %get3A_277 = tpu.vector_load %arg12[%get3A_275, %get3A_276] {strides = array<i32>} : memref<80x128xf32, #tpu.memory_space<vmem>>, vector<16xf32>,
        %mul3A_278 = arith.mulf %get3A_277, %gather3A_232 : vector<16xf32>
        %swap3A_279 = arith.index_cast %scan3A_230 : i32 to index
        %swap3A_280 = arith.constant 96 : index
        %swap3A_281 = tpu.vector_load %arg12[%swap3A_279, %swap3A_280] {strides = array<i32>} : memref<80x128xf32, #tpu.memory_space<vmem>>, vector<16xf32>,
        tpu.vector_store %arg12[%swap3A_279, %swap3A_280], %mul3A_278 {strides = array<i32>} : memref<80x128xf32, #tpu.memory_space<vmem>>, vector<16xf32>,
        %get3A_282 = arith.index_cast %scan3A_230 : i32 to index
        %get3A_283 = arith.constant 112 : index
        %get3A_284 = tpu.vector_load %arg12[%get3A_282, %get3A_283] {strides = array<i32>} : memref<80x128xf32, #tpu.memory_space<vmem>>, vector<16xf32>,
        %mul3A_285 = arith.mulf %get3A_284, %gather3A_232 : vector<16xf32>
        %swap3A_286 = arith.index_cast %scan3A_230 : i32 to index
        %swap3A_287 = arith.constant 112 : index
        %swap3A_288 = tpu.vector_load %arg12[%swap3A_286, %swap3A_287] {strides = array<i32>} : memref<80x128xf32, #tpu.memory_space<vmem>>, vector<16xf32>,
        tpu.vector_store %arg12[%swap3A_286, %swap3A_287], %mul3A_285 {strides = array<i32>} : memref<80x128xf32, #tpu.memory_space<vmem>>, vector<16xf32>,
        %scan3A_289 = arith.constant 3 : i32
        %scan3A_290 = arith.addi %scan3A_112, %scan3A_289 : i32
        %broadcast_in_dim3A_291 = vector.broadcast %scan3A_290 : i32 to vector<16xi32>
        %gather3A_292 = tpu.vector_load_idx %arg17[%broadcast_in_dim3A_291] : memref<80xf32, #tpu.memory_space<vmem>>[vector<16xi32>], vector<16xf32>,
        %get3A_293 = arith.index_cast %scan3A_290 : i32 to index
        %get3A_294 = arith.constant 0 : index
        %get3A_295 = tpu.vector_load %arg12[%get3A_293, %get3A_294] {strides = array<i32>} : memref<80x128xf32, #tpu.memory_space<vmem>>, vector<16xf32>,
        %mul3A_296 = arith.mulf %get3A_295, %gather3A_292 : vector<16xf32>
        %swap3A_297 = arith.index_cast %scan3A_290 : i32 to index
        %swap3A_298 = arith.constant 0 : index
        %swap3A_299 = tpu.vector_load %arg12[%swap3A_297, %swap3A_298] {strides = array<i32>} : memref<80x128xf32, #tpu.memory_space<vmem>>, vector<16xf32>,
        tpu.vector_store %arg12[%swap3A_297, %swap3A_298], %mul3A_296 {strides = array<i32>} : memref<80x128xf32, #tpu.memory_space<vmem>>, vector<16xf32>,
        %get3A_300 = arith.index_cast %scan3A_290 : i32 to index
        %get3A_301 = arith.constant 16 : index
        %get3A_302 = tpu.vector_load %arg12[%get3A_300, %get3A_301] {strides = array<i32>} : memref<80x128xf32, #tpu.memory_space<vmem>>, vector<16xf32>,
        %mul3A_303 = arith.mulf %get3A_302, %gather3A_292 : vector<16xf32>
        %swap3A_304 = arith.index_cast %scan3A_290 : i32 to index
        %swap3A_305 = arith.constant 16 : index
        %swap3A_306 = tpu.vector_load %arg12[%swap3A_304, %swap3A_305] {strides = array<i32>} : memref<80x128xf32, #tpu.memory_space<vmem>>, vector<16xf32>,
        tpu.vector_store %arg12[%swap3A_304, %swap3A_305], %mul3A_303 {strides = array<i32>} : memref<80x128xf32, #tpu.memory_space<vmem>>, vector<16xf32>,
        %get3A_307 = arith.index_cast %scan3A_290 : i32 to index
        %get3A_308 = arith.constant 32 : index
        %get3A_309 = tpu.vector_load %arg12[%get3A_307, %get3A_308] {strides = array<i32>} : memref<80x128xf32, #tpu.memory_space<vmem>>, vector<16xf32>,
        %mul3A_310 = arith.mulf %get3A_309, %gather3A_292 : vector<16xf32>
        %swap3A_311 = arith.index_cast %scan3A_290 : i32 to index
        %swap3A_312 = arith.constant 32 : index
        %swap3A_313 = tpu.vector_load %arg12[%swap3A_311, %swap3A_312] {strides = array<i32>} : memref<80x128xf32, #tpu.memory_space<vmem>>, vector<16xf32>,
        tpu.vector_store %arg12[%swap3A_311, %swap3A_312], %mul3A_310 {strides = array<i32>} : memref<80x128xf32, #tpu.memory_space<vmem>>, vector<16xf32>,
        %get3A_314 = arith.index_cast %scan3A_290 : i32 to index
        %get3A_315 = arith.constant 48 : index
        %get3A_316 = tpu.vector_load %arg12[%get3A_314, %get3A_315] {strides = array<i32>} : memref<80x128xf32, #tpu.memory_space<vmem>>, vector<16xf32>,
        %mul3A_317 = arith.mulf %get3A_316, %gather3A_292 : vector<16xf32>
        %swap3A_318 = arith.index_cast %scan3A_290 : i32 to index
        %swap3A_319 = arith.constant 48 : index
        %swap3A_320 = tpu.vector_load %arg12[%swap3A_318, %swap3A_319] {strides = array<i32>} : memref<80x128xf32, #tpu.memory_space<vmem>>, vector<16xf32>,
        tpu.vector_store %arg12[%swap3A_318, %swap3A_319], %mul3A_317 {strides = array<i32>} : memref<80x128xf32, #tpu.memory_space<vmem>>, vector<16xf32>,
        %get3A_321 = arith.index_cast %scan3A_290 : i32 to index
        %get3A_322 = arith.constant 64 : index
        %get3A_323 = tpu.vector_load %arg12[%get3A_321, %get3A_322] {strides = array<i32>} : memref<80x128xf32, #tpu.memory_space<vmem>>, vector<16xf32>,
        %mul3A_324 = arith.mulf %get3A_323, %gather3A_292 : vector<16xf32>
        %swap3A_325 = arith.index_cast %scan3A_290 : i32 to index
        %swap3A_326 = arith.constant 64 : index
        %swap3A_327 = tpu.vector_load %arg12[%swap3A_325, %swap3A_326] {strides = array<i32>} : memref<80x128xf32, #tpu.memory_space<vmem>>, vector<16xf32>,
        tpu.vector_store %arg12[%swap3A_325, %swap3A_326], %mul3A_324 {strides = array<i32>} : memref<80x128xf32, #tpu.memory_space<vmem>>, vector<16xf32>,
        %get3A_328 = arith.index_cast %scan3A_290 : i32 to index
        %get3A_329 = arith.constant 80 : index
        %get3A_330 = tpu.vector_load %arg12[%get3A_328, %get3A_329] {strides = array<i32>} : memref<80x128xf32, #tpu.memory_space<vmem>>, vector<16xf32>,
        %mul3A_331 = arith.mulf %get3A_330, %gather3A_292 : vector<16xf32>
        %swap3A_332 = arith.index_cast %scan3A_290 : i32 to index
        %swap3A_333 = arith.constant 80 : index
        %swap3A_334 = tpu.vector_load %arg12[%swap3A_332, %swap3A_333] {strides = array<i32>} : memref<80x128xf32, #tpu.memory_space<vmem>>, vector<16xf32>,
        tpu.vector_store %arg12[%swap3A_332, %swap3A_333], %mul3A_331 {strides = array<i32>} : memref<80x128xf32, #tpu.memory_space<vmem>>, vector<16xf32>,
        %get3A_335 = arith.index_cast %scan3A_290 : i32 to index
        %get3A_336 = arith.constant 96 : index
        %get3A_337 = tpu.vector_load %arg12[%get3A_335, %get3A_336] {strides = array<i32>} : memref<80x128xf32, #tpu.memory_space<vmem>>, vector<16xf32>,
        %mul3A_338 = arith.mulf %get3A_337, %gather3A_292 : vector<16xf32>
        %swap3A_339 = arith.index_cast %scan3A_290 : i32 to index
        %swap3A_340 = arith.constant 96 : index
        %swap3A_341 = tpu.vector_load %arg12[%swap3A_339, %swap3A_340] {strides = array<i32>} : memref<80x128xf32, #tpu.memory_space<vmem>>, vector<16xf32>,
        tpu.vector_store %arg12[%swap3A_339, %swap3A_340], %mul3A_338 {strides = array<i32>} : memref<80x128xf32, #tpu.memory_space<vmem>>, vector<16xf32>,
        %get3A_342 = arith.index_cast %scan3A_290 : i32 to index
        %get3A_343 = arith.constant 112 : index
        %get3A_344 = tpu.vector_load %arg12[%get3A_342, %get3A_343] {strides = array<i32>} : memref<80x128xf32, #tpu.memory_space<vmem>>, vector<16xf32>,
        %mul3A_345 = arith.mulf %get3A_344, %gather3A_292 : vector<16xf32>
        %swap3A_346 = arith.index_cast %scan3A_290 : i32 to index
        %swap3A_347 = arith.constant 112 : index
        %swap3A_348 = tpu.vector_load %arg12[%swap3A_346, %swap3A_347] {strides = array<i32>} : memref<80x128xf32, #tpu.memory_space<vmem>>, vector<16xf32>,
        tpu.vector_store %arg12[%swap3A_346, %swap3A_347], %mul3A_345 {strides = array<i32>} : memref<80x128xf32, #tpu.memory_space<vmem>>, vector<16xf32>,
        %scan3A_349 = arith.constant 4 : i32
        %scan3A_350 = arith.addi %scan3A_112, %scan3A_349 : i32
        %broadcast_in_dim3A_351 = vector.broadcast %scan3A_350 : i32 to vector<16xi32>
        %gather3A_352 = tpu.vector_load_idx %arg17[%broadcast_in_dim3A_351] : memref<80xf32, #tpu.memory_space<vmem>>[vector<16xi32>], vector<16xf32>,
        %get3A_353 = arith.index_cast %scan3A_350 : i32 to index
        %get3A_354 = arith.constant 0 : index
        %get3A_355 = tpu.vector_load %arg12[%get3A_353, %get3A_354] {strides = array<i32>} : memref<80x128xf32, #tpu.memory_space<vmem>>, vector<16xf32>,
        %mul3A_356 = arith.mulf %get3A_355, %gather3A_352 : vector<16xf32>
        %swap3A_357 = arith.index_cast %scan3A_350 : i32 to index
        %swap3A_358 = arith.constant 0 : index
        %swap3A_359 = tpu.vector_load %arg12[%swap3A_357, %swap3A_358] {strides = array<i32>} : memref<80x128xf32, #tpu.memory_space<vmem>>, vector<16xf32>,
        tpu.vector_store %arg12[%swap3A_357, %swap3A_358], %mul3A_356 {strides = array<i32>} : memref<80x128xf32, #tpu.memory_space<vmem>>, vector<16xf32>,
        %get3A_360 = arith.index_cast %scan3A_350 : i32 to index
        %get3A_361 = arith.constant 16 : index
        %get3A_362 = tpu.vector_load %arg12[%get3A_360, %get3A_361] {strides = array<i32>} : memref<80x128xf32, #tpu.memory_space<vmem>>, vector<16xf32>,
        %mul3A_363 = arith.mulf %get3A_362, %gather3A_352 : vector<16xf32>
        %swap3A_364 = arith.index_cast %scan3A_350 : i32 to index
        %swap3A_365 = arith.constant 16 : index
        %swap3A_366 = tpu.vector_load %arg12[%swap3A_364, %swap3A_365] {strides = array<i32>} : memref<80x128xf32, #tpu.memory_space<vmem>>, vector<16xf32>,
        tpu.vector_store %arg12[%swap3A_364, %swap3A_365], %mul3A_363 {strides = array<i32>} : memref<80x128xf32, #tpu.memory_space<vmem>>, vector<16xf32>,
        %get3A_367 = arith.index_cast %scan3A_350 : i32 to index
        %get3A_368 = arith.constant 32 : index
        %get3A_369 = tpu.vector_load %arg12[%get3A_367, %get3A_368] {strides = array<i32>} : memref<80x128xf32, #tpu.memory_space<vmem>>, vector<16xf32>,
        %mul3A_370 = arith.mulf %get3A_369, %gather3A_352 : vector<16xf32>
        %swap3A_371 = arith.index_cast %scan3A_350 : i32 to index
        %swap3A_372 = arith.constant 32 : index
        %swap3A_373 = tpu.vector_load %arg12[%swap3A_371, %swap3A_372] {strides = array<i32>} : memref<80x128xf32, #tpu.memory_space<vmem>>, vector<16xf32>,
        tpu.vector_store %arg12[%swap3A_371, %swap3A_372], %mul3A_370 {strides = array<i32>} : memref<80x128xf32, #tpu.memory_space<vmem>>, vector<16xf32>,
        %get3A_374 = arith.index_cast %scan3A_350 : i32 to index
        %get3A_375 = arith.constant 48 : index
        %get3A_376 = tpu.vector_load %arg12[%get3A_374, %get3A_375] {strides = array<i32>} : memref<80x128xf32, #tpu.memory_space<vmem>>, vector<16xf32>,
        %mul3A_377 = arith.mulf %get3A_376, %gather3A_352 : vector<16xf32>
        %swap3A_378 = arith.index_cast %scan3A_350 : i32 to index
        %swap3A_379 = arith.constant 48 : index
        %swap3A_380 = tpu.vector_load %arg12[%swap3A_378, %swap3A_379] {strides = array<i32>} : memref<80x128xf32, #tpu.memory_space<vmem>>, vector<16xf32>,
        tpu.vector_store %arg12[%swap3A_378, %swap3A_379], %mul3A_377 {strides = array<i32>} : memref<80x128xf32, #tpu.memory_space<vmem>>, vector<16xf32>,
        %get3A_381 = arith.index_cast %scan3A_350 : i32 to index
        %get3A_382 = arith.constant 64 : index
        %get3A_383 = tpu.vector_load %arg12[%get3A_381, %get3A_382] {strides = array<i32>} : memref<80x128xf32, #tpu.memory_space<vmem>>, vector<16xf32>,
        %mul3A_384 = arith.mulf %get3A_383, %gather3A_352 : vector<16xf32>
        %swap3A_385 = arith.index_cast %scan3A_350 : i32 to index
        %swap3A_386 = arith.constant 64 : index
        %swap3A_387 = tpu.vector_load %arg12[%swap3A_385, %swap3A_386] {strides = array<i32>} : memref<80x128xf32, #tpu.memory_space<vmem>>, vector<16xf32>,
        tpu.vector_store %arg12[%swap3A_385, %swap3A_386], %mul3A_384 {strides = array<i32>} : memref<80x128xf32, #tpu.memory_space<vmem>>, vector<16xf32>,
        %get3A_388 = arith.index_cast %scan3A_350 : i32 to index
        %get3A_389 = arith.constant 80 : index
        %get3A_390 = tpu.vector_load %arg12[%get3A_388, %get3A_389] {strides = array<i32>} : memref<80x128xf32, #tpu.memory_space<vmem>>, vector<16xf32>,
        %mul3A_391 = arith.mulf %get3A_390, %gather3A_352 : vector<16xf32>
        %swap3A_392 = arith.index_cast %scan3A_350 : i32 to index
        %swap3A_393 = arith.constant 80 : index
        %swap3A_394 = tpu.vector_load %arg12[%swap3A_392, %swap3A_393] {strides = array<i32>} : memref<80x128xf32, #tpu.memory_space<vmem>>, vector<16xf32>,
        tpu.vector_store %arg12[%swap3A_392, %swap3A_393], %mul3A_391 {strides = array<i32>} : memref<80x128xf32, #tpu.memory_space<vmem>>, vector<16xf32>,
        %get3A_395 = arith.index_cast %scan3A_350 : i32 to index
        %get3A_396 = arith.constant 96 : index
        %get3A_397 = tpu.vector_load %arg12[%get3A_395, %get3A_396] {strides = array<i32>} : memref<80x128xf32, #tpu.memory_space<vmem>>, vector<16xf32>,
        %mul3A_398 = arith.mulf %get3A_397, %gather3A_352 : vector<16xf32>
        %swap3A_399 = arith.index_cast %scan3A_350 : i32 to index
        %swap3A_400 = arith.constant 96 : index
        %swap3A_401 = tpu.vector_load %arg12[%swap3A_399, %swap3A_400] {strides = array<i32>} : memref<80x128xf32, #tpu.memory_space<vmem>>, vector<16xf32>,
        tpu.vector_store %arg12[%swap3A_399, %swap3A_400], %mul3A_398 {strides = array<i32>} : memref<80x128xf32, #tpu.memory_space<vmem>>, vector<16xf32>,
        %get3A_402 = arith.index_cast %scan3A_350 : i32 to index
        %get3A_403 = arith.constant 112 : index
        %get3A_404 = tpu.vector_load %arg12[%get3A_402, %get3A_403] {strides = array<i32>} : memref<80x128xf32, #tpu.memory_space<vmem>>, vector<16xf32>,
        %mul3A_405 = arith.mulf %get3A_404, %gather3A_352 : vector<16xf32>
        %swap3A_406 = arith.index_cast %scan3A_350 : i32 to index
        %swap3A_407 = arith.constant 112 : index
        %swap3A_408 = tpu.vector_load %arg12[%swap3A_406, %swap3A_407] {strides = array<i32>} : memref<80x128xf32, #tpu.memory_space<vmem>>, vector<16xf32>,
        tpu.vector_store %arg12[%swap3A_406, %swap3A_407], %mul3A_405 {strides = array<i32>} : memref<80x128xf32, #tpu.memory_space<vmem>>, vector<16xf32>,
        %scan3A_409 = arith.constant 5 : i32
        %scan3A_410 = arith.addi %scan3A_112, %scan3A_409 : i32
        %broadcast_in_dim3A_411 = vector.broadcast %scan3A_410 : i32 to vector<16xi32>
        %gather3A_412 = tpu.vector_load_idx %arg17[%broadcast_in_dim3A_411] : memref<80xf32, #tpu.memory_space<vmem>>[vector<16xi32>], vector<16xf32>,
        %get3A_413 = arith.index_cast %scan3A_410 : i32 to index
        %get3A_414 = arith.constant 0 : index
        %get3A_415 = tpu.vector_load %arg12[%get3A_413, %get3A_414] {strides = array<i32>} : memref<80x128xf32, #tpu.memory_space<vmem>>, vector<16xf32>,
        %mul3A_416 = arith.mulf %get3A_415, %gather3A_412 : vector<16xf32>
        %swap3A_417 = arith.index_cast %scan3A_410 : i32 to index
        %swap3A_418 = arith.constant 0 : index
        %swap3A_419 = tpu.vector_load %arg12[%swap3A_417, %swap3A_418] {strides = array<i32>} : memref<80x128xf32, #tpu.memory_space<vmem>>, vector<16xf32>,
        tpu.vector_store %arg12[%swap3A_417, %swap3A_418], %mul3A_416 {strides = array<i32>} : memref<80x128xf32, #tpu.memory_space<vmem>>, vector<16xf32>,
        %get3A_420 = arith.index_cast %scan3A_410 : i32 to index
        %get3A_421 = arith.constant 16 : index
        %get3A_422 = tpu.vector_load %arg12[%get3A_420, %get3A_421] {strides = array<i32>} : memref<80x128xf32, #tpu.memory_space<vmem>>, vector<16xf32>,
        %mul3A_423 = arith.mulf %get3A_422, %gather3A_412 : vector<16xf32>
        %swap3A_424 = arith.index_cast %scan3A_410 : i32 to index
        %swap3A_425 = arith.constant 16 : index
        %swap3A_426 = tpu.vector_load %arg12[%swap3A_424, %swap3A_425] {strides = array<i32>} : memref<80x128xf32, #tpu.memory_space<vmem>>, vector<16xf32>,
        tpu.vector_store %arg12[%swap3A_424, %swap3A_425], %mul3A_423 {strides = array<i32>} : memref<80x128xf32, #tpu.memory_space<vmem>>, vector<16xf32>,
        %get3A_427 = arith.index_cast %scan3A_410 : i32 to index
        %get3A_428 = arith.constant 32 : index
        %get3A_429 = tpu.vector_load %arg12[%get3A_427, %get3A_428] {strides = array<i32>} : memref<80x128xf32, #tpu.memory_space<vmem>>, vector<16xf32>,
        %mul3A_430 = arith.mulf %get3A_429, %gather3A_412 : vector<16xf32>
        %swap3A_431 = arith.index_cast %scan3A_410 : i32 to index
        %swap3A_432 = arith.constant 32 : index
        %swap3A_433 = tpu.vector_load %arg12[%swap3A_431, %swap3A_432] {strides = array<i32>} : memref<80x128xf32, #tpu.memory_space<vmem>>, vector<16xf32>,
        tpu.vector_store %arg12[%swap3A_431, %swap3A_432], %mul3A_430 {strides = array<i32>} : memref<80x128xf32, #tpu.memory_space<vmem>>, vector<16xf32>,
        %get3A_434 = arith.index_cast %scan3A_410 : i32 to index
        %get3A_435 = arith.constant 48 : index
        %get3A_436 = tpu.vector_load %arg12[%get3A_434, %get3A_435] {strides = array<i32>} : memref<80x128xf32, #tpu.memory_space<vmem>>, vector<16xf32>,
        %mul3A_437 = arith.mulf %get3A_436, %gather3A_412 : vector<16xf32>
        %swap3A_438 = arith.index_cast %scan3A_410 : i32 to index
        %swap3A_439 = arith.constant 48 : index
        %swap3A_440 = tpu.vector_load %arg12[%swap3A_438, %swap3A_439] {strides = array<i32>} : memref<80x128xf32, #tpu.memory_space<vmem>>, vector<16xf32>,
        tpu.vector_store %arg12[%swap3A_438, %swap3A_439], %mul3A_437 {strides = array<i32>} : memref<80x128xf32, #tpu.memory_space<vmem>>, vector<16xf32>,
        %get3A_441 = arith.index_cast %scan3A_410 : i32 to index
        %get3A_442 = arith.constant 64 : index
        %get3A_443 = tpu.vector_load %arg12[%get3A_441, %get3A_442] {strides = array<i32>} : memref<80x128xf32, #tpu.memory_space<vmem>>, vector<16xf32>,
        %mul3A_444 = arith.mulf %get3A_443, %gather3A_412 : vector<16xf32>
        %swap3A_445 = arith.index_cast %scan3A_410 : i32 to index
        %swap3A_446 = arith.constant 64 : index
        %swap3A_447 = tpu.vector_load %arg12[%swap3A_445, %swap3A_446] {strides = array<i32>} : memref<80x128xf32, #tpu.memory_space<vmem>>, vector<16xf32>,
        tpu.vector_store %arg12[%swap3A_445, %swap3A_446], %mul3A_444 {strides = array<i32>} : memref<80x128xf32, #tpu.memory_space<vmem>>, vector<16xf32>,
        %get3A_448 = arith.index_cast %scan3A_410 : i32 to index
        %get3A_449 = arith.constant 80 : index
        %get3A_450 = tpu.vector_load %arg12[%get3A_448, %get3A_449] {strides = array<i32>} : memref<80x128xf32, #tpu.memory_space<vmem>>, vector<16xf32>,
        %mul3A_451 = arith.mulf %get3A_450, %gather3A_412 : vector<16xf32>
        %swap3A_452 = arith.index_cast %scan3A_410 : i32 to index
        %swap3A_453 = arith.constant 80 : index
        %swap3A_454 = tpu.vector_load %arg12[%swap3A_452, %swap3A_453] {strides = array<i32>} : memref<80x128xf32, #tpu.memory_space<vmem>>, vector<16xf32>,
        tpu.vector_store %arg12[%swap3A_452, %swap3A_453], %mul3A_451 {strides = array<i32>} : memref<80x128xf32, #tpu.memory_space<vmem>>, vector<16xf32>,
        %get3A_455 = arith.index_cast %scan3A_410 : i32 to index
        %get3A_456 = arith.constant 96 : index
        %get3A_457 = tpu.vector_load %arg12[%get3A_455, %get3A_456] {strides = array<i32>} : memref<80x128xf32, #tpu.memory_space<vmem>>, vector<16xf32>,
        %mul3A_458 = arith.mulf %get3A_457, %gather3A_412 : vector<16xf32>
        %swap3A_459 = arith.index_cast %scan3A_410 : i32 to index
        %swap3A_460 = arith.constant 96 : index
        %swap3A_461 = tpu.vector_load %arg12[%swap3A_459, %swap3A_460] {strides = array<i32>} : memref<80x128xf32, #tpu.memory_space<vmem>>, vector<16xf32>,
        tpu.vector_store %arg12[%swap3A_459, %swap3A_460], %mul3A_458 {strides = array<i32>} : memref<80x128xf32, #tpu.memory_space<vmem>>, vector<16xf32>,
        %get3A_462 = arith.index_cast %scan3A_410 : i32 to index
        %get3A_463 = arith.constant 112 : index
        %get3A_464 = tpu.vector_load %arg12[%get3A_462, %get3A_463] {strides = array<i32>} : memref<80x128xf32, #tpu.memory_space<vmem>>, vector<16xf32>,
        %mul3A_465 = arith.mulf %get3A_464, %gather3A_412 : vector<16xf32>
        %swap3A_466 = arith.index_cast %scan3A_410 : i32 to index
        %swap3A_467 = arith.constant 112 : index
        %swap3A_468 = tpu.vector_load %arg12[%swap3A_466, %swap3A_467] {strides = array<i32>} : memref<80x128xf32, #tpu.memory_space<vmem>>, vector<16xf32>,
        tpu.vector_store %arg12[%swap3A_466, %swap3A_467], %mul3A_465 {strides = array<i32>} : memref<80x128xf32, #tpu.memory_space<vmem>>, vector<16xf32>,
        %scan3A_469 = arith.constant 6 : i32
        %scan3A_470 = arith.addi %scan3A_112, %scan3A_469 : i32
        %broadcast_in_dim3A_471 = vector.broadcast %scan3A_470 : i32 to vector<16xi32>
        %gather3A_472 = tpu.vector_load_idx %arg17[%broadcast_in_dim3A_471] : memref<80xf32, #tpu.memory_space<vmem>>[vector<16xi32>], vector<16xf32>,
        %get3A_473 = arith.index_cast %scan3A_470 : i32 to index
        %get3A_474 = arith.constant 0 : index
        %get3A_475 = tpu.vector_load %arg12[%get3A_473, %get3A_474] {strides = array<i32>} : memref<80x128xf32, #tpu.memory_space<vmem>>, vector<16xf32>,
        %mul3A_476 = arith.mulf %get3A_475, %gather3A_472 : vector<16xf32>
        %swap3A_477 = arith.index_cast %scan3A_470 : i32 to index
        %swap3A_478 = arith.constant 0 : index
        %swap3A_479 = tpu.vector_load %arg12[%swap3A_477, %swap3A_478] {strides = array<i32>} : memref<80x128xf32, #tpu.memory_space<vmem>>, vector<16xf32>,
        tpu.vector_store %arg12[%swap3A_477, %swap3A_478], %mul3A_476 {strides = array<i32>} : memref<80x128xf32, #tpu.memory_space<vmem>>, vector<16xf32>,
        %get3A_480 = arith.index_cast %scan3A_470 : i32 to index
        %get3A_481 = arith.constant 16 : index
        %get3A_482 = tpu.vector_load %arg12[%get3A_480, %get3A_481] {strides = array<i32>} : memref<80x128xf32, #tpu.memory_space<vmem>>, vector<16xf32>,
        %mul3A_483 = arith.mulf %get3A_482, %gather3A_472 : vector<16xf32>
        %swap3A_484 = arith.index_cast %scan3A_470 : i32 to index
        %swap3A_485 = arith.constant 16 : index
        %swap3A_486 = tpu.vector_load %arg12[%swap3A_484, %swap3A_485] {strides = array<i32>} : memref<80x128xf32, #tpu.memory_space<vmem>>, vector<16xf32>,
        tpu.vector_store %arg12[%swap3A_484, %swap3A_485], %mul3A_483 {strides = array<i32>} : memref<80x128xf32, #tpu.memory_space<vmem>>, vector<16xf32>,
        %get3A_487 = arith.index_cast %scan3A_470 : i32 to index
        %get3A_488 = arith.constant 32 : index
        %get3A_489 = tpu.vector_load %arg12[%get3A_487, %get3A_488] {strides = array<i32>} : memref<80x128xf32, #tpu.memory_space<vmem>>, vector<16xf32>,
        %mul3A_490 = arith.mulf %get3A_489, %gather3A_472 : vector<16xf32>
        %swap3A_491 = arith.index_cast %scan3A_470 : i32 to index
        %swap3A_492 = arith.constant 32 : index
        %swap3A_493 = tpu.vector_load %arg12[%swap3A_491, %swap3A_492] {strides = array<i32>} : memref<80x128xf32, #tpu.memory_space<vmem>>, vector<16xf32>,
        tpu.vector_store %arg12[%swap3A_491, %swap3A_492], %mul3A_490 {strides = array<i32>} : memref<80x128xf32, #tpu.memory_space<vmem>>, vector<16xf32>,
        %get3A_494 = arith.index_cast %scan3A_470 : i32 to index
        %get3A_495 = arith.constant 48 : index
        %get3A_496 = tpu.vector_load %arg12[%get3A_494, %get3A_495] {strides = array<i32>} : memref<80x128xf32, #tpu.memory_space<vmem>>, vector<16xf32>,
        %mul3A_497 = arith.mulf %get3A_496, %gather3A_472 : vector<16xf32>
        %swap3A_498 = arith.index_cast %scan3A_470 : i32 to index
        %swap3A_499 = arith.constant 48 : index
        %swap3A_500 = tpu.vector_load %arg12[%swap3A_498, %swap3A_499] {strides = array<i32>} : memref<80x128xf32, #tpu.memory_space<vmem>>, vector<16xf32>,
        tpu.vector_store %arg12[%swap3A_498, %swap3A_499], %mul3A_497 {strides = array<i32>} : memref<80x128xf32, #tpu.memory_space<vmem>>, vector<16xf32>,
        %get3A_501 = arith.index_cast %scan3A_470 : i32 to index
        %get3A_502 = arith.constant 64 : index
        %get3A_503 = tpu.vector_load %arg12[%get3A_501, %get3A_502] {strides = array<i32>} : memref<80x128xf32, #tpu.memory_space<vmem>>, vector<16xf32>,
        %mul3A_504 = arith.mulf %get3A_503, %gather3A_472 : vector<16xf32>
        %swap3A_505 = arith.index_cast %scan3A_470 : i32 to index
        %swap3A_506 = arith.constant 64 : index
        %swap3A_507 = tpu.vector_load %arg12[%swap3A_505, %swap3A_506] {strides = array<i32>} : memref<80x128xf32, #tpu.memory_space<vmem>>, vector<16xf32>,
        tpu.vector_store %arg12[%swap3A_505, %swap3A_506], %mul3A_504 {strides = array<i32>} : memref<80x128xf32, #tpu.memory_space<vmem>>, vector<16xf32>,
        %get3A_508 = arith.index_cast %scan3A_470 : i32 to index
        %get3A_509 = arith.constant 80 : index
        %get3A_510 = tpu.vector_load %arg12[%get3A_508, %get3A_509] {strides = array<i32>} : memref<80x128xf32, #tpu.memory_space<vmem>>, vector<16xf32>,
        %mul3A_511 = arith.mulf %get3A_510, %gather3A_472 : vector<16xf32>
        %swap3A_512 = arith.index_cast %scan3A_470 : i32 to index
        %swap3A_513 = arith.constant 80 : index
        %swap3A_514 = tpu.vector_load %arg12[%swap3A_512, %swap3A_513] {strides = array<i32>} : memref<80x128xf32, #tpu.memory_space<vmem>>, vector<16xf32>,
        tpu.vector_store %arg12[%swap3A_512, %swap3A_513], %mul3A_511 {strides = array<i32>} : memref<80x128xf32, #tpu.memory_space<vmem>>, vector<16xf32>,
        %get3A_515 = arith.index_cast %scan3A_470 : i32 to index
        %get3A_516 = arith.constant 96 : index
        %get3A_517 = tpu.vector_load %arg12[%get3A_515, %get3A_516] {strides = array<i32>} : memref<80x128xf32, #tpu.memory_space<vmem>>, vector<16xf32>,
        %mul3A_518 = arith.mulf %get3A_517, %gather3A_472 : vector<16xf32>
        %swap3A_519 = arith.index_cast %scan3A_470 : i32 to index
        %swap3A_520 = arith.constant 96 : index
        %swap3A_521 = tpu.vector_load %arg12[%swap3A_519, %swap3A_520] {strides = array<i32>} : memref<80x128xf32, #tpu.memory_space<vmem>>, vector<16xf32>,
        tpu.vector_store %arg12[%swap3A_519, %swap3A_520], %mul3A_518 {strides = array<i32>} : memref<80x128xf32, #tpu.memory_space<vmem>>, vector<16xf32>,
        %get3A_522 = arith.index_cast %scan3A_470 : i32 to index
        %get3A_523 = arith.constant 112 : index
        %get3A_524 = tpu.vector_load %arg12[%get3A_522, %get3A_523] {strides = array<i32>} : memref<80x128xf32, #tpu.memory_space<vmem>>, vector<16xf32>,
        %mul3A_525 = arith.mulf %get3A_524, %gather3A_472 : vector<16xf32>
        %swap3A_526 = arith.index_cast %scan3A_470 : i32 to index
        %swap3A_527 = arith.constant 112 : index
        %swap3A_528 = tpu.vector_load %arg12[%swap3A_526, %swap3A_527] {strides = array<i32>} : memref<80x128xf32, #tpu.memory_space<vmem>>, vector<16xf32>,
        tpu.vector_store %arg12[%swap3A_526, %swap3A_527], %mul3A_525 {strides = array<i32>} : memref<80x128xf32, #tpu.memory_space<vmem>>, vector<16xf32>,
        %scan3A_529 = arith.constant 7 : i32
        %scan3A_530 = arith.addi %scan3A_112, %scan3A_529 : i32
        %broadcast_in_dim3A_531 = vector.broadcast %scan3A_530 : i32 to vector<16xi32>
        %gather3A_532 = tpu.vector_load_idx %arg17[%broadcast_in_dim3A_531] : memref<80xf32, #tpu.memory_space<vmem>>[vector<16xi32>], vector<16xf32>,
        %get3A_533 = arith.index_cast %scan3A_530 : i32 to index
        %get3A_534 = arith.constant 0 : index
        %get3A_535 = tpu.vector_load %arg12[%get3A_533, %get3A_534] {strides = array<i32>} : memref<80x128xf32, #tpu.memory_space<vmem>>, vector<16xf32>,
        %mul3A_536 = arith.mulf %get3A_535, %gather3A_532 : vector<16xf32>
        %swap3A_537 = arith.index_cast %scan3A_530 : i32 to index
        %swap3A_538 = arith.constant 0 : index
        %swap3A_539 = tpu.vector_load %arg12[%swap3A_537, %swap3A_538] {strides = array<i32>} : memref<80x128xf32, #tpu.memory_space<vmem>>, vector<16xf32>,
        tpu.vector_store %arg12[%swap3A_537, %swap3A_538], %mul3A_536 {strides = array<i32>} : memref<80x128xf32, #tpu.memory_space<vmem>>, vector<16xf32>,
        %get3A_540 = arith.index_cast %scan3A_530 : i32 to index
        %get3A_541 = arith.constant 16 : index
        %get3A_542 = tpu.vector_load %arg12[%get3A_540, %get3A_541] {strides = array<i32>} : memref<80x128xf32, #tpu.memory_space<vmem>>, vector<16xf32>,
        %mul3A_543 = arith.mulf %get3A_542, %gather3A_532 : vector<16xf32>
        %swap3A_544 = arith.index_cast %scan3A_530 : i32 to index
        %swap3A_545 = arith.constant 16 : index
        %swap3A_546 = tpu.vector_load %arg12[%swap3A_544, %swap3A_545] {strides = array<i32>} : memref<80x128xf32, #tpu.memory_space<vmem>>, vector<16xf32>,
        tpu.vector_store %arg12[%swap3A_544, %swap3A_545], %mul3A_543 {strides = array<i32>} : memref<80x128xf32, #tpu.memory_space<vmem>>, vector<16xf32>,
        %get3A_547 = arith.index_cast %scan3A_530 : i32 to index
        %get3A_548 = arith.constant 32 : index
        %get3A_549 = tpu.vector_load %arg12[%get3A_547, %get3A_548] {strides = array<i32>} : memref<80x128xf32, #tpu.memory_space<vmem>>, vector<16xf32>,
        %mul3A_550 = arith.mulf %get3A_549, %gather3A_532 : vector<16xf32>
        %swap3A_551 = arith.index_cast %scan3A_530 : i32 to index
        %swap3A_552 = arith.constant 32 : index
        %swap3A_553 = tpu.vector_load %arg12[%swap3A_551, %swap3A_552] {strides = array<i32>} : memref<80x128xf32, #tpu.memory_space<vmem>>, vector<16xf32>,
        tpu.vector_store %arg12[%swap3A_551, %swap3A_552], %mul3A_550 {strides = array<i32>} : memref<80x128xf32, #tpu.memory_space<vmem>>, vector<16xf32>,
        %get3A_554 = arith.index_cast %scan3A_530 : i32 to index
        %get3A_555 = arith.constant 48 : index
        %get3A_556 = tpu.vector_load %arg12[%get3A_554, %get3A_555] {strides = array<i32>} : memref<80x128xf32, #tpu.memory_space<vmem>>, vector<16xf32>,
        %mul3A_557 = arith.mulf %get3A_556, %gather3A_532 : vector<16xf32>
        %swap3A_558 = arith.index_cast %scan3A_530 : i32 to index
        %swap3A_559 = arith.constant 48 : index
        %swap3A_560 = tpu.vector_load %arg12[%swap3A_558, %swap3A_559] {strides = array<i32>} : memref<80x128xf32, #tpu.memory_space<vmem>>, vector<16xf32>,
        tpu.vector_store %arg12[%swap3A_558, %swap3A_559], %mul3A_557 {strides = array<i32>} : memref<80x128xf32, #tpu.memory_space<vmem>>, vector<16xf32>,
        %get3A_561 = arith.index_cast %scan3A_530 : i32 to index
        %get3A_562 = arith.constant 64 : index
        %get3A_563 = tpu.vector_load %arg12[%get3A_561, %get3A_562] {strides = array<i32>} : memref<80x128xf32, #tpu.memory_space<vmem>>, vector<16xf32>,
        %mul3A_564 = arith.mulf %get3A_563, %gather3A_532 : vector<16xf32>
        %swap3A_565 = arith.index_cast %scan3A_530 : i32 to index
        %swap3A_566 = arith.constant 64 : index
        %swap3A_567 = tpu.vector_load %arg12[%swap3A_565, %swap3A_566] {strides = array<i32>} : memref<80x128xf32, #tpu.memory_space<vmem>>, vector<16xf32>,
        tpu.vector_store %arg12[%swap3A_565, %swap3A_566], %mul3A_564 {strides = array<i32>} : memref<80x128xf32, #tpu.memory_space<vmem>>, vector<16xf32>,
        %get3A_568 = arith.index_cast %scan3A_530 : i32 to index
        %get3A_569 = arith.constant 80 : index
        %get3A_570 = tpu.vector_load %arg12[%get3A_568, %get3A_569] {strides = array<i32>} : memref<80x128xf32, #tpu.memory_space<vmem>>, vector<16xf32>,
        %mul3A_571 = arith.mulf %get3A_570, %gather3A_532 : vector<16xf32>
        %swap3A_572 = arith.index_cast %scan3A_530 : i32 to index
        %swap3A_573 = arith.constant 80 : index
        %swap3A_574 = tpu.vector_load %arg12[%swap3A_572, %swap3A_573] {strides = array<i32>} : memref<80x128xf32, #tpu.memory_space<vmem>>, vector<16xf32>,
        tpu.vector_store %arg12[%swap3A_572, %swap3A_573], %mul3A_571 {strides = array<i32>} : memref<80x128xf32, #tpu.memory_space<vmem>>, vector<16xf32>,
        %get3A_575 = arith.index_cast %scan3A_530 : i32 to index
        %get3A_576 = arith.constant 96 : index
        %get3A_577 = tpu.vector_load %arg12[%get3A_575, %get3A_576] {strides = array<i32>} : memref<80x128xf32, #tpu.memory_space<vmem>>, vector<16xf32>,
        %mul3A_578 = arith.mulf %get3A_577, %gather3A_532 : vector<16xf32>
        %swap3A_579 = arith.index_cast %scan3A_530 : i32 to index
        %swap3A_580 = arith.constant 96 : index
        %swap3A_581 = tpu.vector_load %arg12[%swap3A_579, %swap3A_580] {strides = array<i32>} : memref<80x128xf32, #tpu.memory_space<vmem>>, vector<16xf32>,
        tpu.vector_store %arg12[%swap3A_579, %swap3A_580], %mul3A_578 {strides = array<i32>} : memref<80x128xf32, #tpu.memory_space<vmem>>, vector<16xf32>,
        %get3A_582 = arith.index_cast %scan3A_530 : i32 to index
        %get3A_583 = arith.constant 112 : index
        %get3A_584 = tpu.vector_load %arg12[%get3A_582, %get3A_583] {strides = array<i32>} : memref<80x128xf32, #tpu.memory_space<vmem>>, vector<16xf32>,
        %mul3A_585 = arith.mulf %get3A_584, %gather3A_532 : vector<16xf32>
        %swap3A_586 = arith.index_cast %scan3A_530 : i32 to index
        %swap3A_587 = arith.constant 112 : index
        %swap3A_588 = tpu.vector_load %arg12[%swap3A_586, %swap3A_587] {strides = array<i32>} : memref<80x128xf32, #tpu.memory_space<vmem>>, vector<16xf32>,
        tpu.vector_store %arg12[%swap3A_586, %swap3A_587], %mul3A_585 {strides = array<i32>} : memref<80x128xf32, #tpu.memory_space<vmem>>, vector<16xf32>,
      }
      %scan3A_104 = arith.constant 80 : i32
      "tpu.region"() ({
        %run_scoped3A = tpu.sem_alloc : memref<!tpu.dma_semaphore, #tpu.memory_space<semaphore_mem>>
        %dma_start3A_112 = arith.constant 0 : i32
        %dma_start3A_113 = arith.constant 0 : i32
        %dma_start3A_114 = tpu.memref_slice %arg8[%dma_start3A_112, %dma_start3A_113] : memref<10000x128xf32, #tpu.memory_space<vmem_shared>> -> memref<10000x128xf32, #tpu.memory_space<vmem_shared>>
        tpu.enqueue_indirect_dma source(%arg12 : memref<80x128xf32, #tpu.memory_space<vmem>>) target(%dma_start3A_114 : memref<10000x128xf32, #tpu.memory_space<vmem_shared>>) offsets(%arg16 : memref<80xi32, #tpu.memory_space<vmem>>) semaphore(%run_scoped3A : memref<!tpu.dma_semaphore, #tpu.memory_space<semaphore_mem>>) {add = true}
        %dma_wait3A_115 = arith.constant 0 : i32
        %dma_wait3A_116 = arith.constant 0 : i32
        %dma_wait3A_117 = tpu.memref_slice %arg8[%dma_wait3A_115, %dma_wait3A_116] : memref<10000x128xf32, #tpu.memory_space<vmem_shared>> -> memref<10000x128xf32, #tpu.memory_space<vmem_shared>>
        tpu.wait_indirect_dma semaphore(%run_scoped3A : memref<!tpu.dma_semaphore, #tpu.memory_space<semaphore_mem>>) src(%arg12 : memref<80x128xf32, #tpu.memory_space<vmem>>) dst(%dma_wait3A_117 : memref<10000x128xf32, #tpu.memory_space<vmem_shared>>)
        tpu.yield
      }) : () -> ()
      %add3A_105 = arith.constant 1 : i32
      %add3A_106 = arith.addi %add3A_42, %add3A_105 : i32
      %lt3A_107 = arith.constant 125 : i32
      %lt3A_108 = arith.cmpi slt, %add3A_106, %lt3A_107 : i32
      %convert_element_type3A_109 = arith.extui %lt3A_108 : i1 to i32
      %cond3A_110 = arith.constant 0 : i32
      %cond3A_111 = arith.cmpi ne, %convert_element_type3A_109, %cond3A_110 : i32
      scf.if %cond3A_111 {
        %add3A_112 = arith.constant 2 : i32
        %add3A_113 = arith.addi %add3A_42, %add3A_112 : i32
        %lt3A_114 = arith.constant 125 : i32
        %lt3A_115 = arith.cmpi slt, %add3A_113, %lt3A_114 : i32
        %convert_element_type3A_116 = arith.extui %lt3A_115 : i1 to i32
        %cond3A_117 = arith.constant 0 : i32
        %cond3A_118 = arith.cmpi ne, %convert_element_type3A_116, %cond3A_117 : i32
        scf.if %cond3A_118 {
          %add3A_180 = arith.constant 2 : i32
          %add3A_181 = arith.addi %add3A_42, %add3A_180 : i32
          %get3A_182 = arith.index_cast %add3A_181 : i32 to index
          %get3A_183 = arith.constant 0 : index
          %get3A_184 = tpu.vector_load %arg10[%get3A_182, %get3A_183] {strides = array<i32>} : memref<125x80xi32, #tpu.memory_space<vmem>>, vector<16xi32>,
          %swap3A_185 = arith.constant 0 : index
          %swap3A_186 = tpu.vector_load %arg14[%swap3A_185] {strides = array<i32>} : memref<80xi32, #tpu.memory_space<vmem>>, vector<16xi32>,
          tpu.vector_store %arg14[%swap3A_185], %get3A_184 {strides = array<i32>} : memref<80xi32, #tpu.memory_space<vmem>>, vector<16xi32>,
          %get3A_187 = arith.index_cast %add3A_181 : i32 to index
          %get3A_188 = arith.constant 16 : index
          %get3A_189 = tpu.vector_load %arg10[%get3A_187, %get3A_188] {strides = array<i32>} : memref<125x80xi32, #tpu.memory_space<vmem>>, vector<16xi32>,
          %swap3A_190 = arith.constant 16 : index
          %swap3A_191 = tpu.vector_load %arg14[%swap3A_190] {strides = array<i32>} : memref<80xi32, #tpu.memory_space<vmem>>, vector<16xi32>,
          tpu.vector_store %arg14[%swap3A_190], %get3A_189 {strides = array<i32>} : memref<80xi32, #tpu.memory_space<vmem>>, vector<16xi32>,
          %get3A_192 = arith.index_cast %add3A_181 : i32 to index
          %get3A_193 = arith.constant 32 : index
          %get3A_194 = tpu.vector_load %arg10[%get3A_192, %get3A_193] {strides = array<i32>} : memref<125x80xi32, #tpu.memory_space<vmem>>, vector<16xi32>,
          %swap3A_195 = arith.constant 32 : index
          %swap3A_196 = tpu.vector_load %arg14[%swap3A_195] {strides = array<i32>} : memref<80xi32, #tpu.memory_space<vmem>>, vector<16xi32>,
          tpu.vector_store %arg14[%swap3A_195], %get3A_194 {strides = array<i32>} : memref<80xi32, #tpu.memory_space<vmem>>, vector<16xi32>,
          %get3A_197 = arith.index_cast %add3A_181 : i32 to index
          %get3A_198 = arith.constant 48 : index
          %get3A_199 = tpu.vector_load %arg10[%get3A_197, %get3A_198] {strides = array<i32>} : memref<125x80xi32, #tpu.memory_space<vmem>>, vector<16xi32>,
          %swap3A_200 = arith.constant 48 : index
          %swap3A_201 = tpu.vector_load %arg14[%swap3A_200] {strides = array<i32>} : memref<80xi32, #tpu.memory_space<vmem>>, vector<16xi32>,
          tpu.vector_store %arg14[%swap3A_200], %get3A_199 {strides = array<i32>} : memref<80xi32, #tpu.memory_space<vmem>>, vector<16xi32>,
          %get3A_202 = arith.index_cast %add3A_181 : i32 to index
          %get3A_203 = arith.constant 64 : index
          %get3A_204 = tpu.vector_load %arg10[%get3A_202, %get3A_203] {strides = array<i32>} : memref<125x80xi32, #tpu.memory_space<vmem>>, vector<16xi32>,
          %swap3A_205 = arith.constant 64 : index
          %swap3A_206 = tpu.vector_load %arg14[%swap3A_205] {strides = array<i32>} : memref<80xi32, #tpu.memory_space<vmem>>, vector<16xi32>,
          tpu.vector_store %arg14[%swap3A_205], %get3A_204 {strides = array<i32>} : memref<80xi32, #tpu.memory_space<vmem>>, vector<16xi32>,
          %dma_start3A_207 = arith.constant 0 : i32
          %dma_start3A_208 = arith.constant 0 : i32
          %dma_start3A_209 = tpu.memref_slice %arg2[%dma_start3A_207, %dma_start3A_208] : memref<10000x128xf32, #tpu.memory_space<hbm>> -> memref<10000x128xf32, #tpu.memory_space<hbm>>
          tpu.enqueue_indirect_dma source(%dma_start3A_209 : memref<10000x128xf32, #tpu.memory_space<hbm>>) target(%arg12 : memref<80x128xf32, #tpu.memory_space<vmem>>) offsets(%arg14 : memref<80xi32, #tpu.memory_space<vmem>>) semaphore(%arg18 : memref<!tpu.dma_semaphore, #tpu.memory_space<semaphore_mem>>)
        } else {
        }
        %add3A_119 = arith.constant 1 : i32
        %add3A_120 = arith.addi %add3A_42, %add3A_119 : i32
        %dma_wait3A_121 = arith.constant 0 : i32
        %dma_wait3A_122 = arith.constant 0 : i32
        %dma_wait3A_123 = tpu.memref_slice %arg2[%dma_wait3A_121, %dma_wait3A_122] : memref<10000x128xf32, #tpu.memory_space<hbm>> -> memref<10000x128xf32, #tpu.memory_space<hbm>>
        tpu.wait_indirect_dma semaphore(%arg19 : memref<!tpu.dma_semaphore, #tpu.memory_space<semaphore_mem>>) src(%dma_wait3A_123 : memref<10000x128xf32, #tpu.memory_space<hbm>>) dst(%arg13 : memref<80x128xf32, #tpu.memory_space<vmem>>)
        %get3A_124 = arith.index_cast %add3A_120 : i32 to index
        %get3A_125 = arith.constant 0 : index
        %get3A_126 = tpu.vector_load %arg9[%get3A_124, %get3A_125] {strides = array<i32>} : memref<125x80xi32, #tpu.memory_space<vmem>>, vector<16xi32>,
        %swap3A_127 = arith.constant 0 : index
        %swap3A_128 = tpu.vector_load %arg16[%swap3A_127] {strides = array<i32>} : memref<80xi32, #tpu.memory_space<vmem>>, vector<16xi32>,
        tpu.vector_store %arg16[%swap3A_127], %get3A_126 {strides = array<i32>} : memref<80xi32, #tpu.memory_space<vmem>>, vector<16xi32>,
        %get3A_129 = arith.index_cast %add3A_120 : i32 to index
        %get3A_130 = arith.constant 16 : index
        %get3A_131 = tpu.vector_load %arg9[%get3A_129, %get3A_130] {strides = array<i32>} : memref<125x80xi32, #tpu.memory_space<vmem>>, vector<16xi32>,
        %swap3A_132 = arith.constant 16 : index
        %swap3A_133 = tpu.vector_load %arg16[%swap3A_132] {strides = array<i32>} : memref<80xi32, #tpu.memory_space<vmem>>, vector<16xi32>,
        tpu.vector_store %arg16[%swap3A_132], %get3A_131 {strides = array<i32>} : memref<80xi32, #tpu.memory_space<vmem>>, vector<16xi32>,
        %get3A_134 = arith.index_cast %add3A_120 : i32 to index
        %get3A_135 = arith.constant 32 : index
        %get3A_136 = tpu.vector_load %arg9[%get3A_134, %get3A_135] {strides = array<i32>} : memref<125x80xi32, #tpu.memory_space<vmem>>, vector<16xi32>,
        %swap3A_137 = arith.constant 32 : index
        %swap3A_138 = tpu.vector_load %arg16[%swap3A_137] {strides = array<i32>} : memref<80xi32, #tpu.memory_space<vmem>>, vector<16xi32>,
        tpu.vector_store %arg16[%swap3A_137], %get3A_136 {strides = array<i32>} : memref<80xi32, #tpu.memory_space<vmem>>, vector<16xi32>,
        %get3A_139 = arith.index_cast %add3A_120 : i32 to index
        %get3A_140 = arith.constant 48 : index
        %get3A_141 = tpu.vector_load %arg9[%get3A_139, %get3A_140] {strides = array<i32>} : memref<125x80xi32, #tpu.memory_space<vmem>>, vector<16xi32>,
        %swap3A_142 = arith.constant 48 : index
        %swap3A_143 = tpu.vector_load %arg16[%swap3A_142] {strides = array<i32>} : memref<80xi32, #tpu.memory_space<vmem>>, vector<16xi32>,
        tpu.vector_store %arg16[%swap3A_142], %get3A_141 {strides = array<i32>} : memref<80xi32, #tpu.memory_space<vmem>>, vector<16xi32>,
        %get3A_144 = arith.index_cast %add3A_120 : i32 to index
        %get3A_145 = arith.constant 64 : index
        %get3A_146 = tpu.vector_load %arg9[%get3A_144, %get3A_145] {strides = array<i32>} : memref<125x80xi32, #tpu.memory_space<vmem>>, vector<16xi32>,
        %swap3A_147 = arith.constant 64 : index
        %swap3A_148 = tpu.vector_load %arg16[%swap3A_147] {strides = array<i32>} : memref<80xi32, #tpu.memory_space<vmem>>, vector<16xi32>,
        tpu.vector_store %arg16[%swap3A_147], %get3A_146 {strides = array<i32>} : memref<80xi32, #tpu.memory_space<vmem>>, vector<16xi32>,
        %get3A_149 = arith.index_cast %add3A_120 : i32 to index
        %get3A_150 = arith.constant 0 : index
        %get3A_151 = tpu.vector_load %arg11[%get3A_149, %get3A_150] {strides = array<i32>} : memref<125x80xf32, #tpu.memory_space<vmem>>, vector<16xf32>,
        %swap3A_152 = arith.constant 0 : index
        %swap3A_153 = tpu.vector_load %arg17[%swap3A_152] {strides = array<i32>} : memref<80xf32, #tpu.memory_space<vmem>>, vector<16xf32>,
        tpu.vector_store %arg17[%swap3A_152], %get3A_151 {strides = array<i32>} : memref<80xf32, #tpu.memory_space<vmem>>, vector<16xf32>,
        %get3A_154 = arith.index_cast %add3A_120 : i32 to index
        %get3A_155 = arith.constant 16 : index
        %get3A_156 = tpu.vector_load %arg11[%get3A_154, %get3A_155] {strides = array<i32>} : memref<125x80xf32, #tpu.memory_space<vmem>>, vector<16xf32>,
        %swap3A_157 = arith.constant 16 : index
        %swap3A_158 = tpu.vector_load %arg17[%swap3A_157] {strides = array<i32>} : memref<80xf32, #tpu.memory_space<vmem>>, vector<16xf32>,
        tpu.vector_store %arg17[%swap3A_157], %get3A_156 {strides = array<i32>} : memref<80xf32, #tpu.memory_space<vmem>>, vector<16xf32>,
        %get3A_159 = arith.index_cast %add3A_120 : i32 to index
        %get3A_160 = arith.constant 32 : index
        %get3A_161 = tpu.vector_load %arg11[%get3A_159, %get3A_160] {strides = array<i32>} : memref<125x80xf32, #tpu.memory_space<vmem>>, vector<16xf32>,
        %swap3A_162 = arith.constant 32 : index
        %swap3A_163 = tpu.vector_load %arg17[%swap3A_162] {strides = array<i32>} : memref<80xf32, #tpu.memory_space<vmem>>, vector<16xf32>,
        tpu.vector_store %arg17[%swap3A_162], %get3A_161 {strides = array<i32>} : memref<80xf32, #tpu.memory_space<vmem>>, vector<16xf32>,
        %get3A_164 = arith.index_cast %add3A_120 : i32 to index
        %get3A_165 = arith.constant 48 : index
        %get3A_166 = tpu.vector_load %arg11[%get3A_164, %get3A_165] {strides = array<i32>} : memref<125x80xf32, #tpu.memory_space<vmem>>, vector<16xf32>,
        %swap3A_167 = arith.constant 48 : index
        %swap3A_168 = tpu.vector_load %arg17[%swap3A_167] {strides = array<i32>} : memref<80xf32, #tpu.memory_space<vmem>>, vector<16xf32>,
        tpu.vector_store %arg17[%swap3A_167], %get3A_166 {strides = array<i32>} : memref<80xf32, #tpu.memory_space<vmem>>, vector<16xf32>,
        %get3A_169 = arith.index_cast %add3A_120 : i32 to index
        %get3A_170 = arith.constant 64 : index
        %get3A_171 = tpu.vector_load %arg11[%get3A_169, %get3A_170] {strides = array<i32>} : memref<125x80xf32, #tpu.memory_space<vmem>>, vector<16xf32>,
        %swap3A_172 = arith.constant 64 : index
        %swap3A_173 = tpu.vector_load %arg17[%swap3A_172] {strides = array<i32>} : memref<80xf32, #tpu.memory_space<vmem>>, vector<16xf32>,
        tpu.vector_store %arg17[%swap3A_172], %get3A_171 {strides = array<i32>} : memref<80xf32, #tpu.memory_space<vmem>>, vector<16xf32>,
        %scan3A_174 = arith.constant 0 : i32
        %scan3A_175 = arith.constant 0 : i32
        %scan3A_176 = arith.constant 80 : i32
        %scan3A_177 = arith.addi %scan3A_175, %scan3A_176 : i32
        %scan3A_178 = arith.constant 8 : i32
        scf.for %scan3A_180 = %scan3A_175 to %scan3A_177 step %scan3A_178  : i32 {
          %broadcast_in_dim3A = vector.broadcast %scan3A_180 : i32 to vector<16xi32>
          %gather3A = tpu.vector_load_idx %arg17[%broadcast_in_dim3A] : memref<80xf32, #tpu.memory_space<vmem>>[vector<16xi32>], vector<16xf32>,
          %get3A_181 = arith.index_cast %scan3A_180 : i32 to index
          %get3A_182 = arith.constant 0 : index
          %get3A_183 = tpu.vector_load %arg13[%get3A_181, %get3A_182] {strides = array<i32>} : memref<80x128xf32, #tpu.memory_space<vmem>>, vector<16xf32>,
          %mul3A_184 = arith.mulf %get3A_183, %gather3A : vector<16xf32>
          %swap3A_185 = arith.index_cast %scan3A_180 : i32 to index
          %swap3A_186 = arith.constant 0 : index
          %swap3A_187 = tpu.vector_load %arg13[%swap3A_185, %swap3A_186] {strides = array<i32>} : memref<80x128xf32, #tpu.memory_space<vmem>>, vector<16xf32>,
          tpu.vector_store %arg13[%swap3A_185, %swap3A_186], %mul3A_184 {strides = array<i32>} : memref<80x128xf32, #tpu.memory_space<vmem>>, vector<16xf32>,
          %get3A_188 = arith.index_cast %scan3A_180 : i32 to index
          %get3A_189 = arith.constant 16 : index
          %get3A_190 = tpu.vector_load %arg13[%get3A_188, %get3A_189] {strides = array<i32>} : memref<80x128xf32, #tpu.memory_space<vmem>>, vector<16xf32>,
          %mul3A_191 = arith.mulf %get3A_190, %gather3A : vector<16xf32>
          %swap3A_192 = arith.index_cast %scan3A_180 : i32 to index
          %swap3A_193 = arith.constant 16 : index
          %swap3A_194 = tpu.vector_load %arg13[%swap3A_192, %swap3A_193] {strides = array<i32>} : memref<80x128xf32, #tpu.memory_space<vmem>>, vector<16xf32>,
          tpu.vector_store %arg13[%swap3A_192, %swap3A_193], %mul3A_191 {strides = array<i32>} : memref<80x128xf32, #tpu.memory_space<vmem>>, vector<16xf32>,
          %get3A_195 = arith.index_cast %scan3A_180 : i32 to index
          %get3A_196 = arith.constant 32 : index
          %get3A_197 = tpu.vector_load %arg13[%get3A_195, %get3A_196] {strides = array<i32>} : memref<80x128xf32, #tpu.memory_space<vmem>>, vector<16xf32>,
          %mul3A_198 = arith.mulf %get3A_197, %gather3A : vector<16xf32>
          %swap3A_199 = arith.index_cast %scan3A_180 : i32 to index
          %swap3A_200 = arith.constant 32 : index
          %swap3A_201 = tpu.vector_load %arg13[%swap3A_199, %swap3A_200] {strides = array<i32>} : memref<80x128xf32, #tpu.memory_space<vmem>>, vector<16xf32>,
          tpu.vector_store %arg13[%swap3A_199, %swap3A_200], %mul3A_198 {strides = array<i32>} : memref<80x128xf32, #tpu.memory_space<vmem>>, vector<16xf32>,
          %get3A_202 = arith.index_cast %scan3A_180 : i32 to index
          %get3A_203 = arith.constant 48 : index
          %get3A_204 = tpu.vector_load %arg13[%get3A_202, %get3A_203] {strides = array<i32>} : memref<80x128xf32, #tpu.memory_space<vmem>>, vector<16xf32>,
          %mul3A_205 = arith.mulf %get3A_204, %gather3A : vector<16xf32>
          %swap3A_206 = arith.index_cast %scan3A_180 : i32 to index
          %swap3A_207 = arith.constant 48 : index
          %swap3A_208 = tpu.vector_load %arg13[%swap3A_206, %swap3A_207] {strides = array<i32>} : memref<80x128xf32, #tpu.memory_space<vmem>>, vector<16xf32>,
          tpu.vector_store %arg13[%swap3A_206, %swap3A_207], %mul3A_205 {strides = array<i32>} : memref<80x128xf32, #tpu.memory_space<vmem>>, vector<16xf32>,
          %get3A_209 = arith.index_cast %scan3A_180 : i32 to index
          %get3A_210 = arith.constant 64 : index
          %get3A_211 = tpu.vector_load %arg13[%get3A_209, %get3A_210] {strides = array<i32>} : memref<80x128xf32, #tpu.memory_space<vmem>>, vector<16xf32>,
          %mul3A_212 = arith.mulf %get3A_211, %gather3A : vector<16xf32>
          %swap3A_213 = arith.index_cast %scan3A_180 : i32 to index
          %swap3A_214 = arith.constant 64 : index
          %swap3A_215 = tpu.vector_load %arg13[%swap3A_213, %swap3A_214] {strides = array<i32>} : memref<80x128xf32, #tpu.memory_space<vmem>>, vector<16xf32>,
          tpu.vector_store %arg13[%swap3A_213, %swap3A_214], %mul3A_212 {strides = array<i32>} : memref<80x128xf32, #tpu.memory_space<vmem>>, vector<16xf32>,
          %get3A_216 = arith.index_cast %scan3A_180 : i32 to index
          %get3A_217 = arith.constant 80 : index
          %get3A_218 = tpu.vector_load %arg13[%get3A_216, %get3A_217] {strides = array<i32>} : memref<80x128xf32, #tpu.memory_space<vmem>>, vector<16xf32>,
          %mul3A_219 = arith.mulf %get3A_218, %gather3A : vector<16xf32>
          %swap3A_220 = arith.index_cast %scan3A_180 : i32 to index
          %swap3A_221 = arith.constant 80 : index
          %swap3A_222 = tpu.vector_load %arg13[%swap3A_220, %swap3A_221] {strides = array<i32>} : memref<80x128xf32, #tpu.memory_space<vmem>>, vector<16xf32>,
          tpu.vector_store %arg13[%swap3A_220, %swap3A_221], %mul3A_219 {strides = array<i32>} : memref<80x128xf32, #tpu.memory_space<vmem>>, vector<16xf32>,
          %get3A_223 = arith.index_cast %scan3A_180 : i32 to index
          %get3A_224 = arith.constant 96 : index
          %get3A_225 = tpu.vector_load %arg13[%get3A_223, %get3A_224] {strides = array<i32>} : memref<80x128xf32, #tpu.memory_space<vmem>>, vector<16xf32>,
          %mul3A_226 = arith.mulf %get3A_225, %gather3A : vector<16xf32>
          %swap3A_227 = arith.index_cast %scan3A_180 : i32 to index
          %swap3A_228 = arith.constant 96 : index
          %swap3A_229 = tpu.vector_load %arg13[%swap3A_227, %swap3A_228] {strides = array<i32>} : memref<80x128xf32, #tpu.memory_space<vmem>>, vector<16xf32>,
          tpu.vector_store %arg13[%swap3A_227, %swap3A_228], %mul3A_226 {strides = array<i32>} : memref<80x128xf32, #tpu.memory_space<vmem>>, vector<16xf32>,
          %get3A_230 = arith.index_cast %scan3A_180 : i32 to index
          %get3A_231 = arith.constant 112 : index
          %get3A_232 = tpu.vector_load %arg13[%get3A_230, %get3A_231] {strides = array<i32>} : memref<80x128xf32, #tpu.memory_space<vmem>>, vector<16xf32>,
          %mul3A_233 = arith.mulf %get3A_232, %gather3A : vector<16xf32>
          %swap3A_234 = arith.index_cast %scan3A_180 : i32 to index
          %swap3A_235 = arith.constant 112 : index
          %swap3A_236 = tpu.vector_load %arg13[%swap3A_234, %swap3A_235] {strides = array<i32>} : memref<80x128xf32, #tpu.memory_space<vmem>>, vector<16xf32>,
          tpu.vector_store %arg13[%swap3A_234, %swap3A_235], %mul3A_233 {strides = array<i32>} : memref<80x128xf32, #tpu.memory_space<vmem>>, vector<16xf32>,
          %scan3A_237 = arith.constant 1 : i32
          %scan3A_238 = arith.addi %scan3A_180, %scan3A_237 : i32
          %broadcast_in_dim3A_239 = vector.broadcast %scan3A_238 : i32 to vector<16xi32>
          %gather3A_240 = tpu.vector_load_idx %arg17[%broadcast_in_dim3A_239] : memref<80xf32, #tpu.memory_space<vmem>>[vector<16xi32>], vector<16xf32>,
          %get3A_241 = arith.index_cast %scan3A_238 : i32 to index
          %get3A_242 = arith.constant 0 : index
          %get3A_243 = tpu.vector_load %arg13[%get3A_241, %get3A_242] {strides = array<i32>} : memref<80x128xf32, #tpu.memory_space<vmem>>, vector<16xf32>,
          %mul3A_244 = arith.mulf %get3A_243, %gather3A_240 : vector<16xf32>
          %swap3A_245 = arith.index_cast %scan3A_238 : i32 to index
          %swap3A_246 = arith.constant 0 : index
          %swap3A_247 = tpu.vector_load %arg13[%swap3A_245, %swap3A_246] {strides = array<i32>} : memref<80x128xf32, #tpu.memory_space<vmem>>, vector<16xf32>,
          tpu.vector_store %arg13[%swap3A_245, %swap3A_246], %mul3A_244 {strides = array<i32>} : memref<80x128xf32, #tpu.memory_space<vmem>>, vector<16xf32>,
          %get3A_248 = arith.index_cast %scan3A_238 : i32 to index
          %get3A_249 = arith.constant 16 : index
          %get3A_250 = tpu.vector_load %arg13[%get3A_248, %get3A_249] {strides = array<i32>} : memref<80x128xf32, #tpu.memory_space<vmem>>, vector<16xf32>,
          %mul3A_251 = arith.mulf %get3A_250, %gather3A_240 : vector<16xf32>
          %swap3A_252 = arith.index_cast %scan3A_238 : i32 to index
          %swap3A_253 = arith.constant 16 : index
          %swap3A_254 = tpu.vector_load %arg13[%swap3A_252, %swap3A_253] {strides = array<i32>} : memref<80x128xf32, #tpu.memory_space<vmem>>, vector<16xf32>,
          tpu.vector_store %arg13[%swap3A_252, %swap3A_253], %mul3A_251 {strides = array<i32>} : memref<80x128xf32, #tpu.memory_space<vmem>>, vector<16xf32>,
          %get3A_255 = arith.index_cast %scan3A_238 : i32 to index
          %get3A_256 = arith.constant 32 : index
          %get3A_257 = tpu.vector_load %arg13[%get3A_255, %get3A_256] {strides = array<i32>} : memref<80x128xf32, #tpu.memory_space<vmem>>, vector<16xf32>,
          %mul3A_258 = arith.mulf %get3A_257, %gather3A_240 : vector<16xf32>
          %swap3A_259 = arith.index_cast %scan3A_238 : i32 to index
          %swap3A_260 = arith.constant 32 : index
          %swap3A_261 = tpu.vector_load %arg13[%swap3A_259, %swap3A_260] {strides = array<i32>} : memref<80x128xf32, #tpu.memory_space<vmem>>, vector<16xf32>,
          tpu.vector_store %arg13[%swap3A_259, %swap3A_260], %mul3A_258 {strides = array<i32>} : memref<80x128xf32, #tpu.memory_space<vmem>>, vector<16xf32>,
          %get3A_262 = arith.index_cast %scan3A_238 : i32 to index
          %get3A_263 = arith.constant 48 : index
          %get3A_264 = tpu.vector_load %arg13[%get3A_262, %get3A_263] {strides = array<i32>} : memref<80x128xf32, #tpu.memory_space<vmem>>, vector<16xf32>,
          %mul3A_265 = arith.mulf %get3A_264, %gather3A_240 : vector<16xf32>
          %swap3A_266 = arith.index_cast %scan3A_238 : i32 to index
          %swap3A_267 = arith.constant 48 : index
          %swap3A_268 = tpu.vector_load %arg13[%swap3A_266, %swap3A_267] {strides = array<i32>} : memref<80x128xf32, #tpu.memory_space<vmem>>, vector<16xf32>,
          tpu.vector_store %arg13[%swap3A_266, %swap3A_267], %mul3A_265 {strides = array<i32>} : memref<80x128xf32, #tpu.memory_space<vmem>>, vector<16xf32>,
          %get3A_269 = arith.index_cast %scan3A_238 : i32 to index
          %get3A_270 = arith.constant 64 : index
          %get3A_271 = tpu.vector_load %arg13[%get3A_269, %get3A_270] {strides = array<i32>} : memref<80x128xf32, #tpu.memory_space<vmem>>, vector<16xf32>,
          %mul3A_272 = arith.mulf %get3A_271, %gather3A_240 : vector<16xf32>
          %swap3A_273 = arith.index_cast %scan3A_238 : i32 to index
          %swap3A_274 = arith.constant 64 : index
          %swap3A_275 = tpu.vector_load %arg13[%swap3A_273, %swap3A_274] {strides = array<i32>} : memref<80x128xf32, #tpu.memory_space<vmem>>, vector<16xf32>,
          tpu.vector_store %arg13[%swap3A_273, %swap3A_274], %mul3A_272 {strides = array<i32>} : memref<80x128xf32, #tpu.memory_space<vmem>>, vector<16xf32>,
          %get3A_276 = arith.index_cast %scan3A_238 : i32 to index
          %get3A_277 = arith.constant 80 : index
          %get3A_278 = tpu.vector_load %arg13[%get3A_276, %get3A_277] {strides = array<i32>} : memref<80x128xf32, #tpu.memory_space<vmem>>, vector<16xf32>,
          %mul3A_279 = arith.mulf %get3A_278, %gather3A_240 : vector<16xf32>
          %swap3A_280 = arith.index_cast %scan3A_238 : i32 to index
          %swap3A_281 = arith.constant 80 : index
          %swap3A_282 = tpu.vector_load %arg13[%swap3A_280, %swap3A_281] {strides = array<i32>} : memref<80x128xf32, #tpu.memory_space<vmem>>, vector<16xf32>,
          tpu.vector_store %arg13[%swap3A_280, %swap3A_281], %mul3A_279 {strides = array<i32>} : memref<80x128xf32, #tpu.memory_space<vmem>>, vector<16xf32>,
          %get3A_283 = arith.index_cast %scan3A_238 : i32 to index
          %get3A_284 = arith.constant 96 : index
          %get3A_285 = tpu.vector_load %arg13[%get3A_283, %get3A_284] {strides = array<i32>} : memref<80x128xf32, #tpu.memory_space<vmem>>, vector<16xf32>,
          %mul3A_286 = arith.mulf %get3A_285, %gather3A_240 : vector<16xf32>
          %swap3A_287 = arith.index_cast %scan3A_238 : i32 to index
          %swap3A_288 = arith.constant 96 : index
          %swap3A_289 = tpu.vector_load %arg13[%swap3A_287, %swap3A_288] {strides = array<i32>} : memref<80x128xf32, #tpu.memory_space<vmem>>, vector<16xf32>,
          tpu.vector_store %arg13[%swap3A_287, %swap3A_288], %mul3A_286 {strides = array<i32>} : memref<80x128xf32, #tpu.memory_space<vmem>>, vector<16xf32>,
          %get3A_290 = arith.index_cast %scan3A_238 : i32 to index
          %get3A_291 = arith.constant 112 : index
          %get3A_292 = tpu.vector_load %arg13[%get3A_290, %get3A_291] {strides = array<i32>} : memref<80x128xf32, #tpu.memory_space<vmem>>, vector<16xf32>,
          %mul3A_293 = arith.mulf %get3A_292, %gather3A_240 : vector<16xf32>
          %swap3A_294 = arith.index_cast %scan3A_238 : i32 to index
          %swap3A_295 = arith.constant 112 : index
          %swap3A_296 = tpu.vector_load %arg13[%swap3A_294, %swap3A_295] {strides = array<i32>} : memref<80x128xf32, #tpu.memory_space<vmem>>, vector<16xf32>,
          tpu.vector_store %arg13[%swap3A_294, %swap3A_295], %mul3A_293 {strides = array<i32>} : memref<80x128xf32, #tpu.memory_space<vmem>>, vector<16xf32>,
          %scan3A_297 = arith.constant 2 : i32
          %scan3A_298 = arith.addi %scan3A_180, %scan3A_297 : i32
          %broadcast_in_dim3A_299 = vector.broadcast %scan3A_298 : i32 to vector<16xi32>
          %gather3A_300 = tpu.vector_load_idx %arg17[%broadcast_in_dim3A_299] : memref<80xf32, #tpu.memory_space<vmem>>[vector<16xi32>], vector<16xf32>,
          %get3A_301 = arith.index_cast %scan3A_298 : i32 to index
          %get3A_302 = arith.constant 0 : index
          %get3A_303 = tpu.vector_load %arg13[%get3A_301, %get3A_302] {strides = array<i32>} : memref<80x128xf32, #tpu.memory_space<vmem>>, vector<16xf32>,
          %mul3A_304 = arith.mulf %get3A_303, %gather3A_300 : vector<16xf32>
          %swap3A_305 = arith.index_cast %scan3A_298 : i32 to index
          %swap3A_306 = arith.constant 0 : index
          %swap3A_307 = tpu.vector_load %arg13[%swap3A_305, %swap3A_306] {strides = array<i32>} : memref<80x128xf32, #tpu.memory_space<vmem>>, vector<16xf32>,
          tpu.vector_store %arg13[%swap3A_305, %swap3A_306], %mul3A_304 {strides = array<i32>} : memref<80x128xf32, #tpu.memory_space<vmem>>, vector<16xf32>,
          %get3A_308 = arith.index_cast %scan3A_298 : i32 to index
          %get3A_309 = arith.constant 16 : index
          %get3A_310 = tpu.vector_load %arg13[%get3A_308, %get3A_309] {strides = array<i32>} : memref<80x128xf32, #tpu.memory_space<vmem>>, vector<16xf32>,
          %mul3A_311 = arith.mulf %get3A_310, %gather3A_300 : vector<16xf32>
          %swap3A_312 = arith.index_cast %scan3A_298 : i32 to index
          %swap3A_313 = arith.constant 16 : index
          %swap3A_314 = tpu.vector_load %arg13[%swap3A_312, %swap3A_313] {strides = array<i32>} : memref<80x128xf32, #tpu.memory_space<vmem>>, vector<16xf32>,
          tpu.vector_store %arg13[%swap3A_312, %swap3A_313], %mul3A_311 {strides = array<i32>} : memref<80x128xf32, #tpu.memory_space<vmem>>, vector<16xf32>,
          %get3A_315 = arith.index_cast %scan3A_298 : i32 to index
          %get3A_316 = arith.constant 32 : index
          %get3A_317 = tpu.vector_load %arg13[%get3A_315, %get3A_316] {strides = array<i32>} : memref<80x128xf32, #tpu.memory_space<vmem>>, vector<16xf32>,
          %mul3A_318 = arith.mulf %get3A_317, %gather3A_300 : vector<16xf32>
          %swap3A_319 = arith.index_cast %scan3A_298 : i32 to index
          %swap3A_320 = arith.constant 32 : index
          %swap3A_321 = tpu.vector_load %arg13[%swap3A_319, %swap3A_320] {strides = array<i32>} : memref<80x128xf32, #tpu.memory_space<vmem>>, vector<16xf32>,
          tpu.vector_store %arg13[%swap3A_319, %swap3A_320], %mul3A_318 {strides = array<i32>} : memref<80x128xf32, #tpu.memory_space<vmem>>, vector<16xf32>,
          %get3A_322 = arith.index_cast %scan3A_298 : i32 to index
          %get3A_323 = arith.constant 48 : index
          %get3A_324 = tpu.vector_load %arg13[%get3A_322, %get3A_323] {strides = array<i32>} : memref<80x128xf32, #tpu.memory_space<vmem>>, vector<16xf32>,
          %mul3A_325 = arith.mulf %get3A_324, %gather3A_300 : vector<16xf32>
          %swap3A_326 = arith.index_cast %scan3A_298 : i32 to index
          %swap3A_327 = arith.constant 48 : index
          %swap3A_328 = tpu.vector_load %arg13[%swap3A_326, %swap3A_327] {strides = array<i32>} : memref<80x128xf32, #tpu.memory_space<vmem>>, vector<16xf32>,
          tpu.vector_store %arg13[%swap3A_326, %swap3A_327], %mul3A_325 {strides = array<i32>} : memref<80x128xf32, #tpu.memory_space<vmem>>, vector<16xf32>,
          %get3A_329 = arith.index_cast %scan3A_298 : i32 to index
          %get3A_330 = arith.constant 64 : index
          %get3A_331 = tpu.vector_load %arg13[%get3A_329, %get3A_330] {strides = array<i32>} : memref<80x128xf32, #tpu.memory_space<vmem>>, vector<16xf32>,
          %mul3A_332 = arith.mulf %get3A_331, %gather3A_300 : vector<16xf32>
          %swap3A_333 = arith.index_cast %scan3A_298 : i32 to index
          %swap3A_334 = arith.constant 64 : index
          %swap3A_335 = tpu.vector_load %arg13[%swap3A_333, %swap3A_334] {strides = array<i32>} : memref<80x128xf32, #tpu.memory_space<vmem>>, vector<16xf32>,
          tpu.vector_store %arg13[%swap3A_333, %swap3A_334], %mul3A_332 {strides = array<i32>} : memref<80x128xf32, #tpu.memory_space<vmem>>, vector<16xf32>,
          %get3A_336 = arith.index_cast %scan3A_298 : i32 to index
          %get3A_337 = arith.constant 80 : index
          %get3A_338 = tpu.vector_load %arg13[%get3A_336, %get3A_337] {strides = array<i32>} : memref<80x128xf32, #tpu.memory_space<vmem>>, vector<16xf32>,
          %mul3A_339 = arith.mulf %get3A_338, %gather3A_300 : vector<16xf32>
          %swap3A_340 = arith.index_cast %scan3A_298 : i32 to index
          %swap3A_341 = arith.constant 80 : index
          %swap3A_342 = tpu.vector_load %arg13[%swap3A_340, %swap3A_341] {strides = array<i32>} : memref<80x128xf32, #tpu.memory_space<vmem>>, vector<16xf32>,
          tpu.vector_store %arg13[%swap3A_340, %swap3A_341], %mul3A_339 {strides = array<i32>} : memref<80x128xf32, #tpu.memory_space<vmem>>, vector<16xf32>,
          %get3A_343 = arith.index_cast %scan3A_298 : i32 to index
          %get3A_344 = arith.constant 96 : index
          %get3A_345 = tpu.vector_load %arg13[%get3A_343, %get3A_344] {strides = array<i32>} : memref<80x128xf32, #tpu.memory_space<vmem>>, vector<16xf32>,
          %mul3A_346 = arith.mulf %get3A_345, %gather3A_300 : vector<16xf32>
          %swap3A_347 = arith.index_cast %scan3A_298 : i32 to index
          %swap3A_348 = arith.constant 96 : index
          %swap3A_349 = tpu.vector_load %arg13[%swap3A_347, %swap3A_348] {strides = array<i32>} : memref<80x128xf32, #tpu.memory_space<vmem>>, vector<16xf32>,
          tpu.vector_store %arg13[%swap3A_347, %swap3A_348], %mul3A_346 {strides = array<i32>} : memref<80x128xf32, #tpu.memory_space<vmem>>, vector<16xf32>,
          %get3A_350 = arith.index_cast %scan3A_298 : i32 to index
          %get3A_351 = arith.constant 112 : index
          %get3A_352 = tpu.vector_load %arg13[%get3A_350, %get3A_351] {strides = array<i32>} : memref<80x128xf32, #tpu.memory_space<vmem>>, vector<16xf32>,
          %mul3A_353 = arith.mulf %get3A_352, %gather3A_300 : vector<16xf32>
          %swap3A_354 = arith.index_cast %scan3A_298 : i32 to index
          %swap3A_355 = arith.constant 112 : index
          %swap3A_356 = tpu.vector_load %arg13[%swap3A_354, %swap3A_355] {strides = array<i32>} : memref<80x128xf32, #tpu.memory_space<vmem>>, vector<16xf32>,
          tpu.vector_store %arg13[%swap3A_354, %swap3A_355], %mul3A_353 {strides = array<i32>} : memref<80x128xf32, #tpu.memory_space<vmem>>, vector<16xf32>,
          %scan3A_357 = arith.constant 3 : i32
          %scan3A_358 = arith.addi %scan3A_180, %scan3A_357 : i32
          %broadcast_in_dim3A_359 = vector.broadcast %scan3A_358 : i32 to vector<16xi32>
          %gather3A_360 = tpu.vector_load_idx %arg17[%broadcast_in_dim3A_359] : memref<80xf32, #tpu.memory_space<vmem>>[vector<16xi32>], vector<16xf32>,
          %get3A_361 = arith.index_cast %scan3A_358 : i32 to index
          %get3A_362 = arith.constant 0 : index
          %get3A_363 = tpu.vector_load %arg13[%get3A_361, %get3A_362] {strides = array<i32>} : memref<80x128xf32, #tpu.memory_space<vmem>>, vector<16xf32>,
          %mul3A_364 = arith.mulf %get3A_363, %gather3A_360 : vector<16xf32>
          %swap3A_365 = arith.index_cast %scan3A_358 : i32 to index
          %swap3A_366 = arith.constant 0 : index
          %swap3A_367 = tpu.vector_load %arg13[%swap3A_365, %swap3A_366] {strides = array<i32>} : memref<80x128xf32, #tpu.memory_space<vmem>>, vector<16xf32>,
          tpu.vector_store %arg13[%swap3A_365, %swap3A_366], %mul3A_364 {strides = array<i32>} : memref<80x128xf32, #tpu.memory_space<vmem>>, vector<16xf32>,
          %get3A_368 = arith.index_cast %scan3A_358 : i32 to index
          %get3A_369 = arith.constant 16 : index
          %get3A_370 = tpu.vector_load %arg13[%get3A_368, %get3A_369] {strides = array<i32>} : memref<80x128xf32, #tpu.memory_space<vmem>>, vector<16xf32>,
          %mul3A_371 = arith.mulf %get3A_370, %gather3A_360 : vector<16xf32>
          %swap3A_372 = arith.index_cast %scan3A_358 : i32 to index
          %swap3A_373 = arith.constant 16 : index
          %swap3A_374 = tpu.vector_load %arg13[%swap3A_372, %swap3A_373] {strides = array<i32>} : memref<80x128xf32, #tpu.memory_space<vmem>>, vector<16xf32>,
          tpu.vector_store %arg13[%swap3A_372, %swap3A_373], %mul3A_371 {strides = array<i32>} : memref<80x128xf32, #tpu.memory_space<vmem>>, vector<16xf32>,
          %get3A_375 = arith.index_cast %scan3A_358 : i32 to index
          %get3A_376 = arith.constant 32 : index
          %get3A_377 = tpu.vector_load %arg13[%get3A_375, %get3A_376] {strides = array<i32>} : memref<80x128xf32, #tpu.memory_space<vmem>>, vector<16xf32>,
          %mul3A_378 = arith.mulf %get3A_377, %gather3A_360 : vector<16xf32>
          %swap3A_379 = arith.index_cast %scan3A_358 : i32 to index
          %swap3A_380 = arith.constant 32 : index
          %swap3A_381 = tpu.vector_load %arg13[%swap3A_379, %swap3A_380] {strides = array<i32>} : memref<80x128xf32, #tpu.memory_space<vmem>>, vector<16xf32>,
          tpu.vector_store %arg13[%swap3A_379, %swap3A_380], %mul3A_378 {strides = array<i32>} : memref<80x128xf32, #tpu.memory_space<vmem>>, vector<16xf32>,
          %get3A_382 = arith.index_cast %scan3A_358 : i32 to index
          %get3A_383 = arith.constant 48 : index
          %get3A_384 = tpu.vector_load %arg13[%get3A_382, %get3A_383] {strides = array<i32>} : memref<80x128xf32, #tpu.memory_space<vmem>>, vector<16xf32>,
          %mul3A_385 = arith.mulf %get3A_384, %gather3A_360 : vector<16xf32>
          %swap3A_386 = arith.index_cast %scan3A_358 : i32 to index
          %swap3A_387 = arith.constant 48 : index
          %swap3A_388 = tpu.vector_load %arg13[%swap3A_386, %swap3A_387] {strides = array<i32>} : memref<80x128xf32, #tpu.memory_space<vmem>>, vector<16xf32>,
          tpu.vector_store %arg13[%swap3A_386, %swap3A_387], %mul3A_385 {strides = array<i32>} : memref<80x128xf32, #tpu.memory_space<vmem>>, vector<16xf32>,
          %get3A_389 = arith.index_cast %scan3A_358 : i32 to index
          %get3A_390 = arith.constant 64 : index
          %get3A_391 = tpu.vector_load %arg13[%get3A_389, %get3A_390] {strides = array<i32>} : memref<80x128xf32, #tpu.memory_space<vmem>>, vector<16xf32>,
          %mul3A_392 = arith.mulf %get3A_391, %gather3A_360 : vector<16xf32>
          %swap3A_393 = arith.index_cast %scan3A_358 : i32 to index
          %swap3A_394 = arith.constant 64 : index
          %swap3A_395 = tpu.vector_load %arg13[%swap3A_393, %swap3A_394] {strides = array<i32>} : memref<80x128xf32, #tpu.memory_space<vmem>>, vector<16xf32>,
          tpu.vector_store %arg13[%swap3A_393, %swap3A_394], %mul3A_392 {strides = array<i32>} : memref<80x128xf32, #tpu.memory_space<vmem>>, vector<16xf32>,
          %get3A_396 = arith.index_cast %scan3A_358 : i32 to index
          %get3A_397 = arith.constant 80 : index
          %get3A_398 = tpu.vector_load %arg13[%get3A_396, %get3A_397] {strides = array<i32>} : memref<80x128xf32, #tpu.memory_space<vmem>>, vector<16xf32>,
          %mul3A_399 = arith.mulf %get3A_398, %gather3A_360 : vector<16xf32>
          %swap3A_400 = arith.index_cast %scan3A_358 : i32 to index
          %swap3A_401 = arith.constant 80 : index
          %swap3A_402 = tpu.vector_load %arg13[%swap3A_400, %swap3A_401] {strides = array<i32>} : memref<80x128xf32, #tpu.memory_space<vmem>>, vector<16xf32>,
          tpu.vector_store %arg13[%swap3A_400, %swap3A_401], %mul3A_399 {strides = array<i32>} : memref<80x128xf32, #tpu.memory_space<vmem>>, vector<16xf32>,
          %get3A_403 = arith.index_cast %scan3A_358 : i32 to index
          %get3A_404 = arith.constant 96 : index
          %get3A_405 = tpu.vector_load %arg13[%get3A_403, %get3A_404] {strides = array<i32>} : memref<80x128xf32, #tpu.memory_space<vmem>>, vector<16xf32>,
          %mul3A_406 = arith.mulf %get3A_405, %gather3A_360 : vector<16xf32>
          %swap3A_407 = arith.index_cast %scan3A_358 : i32 to index
          %swap3A_408 = arith.constant 96 : index
          %swap3A_409 = tpu.vector_load %arg13[%swap3A_407, %swap3A_408] {strides = array<i32>} : memref<80x128xf32, #tpu.memory_space<vmem>>, vector<16xf32>,
          tpu.vector_store %arg13[%swap3A_407, %swap3A_408], %mul3A_406 {strides = array<i32>} : memref<80x128xf32, #tpu.memory_space<vmem>>, vector<16xf32>,
          %get3A_410 = arith.index_cast %scan3A_358 : i32 to index
          %get3A_411 = arith.constant 112 : index
          %get3A_412 = tpu.vector_load %arg13[%get3A_410, %get3A_411] {strides = array<i32>} : memref<80x128xf32, #tpu.memory_space<vmem>>, vector<16xf32>,
          %mul3A_413 = arith.mulf %get3A_412, %gather3A_360 : vector<16xf32>
          %swap3A_414 = arith.index_cast %scan3A_358 : i32 to index
          %swap3A_415 = arith.constant 112 : index
          %swap3A_416 = tpu.vector_load %arg13[%swap3A_414, %swap3A_415] {strides = array<i32>} : memref<80x128xf32, #tpu.memory_space<vmem>>, vector<16xf32>,
          tpu.vector_store %arg13[%swap3A_414, %swap3A_415], %mul3A_413 {strides = array<i32>} : memref<80x128xf32, #tpu.memory_space<vmem>>, vector<16xf32>,
          %scan3A_417 = arith.constant 4 : i32
          %scan3A_418 = arith.addi %scan3A_180, %scan3A_417 : i32
          %broadcast_in_dim3A_419 = vector.broadcast %scan3A_418 : i32 to vector<16xi32>
          %gather3A_420 = tpu.vector_load_idx %arg17[%broadcast_in_dim3A_419] : memref<80xf32, #tpu.memory_space<vmem>>[vector<16xi32>], vector<16xf32>,
          %get3A_421 = arith.index_cast %scan3A_418 : i32 to index
          %get3A_422 = arith.constant 0 : index
          %get3A_423 = tpu.vector_load %arg13[%get3A_421, %get3A_422] {strides = array<i32>} : memref<80x128xf32, #tpu.memory_space<vmem>>, vector<16xf32>,
          %mul3A_424 = arith.mulf %get3A_423, %gather3A_420 : vector<16xf32>
          %swap3A_425 = arith.index_cast %scan3A_418 : i32 to index
          %swap3A_426 = arith.constant 0 : index
          %swap3A_427 = tpu.vector_load %arg13[%swap3A_425, %swap3A_426] {strides = array<i32>} : memref<80x128xf32, #tpu.memory_space<vmem>>, vector<16xf32>,
          tpu.vector_store %arg13[%swap3A_425, %swap3A_426], %mul3A_424 {strides = array<i32>} : memref<80x128xf32, #tpu.memory_space<vmem>>, vector<16xf32>,
          %get3A_428 = arith.index_cast %scan3A_418 : i32 to index
          %get3A_429 = arith.constant 16 : index
          %get3A_430 = tpu.vector_load %arg13[%get3A_428, %get3A_429] {strides = array<i32>} : memref<80x128xf32, #tpu.memory_space<vmem>>, vector<16xf32>,
          %mul3A_431 = arith.mulf %get3A_430, %gather3A_420 : vector<16xf32>
          %swap3A_432 = arith.index_cast %scan3A_418 : i32 to index
          %swap3A_433 = arith.constant 16 : index
          %swap3A_434 = tpu.vector_load %arg13[%swap3A_432, %swap3A_433] {strides = array<i32>} : memref<80x128xf32, #tpu.memory_space<vmem>>, vector<16xf32>,
          tpu.vector_store %arg13[%swap3A_432, %swap3A_433], %mul3A_431 {strides = array<i32>} : memref<80x128xf32, #tpu.memory_space<vmem>>, vector<16xf32>,
          %get3A_435 = arith.index_cast %scan3A_418 : i32 to index
          %get3A_436 = arith.constant 32 : index
          %get3A_437 = tpu.vector_load %arg13[%get3A_435, %get3A_436] {strides = array<i32>} : memref<80x128xf32, #tpu.memory_space<vmem>>, vector<16xf32>,
          %mul3A_438 = arith.mulf %get3A_437, %gather3A_420 : vector<16xf32>
          %swap3A_439 = arith.index_cast %scan3A_418 : i32 to index
          %swap3A_440 = arith.constant 32 : index
          %swap3A_441 = tpu.vector_load %arg13[%swap3A_439, %swap3A_440] {strides = array<i32>} : memref<80x128xf32, #tpu.memory_space<vmem>>, vector<16xf32>,
          tpu.vector_store %arg13[%swap3A_439, %swap3A_440], %mul3A_438 {strides = array<i32>} : memref<80x128xf32, #tpu.memory_space<vmem>>, vector<16xf32>,
          %get3A_442 = arith.index_cast %scan3A_418 : i32 to index
          %get3A_443 = arith.constant 48 : index
          %get3A_444 = tpu.vector_load %arg13[%get3A_442, %get3A_443] {strides = array<i32>} : memref<80x128xf32, #tpu.memory_space<vmem>>, vector<16xf32>,
          %mul3A_445 = arith.mulf %get3A_444, %gather3A_420 : vector<16xf32>
          %swap3A_446 = arith.index_cast %scan3A_418 : i32 to index
          %swap3A_447 = arith.constant 48 : index
          %swap3A_448 = tpu.vector_load %arg13[%swap3A_446, %swap3A_447] {strides = array<i32>} : memref<80x128xf32, #tpu.memory_space<vmem>>, vector<16xf32>,
          tpu.vector_store %arg13[%swap3A_446, %swap3A_447], %mul3A_445 {strides = array<i32>} : memref<80x128xf32, #tpu.memory_space<vmem>>, vector<16xf32>,
          %get3A_449 = arith.index_cast %scan3A_418 : i32 to index
          %get3A_450 = arith.constant 64 : index
          %get3A_451 = tpu.vector_load %arg13[%get3A_449, %get3A_450] {strides = array<i32>} : memref<80x128xf32, #tpu.memory_space<vmem>>, vector<16xf32>,
          %mul3A_452 = arith.mulf %get3A_451, %gather3A_420 : vector<16xf32>
          %swap3A_453 = arith.index_cast %scan3A_418 : i32 to index
          %swap3A_454 = arith.constant 64 : index
          %swap3A_455 = tpu.vector_load %arg13[%swap3A_453, %swap3A_454] {strides = array<i32>} : memref<80x128xf32, #tpu.memory_space<vmem>>, vector<16xf32>,
          tpu.vector_store %arg13[%swap3A_453, %swap3A_454], %mul3A_452 {strides = array<i32>} : memref<80x128xf32, #tpu.memory_space<vmem>>, vector<16xf32>,
          %get3A_456 = arith.index_cast %scan3A_418 : i32 to index
          %get3A_457 = arith.constant 80 : index
          %get3A_458 = tpu.vector_load %arg13[%get3A_456, %get3A_457] {strides = array<i32>} : memref<80x128xf32, #tpu.memory_space<vmem>>, vector<16xf32>,
          %mul3A_459 = arith.mulf %get3A_458, %gather3A_420 : vector<16xf32>
          %swap3A_460 = arith.index_cast %scan3A_418 : i32 to index
          %swap3A_461 = arith.constant 80 : index
          %swap3A_462 = tpu.vector_load %arg13[%swap3A_460, %swap3A_461] {strides = array<i32>} : memref<80x128xf32, #tpu.memory_space<vmem>>, vector<16xf32>,
          tpu.vector_store %arg13[%swap3A_460, %swap3A_461], %mul3A_459 {strides = array<i32>} : memref<80x128xf32, #tpu.memory_space<vmem>>, vector<16xf32>,
          %get3A_463 = arith.index_cast %scan3A_418 : i32 to index
          %get3A_464 = arith.constant 96 : index
          %get3A_465 = tpu.vector_load %arg13[%get3A_463, %get3A_464] {strides = array<i32>} : memref<80x128xf32, #tpu.memory_space<vmem>>, vector<16xf32>,
          %mul3A_466 = arith.mulf %get3A_465, %gather3A_420 : vector<16xf32>
          %swap3A_467 = arith.index_cast %scan3A_418 : i32 to index
          %swap3A_468 = arith.constant 96 : index
          %swap3A_469 = tpu.vector_load %arg13[%swap3A_467, %swap3A_468] {strides = array<i32>} : memref<80x128xf32, #tpu.memory_space<vmem>>, vector<16xf32>,
          tpu.vector_store %arg13[%swap3A_467, %swap3A_468], %mul3A_466 {strides = array<i32>} : memref<80x128xf32, #tpu.memory_space<vmem>>, vector<16xf32>,
          %get3A_470 = arith.index_cast %scan3A_418 : i32 to index
          %get3A_471 = arith.constant 112 : index
          %get3A_472 = tpu.vector_load %arg13[%get3A_470, %get3A_471] {strides = array<i32>} : memref<80x128xf32, #tpu.memory_space<vmem>>, vector<16xf32>,
          %mul3A_473 = arith.mulf %get3A_472, %gather3A_420 : vector<16xf32>
          %swap3A_474 = arith.index_cast %scan3A_418 : i32 to index
          %swap3A_475 = arith.constant 112 : index
          %swap3A_476 = tpu.vector_load %arg13[%swap3A_474, %swap3A_475] {strides = array<i32>} : memref<80x128xf32, #tpu.memory_space<vmem>>, vector<16xf32>,
          tpu.vector_store %arg13[%swap3A_474, %swap3A_475], %mul3A_473 {strides = array<i32>} : memref<80x128xf32, #tpu.memory_space<vmem>>, vector<16xf32>,
          %scan3A_477 = arith.constant 5 : i32
          %scan3A_478 = arith.addi %scan3A_180, %scan3A_477 : i32
          %broadcast_in_dim3A_479 = vector.broadcast %scan3A_478 : i32 to vector<16xi32>
          %gather3A_480 = tpu.vector_load_idx %arg17[%broadcast_in_dim3A_479] : memref<80xf32, #tpu.memory_space<vmem>>[vector<16xi32>], vector<16xf32>,
          %get3A_481 = arith.index_cast %scan3A_478 : i32 to index
          %get3A_482 = arith.constant 0 : index
          %get3A_483 = tpu.vector_load %arg13[%get3A_481, %get3A_482] {strides = array<i32>} : memref<80x128xf32, #tpu.memory_space<vmem>>, vector<16xf32>,
          %mul3A_484 = arith.mulf %get3A_483, %gather3A_480 : vector<16xf32>
          %swap3A_485 = arith.index_cast %scan3A_478 : i32 to index
          %swap3A_486 = arith.constant 0 : index
          %swap3A_487 = tpu.vector_load %arg13[%swap3A_485, %swap3A_486] {strides = array<i32>} : memref<80x128xf32, #tpu.memory_space<vmem>>, vector<16xf32>,
          tpu.vector_store %arg13[%swap3A_485, %swap3A_486], %mul3A_484 {strides = array<i32>} : memref<80x128xf32, #tpu.memory_space<vmem>>, vector<16xf32>,
          %get3A_488 = arith.index_cast %scan3A_478 : i32 to index
          %get3A_489 = arith.constant 16 : index
          %get3A_490 = tpu.vector_load %arg13[%get3A_488, %get3A_489] {strides = array<i32>} : memref<80x128xf32, #tpu.memory_space<vmem>>, vector<16xf32>,
          %mul3A_491 = arith.mulf %get3A_490, %gather3A_480 : vector<16xf32>
          %swap3A_492 = arith.index_cast %scan3A_478 : i32 to index
          %swap3A_493 = arith.constant 16 : index
          %swap3A_494 = tpu.vector_load %arg13[%swap3A_492, %swap3A_493] {strides = array<i32>} : memref<80x128xf32, #tpu.memory_space<vmem>>, vector<16xf32>,
          tpu.vector_store %arg13[%swap3A_492, %swap3A_493], %mul3A_491 {strides = array<i32>} : memref<80x128xf32, #tpu.memory_space<vmem>>, vector<16xf32>,
          %get3A_495 = arith.index_cast %scan3A_478 : i32 to index
          %get3A_496 = arith.constant 32 : index
          %get3A_497 = tpu.vector_load %arg13[%get3A_495, %get3A_496] {strides = array<i32>} : memref<80x128xf32, #tpu.memory_space<vmem>>, vector<16xf32>,
          %mul3A_498 = arith.mulf %get3A_497, %gather3A_480 : vector<16xf32>
          %swap3A_499 = arith.index_cast %scan3A_478 : i32 to index
          %swap3A_500 = arith.constant 32 : index
          %swap3A_501 = tpu.vector_load %arg13[%swap3A_499, %swap3A_500] {strides = array<i32>} : memref<80x128xf32, #tpu.memory_space<vmem>>, vector<16xf32>,
          tpu.vector_store %arg13[%swap3A_499, %swap3A_500], %mul3A_498 {strides = array<i32>} : memref<80x128xf32, #tpu.memory_space<vmem>>, vector<16xf32>,
          %get3A_502 = arith.index_cast %scan3A_478 : i32 to index
          %get3A_503 = arith.constant 48 : index
          %get3A_504 = tpu.vector_load %arg13[%get3A_502, %get3A_503] {strides = array<i32>} : memref<80x128xf32, #tpu.memory_space<vmem>>, vector<16xf32>,
          %mul3A_505 = arith.mulf %get3A_504, %gather3A_480 : vector<16xf32>
          %swap3A_506 = arith.index_cast %scan3A_478 : i32 to index
          %swap3A_507 = arith.constant 48 : index
          %swap3A_508 = tpu.vector_load %arg13[%swap3A_506, %swap3A_507] {strides = array<i32>} : memref<80x128xf32, #tpu.memory_space<vmem>>, vector<16xf32>,
          tpu.vector_store %arg13[%swap3A_506, %swap3A_507], %mul3A_505 {strides = array<i32>} : memref<80x128xf32, #tpu.memory_space<vmem>>, vector<16xf32>,
          %get3A_509 = arith.index_cast %scan3A_478 : i32 to index
          %get3A_510 = arith.constant 64 : index
          %get3A_511 = tpu.vector_load %arg13[%get3A_509, %get3A_510] {strides = array<i32>} : memref<80x128xf32, #tpu.memory_space<vmem>>, vector<16xf32>,
          %mul3A_512 = arith.mulf %get3A_511, %gather3A_480 : vector<16xf32>
          %swap3A_513 = arith.index_cast %scan3A_478 : i32 to index
          %swap3A_514 = arith.constant 64 : index
          %swap3A_515 = tpu.vector_load %arg13[%swap3A_513, %swap3A_514] {strides = array<i32>} : memref<80x128xf32, #tpu.memory_space<vmem>>, vector<16xf32>,
          tpu.vector_store %arg13[%swap3A_513, %swap3A_514], %mul3A_512 {strides = array<i32>} : memref<80x128xf32, #tpu.memory_space<vmem>>, vector<16xf32>,
          %get3A_516 = arith.index_cast %scan3A_478 : i32 to index
          %get3A_517 = arith.constant 80 : index
          %get3A_518 = tpu.vector_load %arg13[%get3A_516, %get3A_517] {strides = array<i32>} : memref<80x128xf32, #tpu.memory_space<vmem>>, vector<16xf32>,
          %mul3A_519 = arith.mulf %get3A_518, %gather3A_480 : vector<16xf32>
          %swap3A_520 = arith.index_cast %scan3A_478 : i32 to index
          %swap3A_521 = arith.constant 80 : index
          %swap3A_522 = tpu.vector_load %arg13[%swap3A_520, %swap3A_521] {strides = array<i32>} : memref<80x128xf32, #tpu.memory_space<vmem>>, vector<16xf32>,
          tpu.vector_store %arg13[%swap3A_520, %swap3A_521], %mul3A_519 {strides = array<i32>} : memref<80x128xf32, #tpu.memory_space<vmem>>, vector<16xf32>,
          %get3A_523 = arith.index_cast %scan3A_478 : i32 to index
          %get3A_524 = arith.constant 96 : index
          %get3A_525 = tpu.vector_load %arg13[%get3A_523, %get3A_524] {strides = array<i32>} : memref<80x128xf32, #tpu.memory_space<vmem>>, vector<16xf32>,
          %mul3A_526 = arith.mulf %get3A_525, %gather3A_480 : vector<16xf32>
          %swap3A_527 = arith.index_cast %scan3A_478 : i32 to index
          %swap3A_528 = arith.constant 96 : index
          %swap3A_529 = tpu.vector_load %arg13[%swap3A_527, %swap3A_528] {strides = array<i32>} : memref<80x128xf32, #tpu.memory_space<vmem>>, vector<16xf32>,
          tpu.vector_store %arg13[%swap3A_527, %swap3A_528], %mul3A_526 {strides = array<i32>} : memref<80x128xf32, #tpu.memory_space<vmem>>, vector<16xf32>,
          %get3A_530 = arith.index_cast %scan3A_478 : i32 to index
          %get3A_531 = arith.constant 112 : index
          %get3A_532 = tpu.vector_load %arg13[%get3A_530, %get3A_531] {strides = array<i32>} : memref<80x128xf32, #tpu.memory_space<vmem>>, vector<16xf32>,
          %mul3A_533 = arith.mulf %get3A_532, %gather3A_480 : vector<16xf32>
          %swap3A_534 = arith.index_cast %scan3A_478 : i32 to index
          %swap3A_535 = arith.constant 112 : index
          %swap3A_536 = tpu.vector_load %arg13[%swap3A_534, %swap3A_535] {strides = array<i32>} : memref<80x128xf32, #tpu.memory_space<vmem>>, vector<16xf32>,
          tpu.vector_store %arg13[%swap3A_534, %swap3A_535], %mul3A_533 {strides = array<i32>} : memref<80x128xf32, #tpu.memory_space<vmem>>, vector<16xf32>,
          %scan3A_537 = arith.constant 6 : i32
          %scan3A_538 = arith.addi %scan3A_180, %scan3A_537 : i32
          %broadcast_in_dim3A_539 = vector.broadcast %scan3A_538 : i32 to vector<16xi32>
          %gather3A_540 = tpu.vector_load_idx %arg17[%broadcast_in_dim3A_539] : memref<80xf32, #tpu.memory_space<vmem>>[vector<16xi32>], vector<16xf32>,
          %get3A_541 = arith.index_cast %scan3A_538 : i32 to index
          %get3A_542 = arith.constant 0 : index
          %get3A_543 = tpu.vector_load %arg13[%get3A_541, %get3A_542] {strides = array<i32>} : memref<80x128xf32, #tpu.memory_space<vmem>>, vector<16xf32>,
          %mul3A_544 = arith.mulf %get3A_543, %gather3A_540 : vector<16xf32>
          %swap3A_545 = arith.index_cast %scan3A_538 : i32 to index
          %swap3A_546 = arith.constant 0 : index
          %swap3A_547 = tpu.vector_load %arg13[%swap3A_545, %swap3A_546] {strides = array<i32>} : memref<80x128xf32, #tpu.memory_space<vmem>>, vector<16xf32>,
          tpu.vector_store %arg13[%swap3A_545, %swap3A_546], %mul3A_544 {strides = array<i32>} : memref<80x128xf32, #tpu.memory_space<vmem>>, vector<16xf32>,
          %get3A_548 = arith.index_cast %scan3A_538 : i32 to index
          %get3A_549 = arith.constant 16 : index
          %get3A_550 = tpu.vector_load %arg13[%get3A_548, %get3A_549] {strides = array<i32>} : memref<80x128xf32, #tpu.memory_space<vmem>>, vector<16xf32>,
          %mul3A_551 = arith.mulf %get3A_550, %gather3A_540 : vector<16xf32>
          %swap3A_552 = arith.index_cast %scan3A_538 : i32 to index
          %swap3A_553 = arith.constant 16 : index
          %swap3A_554 = tpu.vector_load %arg13[%swap3A_552, %swap3A_553] {strides = array<i32>} : memref<80x128xf32, #tpu.memory_space<vmem>>, vector<16xf32>,
          tpu.vector_store %arg13[%swap3A_552, %swap3A_553], %mul3A_551 {strides = array<i32>} : memref<80x128xf32, #tpu.memory_space<vmem>>, vector<16xf32>,
          %get3A_555 = arith.index_cast %scan3A_538 : i32 to index
          %get3A_556 = arith.constant 32 : index
          %get3A_557 = tpu.vector_load %arg13[%get3A_555, %get3A_556] {strides = array<i32>} : memref<80x128xf32, #tpu.memory_space<vmem>>, vector<16xf32>,
          %mul3A_558 = arith.mulf %get3A_557, %gather3A_540 : vector<16xf32>
          %swap3A_559 = arith.index_cast %scan3A_538 : i32 to index
          %swap3A_560 = arith.constant 32 : index
          %swap3A_561 = tpu.vector_load %arg13[%swap3A_559, %swap3A_560] {strides = array<i32>} : memref<80x128xf32, #tpu.memory_space<vmem>>, vector<16xf32>,
          tpu.vector_store %arg13[%swap3A_559, %swap3A_560], %mul3A_558 {strides = array<i32>} : memref<80x128xf32, #tpu.memory_space<vmem>>, vector<16xf32>,
          %get3A_562 = arith.index_cast %scan3A_538 : i32 to index
          %get3A_563 = arith.constant 48 : index
          %get3A_564 = tpu.vector_load %arg13[%get3A_562, %get3A_563] {strides = array<i32>} : memref<80x128xf32, #tpu.memory_space<vmem>>, vector<16xf32>,
          %mul3A_565 = arith.mulf %get3A_564, %gather3A_540 : vector<16xf32>
          %swap3A_566 = arith.index_cast %scan3A_538 : i32 to index
          %swap3A_567 = arith.constant 48 : index
          %swap3A_568 = tpu.vector_load %arg13[%swap3A_566, %swap3A_567] {strides = array<i32>} : memref<80x128xf32, #tpu.memory_space<vmem>>, vector<16xf32>,
          tpu.vector_store %arg13[%swap3A_566, %swap3A_567], %mul3A_565 {strides = array<i32>} : memref<80x128xf32, #tpu.memory_space<vmem>>, vector<16xf32>,
          %get3A_569 = arith.index_cast %scan3A_538 : i32 to index
          %get3A_570 = arith.constant 64 : index
          %get3A_571 = tpu.vector_load %arg13[%get3A_569, %get3A_570] {strides = array<i32>} : memref<80x128xf32, #tpu.memory_space<vmem>>, vector<16xf32>,
          %mul3A_572 = arith.mulf %get3A_571, %gather3A_540 : vector<16xf32>
          %swap3A_573 = arith.index_cast %scan3A_538 : i32 to index
          %swap3A_574 = arith.constant 64 : index
          %swap3A_575 = tpu.vector_load %arg13[%swap3A_573, %swap3A_574] {strides = array<i32>} : memref<80x128xf32, #tpu.memory_space<vmem>>, vector<16xf32>,
          tpu.vector_store %arg13[%swap3A_573, %swap3A_574], %mul3A_572 {strides = array<i32>} : memref<80x128xf32, #tpu.memory_space<vmem>>, vector<16xf32>,
          %get3A_576 = arith.index_cast %scan3A_538 : i32 to index
          %get3A_577 = arith.constant 80 : index
          %get3A_578 = tpu.vector_load %arg13[%get3A_576, %get3A_577] {strides = array<i32>} : memref<80x128xf32, #tpu.memory_space<vmem>>, vector<16xf32>,
          %mul3A_579 = arith.mulf %get3A_578, %gather3A_540 : vector<16xf32>
          %swap3A_580 = arith.index_cast %scan3A_538 : i32 to index
          %swap3A_581 = arith.constant 80 : index
          %swap3A_582 = tpu.vector_load %arg13[%swap3A_580, %swap3A_581] {strides = array<i32>} : memref<80x128xf32, #tpu.memory_space<vmem>>, vector<16xf32>,
          tpu.vector_store %arg13[%swap3A_580, %swap3A_581], %mul3A_579 {strides = array<i32>} : memref<80x128xf32, #tpu.memory_space<vmem>>, vector<16xf32>,
          %get3A_583 = arith.index_cast %scan3A_538 : i32 to index
          %get3A_584 = arith.constant 96 : index
          %get3A_585 = tpu.vector_load %arg13[%get3A_583, %get3A_584] {strides = array<i32>} : memref<80x128xf32, #tpu.memory_space<vmem>>, vector<16xf32>,
          %mul3A_586 = arith.mulf %get3A_585, %gather3A_540 : vector<16xf32>
          %swap3A_587 = arith.index_cast %scan3A_538 : i32 to index
          %swap3A_588 = arith.constant 96 : index
          %swap3A_589 = tpu.vector_load %arg13[%swap3A_587, %swap3A_588] {strides = array<i32>} : memref<80x128xf32, #tpu.memory_space<vmem>>, vector<16xf32>,
          tpu.vector_store %arg13[%swap3A_587, %swap3A_588], %mul3A_586 {strides = array<i32>} : memref<80x128xf32, #tpu.memory_space<vmem>>, vector<16xf32>,
          %get3A_590 = arith.index_cast %scan3A_538 : i32 to index
          %get3A_591 = arith.constant 112 : index
          %get3A_592 = tpu.vector_load %arg13[%get3A_590, %get3A_591] {strides = array<i32>} : memref<80x128xf32, #tpu.memory_space<vmem>>, vector<16xf32>,
          %mul3A_593 = arith.mulf %get3A_592, %gather3A_540 : vector<16xf32>
          %swap3A_594 = arith.index_cast %scan3A_538 : i32 to index
          %swap3A_595 = arith.constant 112 : index
          %swap3A_596 = tpu.vector_load %arg13[%swap3A_594, %swap3A_595] {strides = array<i32>} : memref<80x128xf32, #tpu.memory_space<vmem>>, vector<16xf32>,
          tpu.vector_store %arg13[%swap3A_594, %swap3A_595], %mul3A_593 {strides = array<i32>} : memref<80x128xf32, #tpu.memory_space<vmem>>, vector<16xf32>,
          %scan3A_597 = arith.constant 7 : i32
          %scan3A_598 = arith.addi %scan3A_180, %scan3A_597 : i32
          %broadcast_in_dim3A_599 = vector.broadcast %scan3A_598 : i32 to vector<16xi32>
          %gather3A_600 = tpu.vector_load_idx %arg17[%broadcast_in_dim3A_599] : memref<80xf32, #tpu.memory_space<vmem>>[vector<16xi32>], vector<16xf32>,
          %get3A_601 = arith.index_cast %scan3A_598 : i32 to index
          %get3A_602 = arith.constant 0 : index
          %get3A_603 = tpu.vector_load %arg13[%get3A_601, %get3A_602] {strides = array<i32>} : memref<80x128xf32, #tpu.memory_space<vmem>>, vector<16xf32>,
          %mul3A_604 = arith.mulf %get3A_603, %gather3A_600 : vector<16xf32>
          %swap3A_605 = arith.index_cast %scan3A_598 : i32 to index
          %swap3A_606 = arith.constant 0 : index
          %swap3A_607 = tpu.vector_load %arg13[%swap3A_605, %swap3A_606] {strides = array<i32>} : memref<80x128xf32, #tpu.memory_space<vmem>>, vector<16xf32>,
          tpu.vector_store %arg13[%swap3A_605, %swap3A_606], %mul3A_604 {strides = array<i32>} : memref<80x128xf32, #tpu.memory_space<vmem>>, vector<16xf32>,
          %get3A_608 = arith.index_cast %scan3A_598 : i32 to index
          %get3A_609 = arith.constant 16 : index
          %get3A_610 = tpu.vector_load %arg13[%get3A_608, %get3A_609] {strides = array<i32>} : memref<80x128xf32, #tpu.memory_space<vmem>>, vector<16xf32>,
          %mul3A_611 = arith.mulf %get3A_610, %gather3A_600 : vector<16xf32>
          %swap3A_612 = arith.index_cast %scan3A_598 : i32 to index
          %swap3A_613 = arith.constant 16 : index
          %swap3A_614 = tpu.vector_load %arg13[%swap3A_612, %swap3A_613] {strides = array<i32>} : memref<80x128xf32, #tpu.memory_space<vmem>>, vector<16xf32>,
          tpu.vector_store %arg13[%swap3A_612, %swap3A_613], %mul3A_611 {strides = array<i32>} : memref<80x128xf32, #tpu.memory_space<vmem>>, vector<16xf32>,
          %get3A_615 = arith.index_cast %scan3A_598 : i32 to index
          %get3A_616 = arith.constant 32 : index
          %get3A_617 = tpu.vector_load %arg13[%get3A_615, %get3A_616] {strides = array<i32>} : memref<80x128xf32, #tpu.memory_space<vmem>>, vector<16xf32>,
          %mul3A_618 = arith.mulf %get3A_617, %gather3A_600 : vector<16xf32>
          %swap3A_619 = arith.index_cast %scan3A_598 : i32 to index
          %swap3A_620 = arith.constant 32 : index
          %swap3A_621 = tpu.vector_load %arg13[%swap3A_619, %swap3A_620] {strides = array<i32>} : memref<80x128xf32, #tpu.memory_space<vmem>>, vector<16xf32>,
          tpu.vector_store %arg13[%swap3A_619, %swap3A_620], %mul3A_618 {strides = array<i32>} : memref<80x128xf32, #tpu.memory_space<vmem>>, vector<16xf32>,
          %get3A_622 = arith.index_cast %scan3A_598 : i32 to index
          %get3A_623 = arith.constant 48 : index
          %get3A_624 = tpu.vector_load %arg13[%get3A_622, %get3A_623] {strides = array<i32>} : memref<80x128xf32, #tpu.memory_space<vmem>>, vector<16xf32>,
          %mul3A_625 = arith.mulf %get3A_624, %gather3A_600 : vector<16xf32>
          %swap3A_626 = arith.index_cast %scan3A_598 : i32 to index
          %swap3A_627 = arith.constant 48 : index
          %swap3A_628 = tpu.vector_load %arg13[%swap3A_626, %swap3A_627] {strides = array<i32>} : memref<80x128xf32, #tpu.memory_space<vmem>>, vector<16xf32>,
          tpu.vector_store %arg13[%swap3A_626, %swap3A_627], %mul3A_625 {strides = array<i32>} : memref<80x128xf32, #tpu.memory_space<vmem>>, vector<16xf32>,
          %get3A_629 = arith.index_cast %scan3A_598 : i32 to index
          %get3A_630 = arith.constant 64 : index
          %get3A_631 = tpu.vector_load %arg13[%get3A_629, %get3A_630] {strides = array<i32>} : memref<80x128xf32, #tpu.memory_space<vmem>>, vector<16xf32>,
          %mul3A_632 = arith.mulf %get3A_631, %gather3A_600 : vector<16xf32>
          %swap3A_633 = arith.index_cast %scan3A_598 : i32 to index
          %swap3A_634 = arith.constant 64 : index
          %swap3A_635 = tpu.vector_load %arg13[%swap3A_633, %swap3A_634] {strides = array<i32>} : memref<80x128xf32, #tpu.memory_space<vmem>>, vector<16xf32>,
          tpu.vector_store %arg13[%swap3A_633, %swap3A_634], %mul3A_632 {strides = array<i32>} : memref<80x128xf32, #tpu.memory_space<vmem>>, vector<16xf32>,
          %get3A_636 = arith.index_cast %scan3A_598 : i32 to index
          %get3A_637 = arith.constant 80 : index
          %get3A_638 = tpu.vector_load %arg13[%get3A_636, %get3A_637] {strides = array<i32>} : memref<80x128xf32, #tpu.memory_space<vmem>>, vector<16xf32>,
          %mul3A_639 = arith.mulf %get3A_638, %gather3A_600 : vector<16xf32>
          %swap3A_640 = arith.index_cast %scan3A_598 : i32 to index
          %swap3A_641 = arith.constant 80 : index
          %swap3A_642 = tpu.vector_load %arg13[%swap3A_640, %swap3A_641] {strides = array<i32>} : memref<80x128xf32, #tpu.memory_space<vmem>>, vector<16xf32>,
          tpu.vector_store %arg13[%swap3A_640, %swap3A_641], %mul3A_639 {strides = array<i32>} : memref<80x128xf32, #tpu.memory_space<vmem>>, vector<16xf32>,
          %get3A_643 = arith.index_cast %scan3A_598 : i32 to index
          %get3A_644 = arith.constant 96 : index
          %get3A_645 = tpu.vector_load %arg13[%get3A_643, %get3A_644] {strides = array<i32>} : memref<80x128xf32, #tpu.memory_space<vmem>>, vector<16xf32>,
          %mul3A_646 = arith.mulf %get3A_645, %gather3A_600 : vector<16xf32>
          %swap3A_647 = arith.index_cast %scan3A_598 : i32 to index
          %swap3A_648 = arith.constant 96 : index
          %swap3A_649 = tpu.vector_load %arg13[%swap3A_647, %swap3A_648] {strides = array<i32>} : memref<80x128xf32, #tpu.memory_space<vmem>>, vector<16xf32>,
          tpu.vector_store %arg13[%swap3A_647, %swap3A_648], %mul3A_646 {strides = array<i32>} : memref<80x128xf32, #tpu.memory_space<vmem>>, vector<16xf32>,
          %get3A_650 = arith.index_cast %scan3A_598 : i32 to index
          %get3A_651 = arith.constant 112 : index
          %get3A_652 = tpu.vector_load %arg13[%get3A_650, %get3A_651] {strides = array<i32>} : memref<80x128xf32, #tpu.memory_space<vmem>>, vector<16xf32>,
          %mul3A_653 = arith.mulf %get3A_652, %gather3A_600 : vector<16xf32>
          %swap3A_654 = arith.index_cast %scan3A_598 : i32 to index
          %swap3A_655 = arith.constant 112 : index
          %swap3A_656 = tpu.vector_load %arg13[%swap3A_654, %swap3A_655] {strides = array<i32>} : memref<80x128xf32, #tpu.memory_space<vmem>>, vector<16xf32>,
          tpu.vector_store %arg13[%swap3A_654, %swap3A_655], %mul3A_653 {strides = array<i32>} : memref<80x128xf32, #tpu.memory_space<vmem>>, vector<16xf32>,
        }
        %scan3A_179 = arith.constant 80 : i32
        "tpu.region"() ({
          %run_scoped3A = tpu.sem_alloc : memref<!tpu.dma_semaphore, #tpu.memory_space<semaphore_mem>>
          %dma_start3A_180 = arith.constant 0 : i32
          %dma_start3A_181 = arith.constant 0 : i32
          %dma_start3A_182 = tpu.memref_slice %arg8[%dma_start3A_180, %dma_start3A_181] : memref<10000x128xf32, #tpu.memory_space<vmem_shared>> -> memref<10000x128xf32, #tpu.memory_space<vmem_shared>>
          tpu.enqueue_indirect_dma source(%arg13 : memref<80x128xf32, #tpu.memory_space<vmem>>) target(%dma_start3A_182 : memref<10000x128xf32, #tpu.memory_space<vmem_shared>>) offsets(%arg16 : memref<80xi32, #tpu.memory_space<vmem>>) semaphore(%run_scoped3A : memref<!tpu.dma_semaphore, #tpu.memory_space<semaphore_mem>>) {add = true}
          %dma_wait3A_183 = arith.constant 0 : i32
          %dma_wait3A_184 = arith.constant 0 : i32
          %dma_wait3A_185 = tpu.memref_slice %arg8[%dma_wait3A_183, %dma_wait3A_184] : memref<10000x128xf32, #tpu.memory_space<vmem_shared>> -> memref<10000x128xf32, #tpu.memory_space<vmem_shared>>
          tpu.wait_indirect_dma semaphore(%run_scoped3A : memref<!tpu.dma_semaphore, #tpu.memory_space<semaphore_mem>>) src(%arg13 : memref<80x128xf32, #tpu.memory_space<vmem>>) dst(%dma_wait3A_185 : memref<10000x128xf32, #tpu.memory_space<vmem_shared>>)
          tpu.yield
        }) : () -> ()
      } else {
      }
    }
    %scan3A_36 = arith.constant 63 : i32
    %barrier3A_37 = arith.constant 0 : index
    tpu.barrier barrier_id(%barrier3A_37)
    "tpu.region"() ({
      %run_scoped3A = tpu.sem_alloc : memref<!tpu.dma_semaphore, #tpu.memory_space<semaphore_mem>>
      %dma_start3A_38 = arith.constant 0 : i32
      %dma_start3A_39 = tpu.memref_slice %arg7[%arg0, %multiple_of3A, %dma_start3A_38] : memref<2x10000x128xf32, #tpu.memory_space<hbm>> -> memref<1x625x128xf32, #tpu.memory_space<hbm>>
      %dma_start3A_40 = tpu.memref_squeeze %dma_start3A_39 : memref<1x625x128xf32, #tpu.memory_space<hbm>> -> memref<625x128xf32, #tpu.memory_space<hbm>>
      %dma_start3A_41 = arith.constant 0 : i32
      %dma_start3A_42 = tpu.memref_slice %arg8[%multiple_of3A, %dma_start3A_41] : memref<10000x128xf32, #tpu.memory_space<vmem_shared>> -> memref<625x128xf32, #tpu.memory_space<vmem_shared>>
      tpu.enqueue_dma source(%dma_start3A_42 : memref<625x128xf32, #tpu.memory_space<vmem_shared>>) target(%dma_start3A_40 : memref<625x128xf32, #tpu.memory_space<hbm>>) target_semaphore(%run_scoped3A : memref<!tpu.dma_semaphore, #tpu.memory_space<semaphore_mem>>)
      %dma_wait3A = arith.constant 0 : i32
      %dma_wait3A_43 = tpu.memref_slice %arg7[%arg0, %multiple_of3A, %dma_wait3A] : memref<2x10000x128xf32, #tpu.memory_space<hbm>> -> memref<1x625x128xf32, #tpu.memory_space<hbm>>
      %dma_wait3A_44 = tpu.memref_squeeze %dma_wait3A_43 : memref<1x625x128xf32, #tpu.memory_space<hbm>> -> memref<625x128xf32, #tpu.memory_space<hbm>>
      %dma_wait3A_45 = arith.constant 0 : i32
      %dma_wait3A_46 = tpu.memref_slice %arg8[%multiple_of3A, %dma_wait3A_45] : memref<10000x128xf32, #tpu.memory_space<vmem_shared>> -> memref<625x128xf32, #tpu.memory_space<vmem_shared>>
      tpu.wait_dma2 semaphore(%run_scoped3A : memref<!tpu.dma_semaphore, #tpu.memory_space<semaphore_mem>>) src(%dma_wait3A_46 : memref<625x128xf32, #tpu.memory_space<vmem_shared>>) dst(%dma_wait3A_44 : memref<625x128xf32, #tpu.memory_space<hbm>>)
      tpu.yield
    }) : () -> ()
    return
  }
}

module attributes {stable_mosaic.version = 14 : i64} {
  func.func @_fin_body(%arg0: i32, %arg1: memref<2x1000x128xf32, #tpu.memory_space<vmem>>, %arg2: memref<1x128xf32, #tpu.memory_space<vmem>>, %arg3: memref<1000x128xf32, #tpu.memory_space<vmem>>) attributes {dimension_semantics = [#tpu.dimension_semantics<arbitrary>], iteration_bounds = array<i64: 10>, scalar_prefetch = 0 : i64, scratch_operands = 0 : i64, tpu.core_type = #tpu.core_type<tc>, window_params = [{transform_indices = @transform_0, window_bounds = array<i64: 2, 1000, 128>}, {pipeline_mode = #tpu.pipeline_mode<synchronous>, transform_indices = @transform_1, window_bounds = array<i64: 1, 128>}, {transform_indices = @transform_2, window_bounds = array<i64: 1000, 128>}]} {
    %get3A = arith.constant 0 : index
    %get3A_0 = arith.constant 0 : index
    %get3A_1 = arith.constant 0 : index
    %get3A_2 = vector.load %arg1[%get3A, %get3A_0, %get3A_1] : memref<2x1000x128xf32, #tpu.memory_space<vmem>>, vector<1x1000x128xf32>
    %get3A_3 = vector.shape_cast %get3A_2 : vector<1x1000x128xf32> to vector<1000x128xf32>
    %get3A_4 = arith.constant 1 : index
    %get3A_5 = arith.constant 0 : index
    %get3A_6 = arith.constant 0 : index
    %get3A_7 = vector.load %arg1[%get3A_4, %get3A_5, %get3A_6] : memref<2x1000x128xf32, #tpu.memory_space<vmem>>, vector<1x1000x128xf32>
    %get3A_8 = vector.shape_cast %get3A_7 : vector<1x1000x128xf32> to vector<1000x128xf32>
    %add3A = arith.addf %get3A_3, %get3A_8 : vector<1000x128xf32>
    %get3A_9 = arith.constant 0 : index
    %get3A_10 = arith.constant 0 : index
    %get3A_11 = vector.load %arg2[%get3A_9, %get3A_10] : memref<1x128xf32, #tpu.memory_space<vmem>>, vector<1x128xf32>
    %add3A_12 = vector.broadcast %get3A_11 : vector<1x128xf32> to vector<1000x128xf32>
    %add3A_13 = arith.addf %add3A, %add3A_12 : vector<1000x128xf32>
    %max3A = arith.constant 0.000000e+00 : f32
    %max3A_14 = vector.broadcast %max3A : f32 to vector<1000x128xf32>
    %max3A_15 = arith.maximumf %add3A_13, %max3A_14 : vector<1000x128xf32>
    %swap3A = arith.constant 0 : index
    %swap3A_16 = arith.constant 0 : index
    %swap3A_17 = vector.load %arg3[%swap3A, %swap3A_16] : memref<1000x128xf32, #tpu.memory_space<vmem>>, vector<1000x128xf32>
    tpu.vector_store %arg3[%swap3A, %swap3A_16], %max3A_15 {strides = array<i32>} : memref<1000x128xf32, #tpu.memory_space<vmem>>, vector<1000x128xf32>,
    return
  }
  func.func @transform_0(%arg0: i32) -> (i32, i32, i32) {
    %c0_i32 = arith.constant 0 : i32
    %c0_i32_0 = arith.constant 0 : i32
    %c0_i32_1 = arith.constant 0 : i32
    return %c0_i32, %arg0, %c0_i32_0 : i32, i32, i32
  }
  func.func @transform_1(%arg0: i32) -> (i32, i32) {
    %c0_i32 = arith.constant 0 : i32
    %c0_i32_0 = arith.constant 0 : i32
    %c0_i32_1 = arith.constant 0 : i32
    return %c0_i32, %c0_i32_0 : i32, i32
  }
  func.func @transform_2(%arg0: i32) -> (i32, i32) {
    %c0_i32 = arith.constant 0 : i32
    %c0_i32_0 = arith.constant 0 : i32
    return %arg0, %c0_i32 : i32, i32
  }
}

module attributes {stable_mosaic.version = 14 : i64} {
  func.func @_mm_body(%arg0: i32, %arg1: memref<1000x128xf32, #tpu.memory_space<vmem>>, %arg2: memref<128x128xf32, #tpu.memory_space<vmem>>, %arg3: memref<1000x128xf32, #tpu.memory_space<vmem>>) attributes {dimension_semantics = [#tpu.dimension_semantics<arbitrary>], iteration_bounds = array<i64: 10>, scalar_prefetch = 0 : i64, scratch_operands = 0 : i64, tpu.core_type = #tpu.core_type<tc>, window_params = [{transform_indices = @transform_0, window_bounds = array<i64: 1000, 128>}, {pipeline_mode = #tpu.pipeline_mode<synchronous>, transform_indices = @transform_1, window_bounds = array<i64: 128, 128>}, {transform_indices = @transform_2, window_bounds = array<i64: 1000, 128>}]} {
    %get3A = arith.constant 0 : index
    %get3A_0 = arith.constant 0 : index
    %get3A_1 = vector.load %arg1[%get3A, %get3A_0] : memref<1000x128xf32, #tpu.memory_space<vmem>>, vector<1000x128xf32>
    %get3A_2 = arith.constant 0 : index
    %get3A_3 = arith.constant 0 : index
    %get3A_4 = vector.load %arg2[%get3A_2, %get3A_3] : memref<128x128xf32, #tpu.memory_space<vmem>>, vector<128x128xf32>
    %dot_general3A = arith.constant dense<0.000000e+00> : vector<1000x128xf32>
    %dot_general3A_5 = tpu.matmul %get3A_1, %get3A_4, %dot_general3A {dimension_numbers = #tpu.dot_dimension_numbers<[1], [0], [0], [1], [0, 0, 1, 1], [], []>, transpose_lhs_hint = false} : vector<1000x128xf32>, vector<128x128xf32>, vector<1000x128xf32> -> vector<1000x128xf32>
    %swap3A = arith.constant 0 : index
    %swap3A_6 = arith.constant 0 : index
    %swap3A_7 = vector.load %arg3[%swap3A, %swap3A_6] : memref<1000x128xf32, #tpu.memory_space<vmem>>, vector<1000x128xf32>
    tpu.vector_store %arg3[%swap3A, %swap3A_6], %dot_general3A_5 {strides = array<i32>} : memref<1000x128xf32, #tpu.memory_space<vmem>>, vector<1000x128xf32>,
    return
  }
  func.func @transform_0(%arg0: i32) -> (i32, i32) {
    %c0_i32 = arith.constant 0 : i32
    %c0_i32_0 = arith.constant 0 : i32
    return %arg0, %c0_i32 : i32, i32
  }
  func.func @transform_1(%arg0: i32) -> (i32, i32) {
    %c0_i32 = arith.constant 0 : i32
    %c0_i32_0 = arith.constant 0 : i32
    %c0_i32_1 = arith.constant 0 : i32
    return %c0_i32, %c0_i32_0 : i32, i32
  }
  func.func @transform_2(%arg0: i32) -> (i32, i32) {
    %c0_i32 = arith.constant 0 : i32
    %c0_i32_0 = arith.constant 0 : i32
    return %arg0, %c0_i32 : i32, i32
  }
}

</mosaic_0001>

<sc_bundles>
// kernel: kernel.5.cloned.1.call-start
scs
__scs_entry_jumppad:
0x0: {  	(pc) =	sbr.rel $0x88, $3  }
0x1: {  	(tag) =	ssettag $0x0;
	lr =	simm.s32 $0x1  }
0x2: {  	[smem:$0x3F9C] =	sst lr;
	_ =	strace $0xD0000000  }
0x3: {  	_ = 	snop  }
0x4: {  	_ = 	snop  }
0x5: {  	_ = 	snop  }
0x6: {  	_ = 	snop  }
0x7: {  	_ = 	snop  }
__scs_overlays_trampoline_lowered:
0x8: {  	[smem:$0x3FAB] =	sst s0  }
0x9: {  	[smem:$0x3FAC] =	sst s1  }
0xa: {  	[smem:$0x3FAD] =	sst s2  }
0xb: {  	[smem:$0x3FAE] =	sst s3  }
0xc: {  	[smem:$0x3FAF] =	sst s4  }
0xd: {  	[smem:$0x3FB0] =	sst s5  }
0xe: {  	[smem:$0x3FB1] =	sst s6  }
0xf: {  	[smem:$0x3FB2] =	sst s7  }
0x10: {  	[smem:$0x3FB3] =	sst s8  }
0x11: {  	[smem:$0x3FB4] =	sst s9;
	s0 =	simm.s32 @!p0 $0x0  }
0x12: {  	s1 =	sld [smem:$0x3F9A];
	s0 =	simm.s32 @p0 $0x1  }
0x13: {  	[smem:$0x3FB5] =	sst s0;
	s0 =	simm.s32 @!p1 $0x0  }
0x14: {  	s2 =	sld [smem:$0x3F99];
	s0 =	simm.s32 @p1 $0x1  }
0x15: {  	[smem:$0x3FB6] =	sst s0;
	s0 =	simm.s32 @!p2 $0x0  }
0x16: {  	s3 =	sld [smem:$0x3FDB];
	s0 =	simm.s32 @p2 $0x1  }
0x17: {  	s4 =	simm.s32 $0x1BF5;
	[smem:$0x3FB8] =	sst s0  }
0x18: {  	s0 =	sld [smem:$0x3F9B];
	_ =	swait.ge [sflag:s4], $0x0  }
0x19: {  	s7 =	sld [smem:$0x3F9C]  }
0x1a: {  	s8 =	sadd.s32 $0xFFFFE003, lr  }
0x1b: {  	s9 =	sadd.s32 $0xFFFFFEF7, lr;
	s5 =	simm.s32 $0xFFFFFFFF;
	p2 =	slt.u32 s8, $0xFFFFF086  }
0x1c: {  	p1 =	slt.u32 s9, $0xF7A;
	s5 =	simm.s32 @!p2 $0x0  }
0x1d: {  	s5 =	simm.s32 @p1 $0x1;
	p0 =	seq.s32 s7, s2  }
0x1e: {  	s7 =	smul.u32 @!p0 $0xF7A, s2;
	p2 =	seq.s32 @!p0 s5, $0x0  }
0x1f: {  	s9 =	smul.u32 $0xF7A, s1;
	s8 =	simm.s32 @!p0 $0x1BF5;
	p2 =	por !p2, p0  }
0x20: {  	[sflag:s8] =	ssyncset.s32 @!p0 $0xFFFFF086;
	s6 =	sadd.s32 @!p0 s3, s7;
	s7 =	simm.s32 @!p0 $0x108  }
0x21: {  	s3 =	sadd.s32 s3, s9;
	s6 =	sadd.s32 @!p0 $0x88, s6;
	s7 =	simm.s32 @p2 $0x1082  }
0x22: {  	[simem:s7], [sflag:s8] =	dma.local @!p0 [hbm:s6], $0xF7A  }
0x23: {  	s9 =	sor.u32 $0xD0000000, s2;
	s6 =	simm.s32 $0x108;
	_ =	swait.ge @!p0 [sflag:s8], $0x0  }
0x24: {  	s3 =	sadd.s32 $0x88, s3;
	s6 =	simm.s32 @!p1 $0x1082;
	[sflag:s4] =	ssyncset.s32 $0xFFFFF086  }
0x25: {  	[simem:s6], [sflag:s4] =	dma.local [hbm:s3], $0xF7A  }
0x26: {  	[smem:$0x3F9C] =	sst s1;
	(tag) =	ssettag s2;
	_ =	strace s9  }
0x27: {  	s1 =	sld [smem:$0x3FAC]  }
0x28: {  	s2 =	sld [smem:$0x3FAD]  }
0x29: {  	s4 =	sld [smem:$0x3FAF]  }
0x2a: {  	p0 =	seq.s32 s5, $0x0;
	s5 =	sld [smem:$0x3FB0]  }
0x2b: {  	s6 =	sld [smem:$0x3FB1]  }
0x2c: {  	s7 =	sld [smem:$0x3FB2]  }
0x2d: {  	s3 =	simm.s32 $0x108;
	s8 =	sld [smem:$0x3FB3]  }
0x2e: {  	s3 =	simm.s32 @!p0 $0x1082;
	s9 =	sld [smem:$0x3FB4]  }
0x2f: {  	lr =	sadd.s32 s0, s3;
	s0 =	sld [smem:$0x3FAB]  }
0x30: {  	s3 =	sld [smem:$0x3FAE]  }
0x31: {  	[smem:$0x3FB7] =	sst s10  }
0x32: {  	s10 =	sld [smem:$0x3FB5];
	_ =	sdelay $0x3  }
0x33: {  	p0 =	seq.s32 s10, $0x1;
	s10 =	sld [smem:$0x3FB7];
	_ =	sdelay $0x3  }
0x34: {  	[smem:$0x3FB7] =	sst s10  }
0x35: {  	s10 =	sld [smem:$0x3FB6];
	_ =	sdelay $0x3  }
0x36: {  	p1 =	seq.s32 s10, $0x1;
	s10 =	sld [smem:$0x3FB7];
	_ =	sdelay $0x3  }
0x37: {  	[smem:$0x3FB7] =	sst s10  }
0x38: {  	s10 =	sld [smem:$0x3FB8]  }
0x39: {  	_ = 	snop;
	(pc) =	sbr.ind lr, $3  }
0x3a: {  	_ = 	snop  }
0x3b: {  	_ = 	snop  }
0x3c: {  	p2 =	seq.s32 s10, $0x1;
	s10 =	sld [smem:$0x3FB7]  }
0x3d: {  	_ =	shalt  }
0x3e: {  	_ =	shalt  }
0x3f: {  	_ =	shalt  }
0x40: {  	_ =	shalt  }
0x41: {  	_ =	shalt  }
0x42: {  	_ =	shalt  }
0x43: {  	_ =	shalt  }
0x44: {  	_ =	shalt  }
0x45: {  	_ =	shalt  }
0x46: {  	_ =	shalt  }
0x47: {  	_ =	shalt  }
0x48: {  	_ =	shalt  }
0x49: {  	_ =	shalt  }
0x4a: {  	_ =	shalt  }
0x4b: {  	_ =	shalt  }
0x4c: {  	_ =	shalt  }
0x4d: {  	_ =	shalt  }
0x4e: {  	_ =	shalt  }
0x4f: {  	_ =	shalt  }
0x50: {  	_ =	shalt  }
0x51: {  	_ =	shalt  }
0x52: {  	_ =	shalt  }
0x53: {  	_ =	shalt  }
0x54: {  	_ =	shalt  }
0x55: {  	_ =	shalt  }
0x56: {  	_ =	shalt  }
0x57: {  	_ =	shalt  }
0x58: {  	_ =	shalt  }
0x59: {  	_ =	shalt  }
0x5a: {  	_ =	shalt  }
0x5b: {  	_ =	shalt  }
0x5c: {  	_ =	shalt  }
0x5d: {  	_ =	shalt  }
0x5e: {  	_ =	shalt  }
0x5f: {  	_ =	shalt  }
0x60: {  	_ =	shalt  }
0x61: {  	_ =	shalt  }
0x62: {  	_ =	shalt  }
0x63: {  	_ =	shalt  }
0x64: {  	_ =	shalt  }
0x65: {  	_ =	shalt  }
0x66: {  	_ =	shalt  }
0x67: {  	_ =	shalt  }
0x68: {  	_ =	shalt  }
0x69: {  	_ =	shalt  }
0x6a: {  	_ =	shalt  }
0x6b: {  	_ =	shalt  }
0x6c: {  	_ =	shalt  }
0x6d: {  	_ =	shalt  }
0x6e: {  	_ =	shalt  }
0x6f: {  	_ =	shalt  }
0x70: {  	_ =	shalt  }
0x71: {  	_ =	shalt  }
0x72: {  	_ =	shalt  }
0x73: {  	_ =	shalt  }
0x74: {  	_ =	shalt  }
0x75: {  	_ =	shalt  }
0x76: {  	_ =	shalt  }
0x77: {  	_ =	shalt  }
0x78: {  	_ =	shalt  }
0x79: {  	_ =	shalt  }
0x7a: {  	_ =	shalt  }
0x7b: {  	_ =	shalt  }
0x7c: {  	_ =	shalt  }
0x7d: {  	_ =	shalt  }
0x7e: {  	_ =	shalt  }
0x7f: {  	_ =	shalt  }
0x80: {  	_ =	shalt  }
0x81: {  	_ =	shalt  }
0x82: {  	_ =	shalt  }
0x83: {  	_ =	shalt  }
0x84: {  	_ =	shalt  }
0x85: {  	_ =	shalt  }
0x86: {  	_ =	shalt  }
0x87: {  	_ =	shalt  }
.Lfunc_end0:
.L_simem_size_0:
called_computation_lowered:
.L_overlay_start_0:
0x88: {  	s2 =	sld [smem:$0x3FD9]  }
0x89: {  	s3 =	sld [smem:$0x3FFE];
	_ =	sdelay $0x1  }
0x8a: {  	s1 =	srdreg.scid  }
0x8b: {  	s0 =	sand.u32 $0x1, s1  }
0x8c: {  	s17 =	sshll.u32 s0, $0xA;
	s2 =	sadd.s32 s3, s2  }
0x8d: {  	s2 =	sadd.s32 s2, s17  }
0x8e: {  	[smem:$0x3FC3] =	sst s2  }
0x8f: {  	_ = 	snop  }
0x90: {  	s2 =	sld [smem:$0x3FC7]  }
0x91: {  	s18 =	sld [smem:$0x3FD0];
	(tm) =	ssettm $0x1  }
0x92: {  	s4 =	sld [smem:$0x3FFB];
	_ =	sdelay $0x3  }
0x93: {  	_ =	strace s4  }
0x94: {  	s4 =	sld [smem:$0x3FFC];
	_ =	sdelay $0x3  }
0x95: {  	_ =	strace s4  }
0x96: {  	s4 =	sld [smem:$0x3FFD];
	_ =	sdelay $0x3  }
0x97: {  	_ =	strace s4  }
0x98: {  	_ =	strace $0x8FFFFFFF  }
0x99: {  	s19 =	sld [smem:$0x3FDB];
	_ =	sdelay $0x1  }
0x9a: {  	s5 =	simm.s32 $_scs_section_size  }
0x9b: {  	s6 =	simm.s32 $_size__tile_overlayer_lowered;
	s7 =	simm.s32 $_tile_overlayer_lowered  }
0x9c: {  	s22 =	simm.s32 $0x1BFF;
	s21 =	sshll.u32 s7, $0x1;
	s4 =	sadd.s32 s5, s19  }
0x9d: {  	s8 =	simm.s32 $0x0;
	s20 =	sshll.u32 s6, $0x1;
	s6 =	sadd.s32 s21, s4  }
0x9e: {  	[timem:s8], [sflag:s22] =	dma.local [hbm:s6], s20  }
0x9f: {  	_ =	swait.ge [sflag:s22], s20  }
0xa0: {  	s5 =	ssub.s32 $0x0, s20;
	[sflag:s22] =	ssyncset.done $0x0  }
0xa1: {  	[sflag:s22] =	ssyncadd.s32 s5;
	_ =	sdelay $0x1  }
0xa2: {  	s23 =	simm.s32 $0x1B8B  }
0xa3: {  	_ =	swait.ge [sflag:s23], $0x1  }
0xa4: {  	[sflag:s23] =	ssyncset.done $0x0  }
0xa5: {  	s25 =	simm.s32 $0x1B8E;
	s24 =	sld [smem:$0x3FFE];
	[sflag:s23] =	ssyncadd.s32 $0xFFFFFFFF  }
0xa6: {  	s26 =	simm.s32 $execute0_lowered;
	[smem:$0x3FD2] =	sst s25  }
0xa7: {  	s6 =	sshll.u32 s26, $0x1;
	_ =	strace $0x80000046;
	[dreg:$0x1] =	wrdreg $0xFFFFFFFF  }
0xa8: {  	s28 =	simm.s32 $_size_execute0_lowered;
	s4 =	sadd.s32 s4, s6;
	[dreg:$0x0] =	wrdreg $0x0  }
0xa9: {  	s6 =	sshll.u32 s28, $0x1;
	[dreg:$0x2] =	wrdreg s4  }
0xaa: {  	[dreg:$0x3] =	wrdreg s6  }
0xab: {  	[dreg:$0x4] =	wrdreg $0xC0  }
0xac: {  	_ =	task [dreg:s8], $0x5FFFF  }
0xad: {  	[dreg:$0x1] =	wrdreg $0xFFFFFFFF  }
0xae: {  	[dreg:$0x0] =	wrdreg $0x60  }
0xaf: {  	[dreg:$0x2] =	wrdreg s18  }
0xb0: {  	[dreg:$0x3] =	wrdreg s24  }
0xb1: {  	[dreg:$0x4] =	wrdreg s2  }
0xb2: {  	[dreg:$0x5] =	wrdreg $0x0  }
0xb3: {  	[dreg:$0x6] =	wrdreg $0x9  }
0xb4: {  	_ =	task.clear_ibuf [dreg:s8], $0x7FFFF;
	_ =	strace $0x90000046  }
0xb5: {  	s29 =	simm.s32 $0x9;
	_ =	strace $0x80000048  }
0xb6: {  	_ =	swait.ge [sflag:s29], $0x1  }
0xb7: {  	[sflag:s29] =	ssyncadd.s32 $0xFFFFFFFF  }
0xb8: {  	_ =	strace $0x90000048  }
0xb9: {  	_ =	sfence  }
0xba: {  	s30 =	sld [smem:$0x0];
	_ =	sdelay $0x2  }
0xbb: {  	s31 =	sshll.u32 s1, $0xD;
	s1 =	sshrl.u32 s1, $0x2  }
0xbc: {  	s3 =	sand.u32 $0x4000, s31;
	s1 =	sadd.s32 s1, s30  }
0xbd: {  	s0 =	sor.u32 s3, s0;
	s1 =	sshll.u32 s1, $0x11  }
0xbe: {  	s0 =	sor.u32 s1, s0  }
0xbf: {  	s0 =	sadd.s32 $0x8F2B, s0  }
0xc0: {  	[sflag:s0] =	ssyncadd.remote.s32 $0x1  }
0xc1: {  	_ =	sfence.sel $0xFFFF  }
0xc2: {  	[dreg:$0x0] =	wrdreg $0xFFFFFFFF;
	(pc) =	sbr.abs _section_cstart, $3  }
0xc3: {  	[dreg:$0x1] =	wrdreg $0xFFFFFFFF  }
0xc4: {  	_ =	task.clear_ibuf [dreg:s8], $0x2FFFF;
	_ =	strace $0x9FFFFFFF  }
0xc5: {  	(tm) =	ssettm $0x7FFFFFFF  }
tec
execute0_lowered:
.L_overlay_start_1:
0x0: {  	(tag) =	ssettag $0x1  }
0x1: {  	s0 =	srdreg.scid;
	s1 =	rddreg [dreg:$0x0]  }
0x2: {  	s2 =	rddreg [dreg:$0x1];
	s13 =	stileid.u32  }
0x3: {  	s9 =	rddreg [dreg:$0x2];
	s17 =	simm.s32 $0x50;
	s18 =	simm.s32 $0x1FDB0  }
0x4: {  	s19 =	simm.s32 $0x1ADB0;
	s20 =	simm.s32 $0x1;
	s21 =	simm.s32 $0x1FEA0  }
0x5: {  	s22 =	simm.s32 $0x1FE50;
	s23 =	simm.s32 $0x4;
	s24 =	simm.s32 $0x2  }
0x6: {  	s25 =	simm.s32 $0x1D5B0;
	s26 =	simm.s32 $0x0;
	s0 =	sand.u32 $0x1, s0  }
0x7: {  	s5 =	smul.u32 $0x13880, s13;
	s31 =	sshll.u32 s13, $0x6;
	s3 =	sshll.u32 s0, $0x4  }
0x8: {  	s6 =	smul.u32 $0x138800, s0;
	s0 =	ssub.s32 $0x2, s0;
	s4 =	sor.u32 s13, s3  }
0x9: {  	s3 =	rddreg [dreg:$0x3];
	s7 =	sshrl.u32 s5, $0x3;
	s11 =	sshrl.u32 s0, $0x1  }
0xa: {  	s13 =	simm.s32 $0x3;
	s10 =	smul.u32 $0x4E2, s4;
	s4 =	simm.s32 $0x0  }
0xb: {  	s6 =	sadd.s32 s5, s6;
	s7 =	sadd.s32 s7, s2;
	s0 =	ssub.s32 s0, s11  }
.Ltmp0:
0xc: {  	s12 =	sadd.s32 s5, s3;
	[smem:$0x7FF] =	sst s4;
	(pc) =	sbr.rel .LBB2_1-.Ltmp0, $4  }
0xd: {  	s6 =	sshrl.u32 s6, $0x3;
	s5 =	sadd.s32 $0x14200, s7;
	s11 =	smax.u32 s0, $0x1  }
0xe: {  	s12 =	sshrl.u32 s12, $0x3;
	_ =	strace $0x80000047;
	s8 =	sadd.s32 s10, s2  }
0xf: {  	v0 =	vimm.s32 $0x0;
	vm0 =	vcmask $0x300;
	s2 =	sadd.s32 s6, s2;
	s6 =	sor.u32 $0x1C03, s31;
	s9 =	sadd.s32 s9, s10  }
0x10: {  	v0 =	vsel vm0, $0x3, v0;
	s7 =	sadd.s32 $0xA400, s8;
	s8 =	sadd.s32 $0x600, s8;
	s10 =	sadd.s32 $0x3B400, s2  }
.LBB2_9:
0x11: {  	s26 =	sadd.s32 $0x1, s26  }
0x12: {  	p0 =	sne.s32 s26, s11  }
.Ltmp1:
0x13: {  	[bflag:$0x0] =	sbarrier.arrive $0xFFFF;
	(pc) =	sbr.rel @!p0 .LBB2_10-.Ltmp1, $4  }
0x14: {  	[hbm:s10], [sflag:s6] =	dma.local [spmem:s12], $0x2710  }
0x15: {  	_ =	swait.ge [sflag:s13], $0x2710  }
0x16: {  	[sflag:s13] =	ssyncset.done $0x0  }
0x17: {  	[sflag:s13] =	ssyncadd.s32 $0xFFFFD8F0  }
.LBB2_1:
0x18: {  	[spmem:s12], [sflag:s6] =	dma.local [hbm:s5], $0x2710  }
0x19: {  	_ =	swait.ge [sflag:s13], $0x2710  }
0x1a: {  	[sflag:s13] =	ssyncset.done $0x0  }
0x1b: {  	s0 =	simm.s32 $0x13880;
	[sflag:s13] =	ssyncadd.s32 $0xFFFFD8F0  }
0x1c: {  	[tilespmem:s0], [sflag:$0x3] =	stream.linear.gather [hbm4b:s7+s4], $0x2710, $0x38;
	[tilespmem:$0x1FEF0] =	vst v63  }
0x1d: {  	_ =	swait.ge [sflag:s13], $0x2710  }
0x1e: {  	[sflag:s13] =	ssyncset.done $0x0  }
0x1f: {  	s30 =	simm.s32 $0x15F90;
	[sflag:s13] =	ssyncadd.s32 $0xFFFFD8F0  }
0x20: {  	[tilespmem:s30], [sflag:$0x3] =	stream.linear.gather [hbm4b:s8+s4], $0x2710, $0x38;
	[tilespmem:$0x1FEF0] =	vst v63  }
0x21: {  	_ =	swait.ge [sflag:s13], $0x2710  }
0x22: {  	[sflag:s13] =	ssyncset.done $0x0  }
0x23: {  	s31 =	simm.s32 $0x186A0;
	[sflag:s13] =	ssyncadd.s32 $0xFFFFD8F0  }
0x24: {  	[tilespmem:s31], [sflag:$0x3] =	stream.linear.gather [hbm4b:s9+s4], $0x2710, $0x38;
	[tilespmem:$0x1FEF0] =	vst v63  }
0x25: {  	_ =	swait.ge [sflag:s13], $0x2710  }
0x26: {  	[sflag:s13] =	ssyncset.done $0x0  }
0x27: {  	[sflag:s13] =	ssyncadd.s32 $0xFFFFD8F0  }
0x28: {  	[bflag:$0x0] =	sbarrier.arrive $0xFFFF  }
0x29: {  	v1 =	vld [tilespmem:$0x15F90]  }
0x2a: {  	v2 =	vld [tilespmem:$0x15FA0]  }
0x2b: {  	v3 =	vld [tilespmem:$0x15FB0]  }
0x2c: {  	v4 =	vld [tilespmem:$0x15FC0]  }
0x2d: {  	v5 =	vld [tilespmem:$0x15FD0]  }
0x2e: {  	[tilespmem:$0x1FDB0] =	vst v1  }
.Ltmp2:
0x2f: {  	[tilespmem:$0x1FDC0] =	vst v2;
	(pc) =	sbr.rel .LBB2_2-.Ltmp2, $4  }
0x30: {  	[tilespmem:$0x1FDD0] =	vst v3  }
0x31: {  	[tilespmem:$0x1FDE0] =	vst v4  }
0x32: {  	s28 =	simm.s32 $0x0;
	[tilespmem:$0x1FDF0] =	vst v5  }
0x33: {  	[tilespmem:s19], [sflag:$0x1] =	stream.indirect.gather [hbm4b:s1+s17], $0x80, s18, s17, $0xb8;
	[tilespmem:$0x1FEF0] =	vst v63  }
.LBB2_8:
0x34: {  	s28 =	sadd.s32 $0x1, s28  }
0x35: {  	p0 =	sne.s32 s28, $0x3F  }
.Ltmp3:
0x36: {  	_ = 	snop;
	(pc) =	sbr.rel @!p0 .LBB2_9-.Ltmp3, $1  }
0x37: {  	_ =	sdelay $0x3  }
.LBB2_2:
0x38: {  	s29 =	sshllo.u32 s28, $0x1  }
0x39: {  	p0 =	sgt.u32 s29, $0x7C  }
0x3a: {  	s0 =	smul.u32 @!p0 $0x140, s29;
	_ =	sdelay $0x1  }
0x3b: {  	s0 =	sshra.s32 @!p0 s0, $0x2  }
0x3c: {  	v1 =	vld @!p0 [tilespmem:s0+$0x15F90];
	_ =	sdelay $0x4  }
0x3d: {  	[tilespmem:$0x1FE00] =	vst @!p0 v1  }
0x3e: {  	v1 =	vld @!p0 [tilespmem:s0+$0x15FA0];
	_ =	sdelay $0x4  }
0x3f: {  	[tilespmem:$0x1FE10] =	vst @!p0 v1  }
0x40: {  	v1 =	vld @!p0 [tilespmem:s0+$0x15FB0];
	_ =	sdelay $0x4  }
0x41: {  	[tilespmem:$0x1FE20] =	vst @!p0 v1  }
0x42: {  	v1 =	vld @!p0 [tilespmem:s0+$0x15FC0];
	_ =	sdelay $0x4  }
0x43: {  	[tilespmem:$0x1FE30] =	vst @!p0 v1  }
0x44: {  	v1 =	vld @!p0 [tilespmem:s0+$0x15FD0];
	_ =	sdelay $0x4  }
0x45: {  	s2 =	simm.s32 @!p0 $0x1FE00;
	s14 =	simm.s32 @!p0 $0x1D5B0;
	s0 =	simm.s32 @!p0 $0x50;
	[tilespmem:$0x1FE40] =	vst @!p0 v1  }
0x46: {  	[tilespmem:s14], [sflag:$0x2] =	stream.indirect.gather @!p0 [hbm4b:s1+s0], $0x80, s2, s0, $0xb8;
	[tilespmem:$0x1FEF0] =	vst v63  }
0x47: {  	_ =	swait.ge [sflag:s20], $0x2800  }
0x48: {  	s30 =	smul.u32 $0xA0, s28;
	[sflag:s20] =	ssyncset.done $0x0  }
0x49: {  	[sflag:s20] =	ssyncadd.s32 $0xFFFFD800  }
0x4a: {  	v1 =	vld [tilespmem:s30+$0x13880];
	_ =	sdelay $0x4  }
0x4b: {  	[tilespmem:$0x1FE50] =	vst v1  }
0x4c: {  	v1 =	vld [tilespmem:s30+$0x13890];
	_ =	sdelay $0x4  }
0x4d: {  	[tilespmem:$0x1FE60] =	vst v1  }
0x4e: {  	v1 =	vld [tilespmem:s30+$0x138A0];
	_ =	sdelay $0x4  }
0x4f: {  	[tilespmem:$0x1FE70] =	vst v1  }
0x50: {  	v1 =	vld [tilespmem:s30+$0x138B0];
	_ =	sdelay $0x4  }
0x51: {  	[tilespmem:$0x1FE80] =	vst v1  }
0x52: {  	v1 =	vld [tilespmem:s30+$0x138C0];
	_ =	sdelay $0x4  }
0x53: {  	[tilespmem:$0x1FE90] =	vst v1  }
0x54: {  	v1 =	vld [tilespmem:s30+$0x186A0];
	_ =	sdelay $0x4  }
0x55: {  	[tilespmem:$0x1FEA0] =	vst v1  }
0x56: {  	v1 =	vld [tilespmem:s30+$0x186B0];
	_ =	sdelay $0x4  }
0x57: {  	[tilespmem:$0x1FEB0] =	vst v1  }
0x58: {  	v1 =	vld [tilespmem:s30+$0x186C0];
	_ =	sdelay $0x4  }
0x59: {  	[tilespmem:$0x1FEC0] =	vst v1  }
0x5a: {  	v1 =	vld [tilespmem:s30+$0x186D0];
	_ =	sdelay $0x3  }
0x5b: {  	s31 =	simm.s32 $0x0  }
0x5c: {  	[tilespmem:$0x1FED0] =	vst v1;
	v1 =	vmov s31  }
0x5d: {  	v1 =	vshrl.u32 v1, $0x3  }
0x5e: {  	v2 =	vld [tilespmem:s30+$0x186E0];
	v1 =	vshll.u32 v1, v0  }
0x5f: {  	v1 =	vbroadcast v1, $0x0;
	_ =	sdelay $0x3  }
0x60: {  	s2 =	simm.s32 $0x1AFB0;
	[tilespmem:$0x1FEE0] =	vst v2  }
0x61: {  	v3 =	vld [tilespmem:s2+$0xFFFFFE70]  }
0x62: {  	v1 =	vld.idx.msk [tilespmem:v1+s21+$0x0], $0xffff  }
0x63: {  	v4 =	vld [tilespmem:s2+$0xFFFFFE00]  }
0x64: {  	v5 =	vld [tilespmem:s2+$0xFFFFFE20]  }
0x65: {  	v6 =	vld [tilespmem:s2+$0xFFFFFE30]  }
0x66: {  	s15 =	simm.s32 $0x1;
	v2 =	vld [tilespmem:s2+$0xFFFFFE50]  }
0x67: {  	v9 =	vmov s15;
	v8 =	vld [tilespmem:s2+$0xFFFFFE10];
	v3 =	vmul.f32 v3, v1  }
0x68: {  	v9 =	vshrl.u32 v9, $0x3;
	v7 =	vld [tilespmem:s2+$0xFFFFFE60];
	v4 =	vmul.f32 v4, v1  }
0x69: {  	v10 =	vld [tilespmem:s2+$0xFFFFFE40];
	v5 =	vmul.f32 v5, v1;
	[tilespmem:s2+$0xFFFFFE70] =	vst v3;
	v3 =	vshll.u32 v9, v0  }
0x6a: {  	v6 =	vmul.f32 v6, v1;
	[tilespmem:s2+$0xFFFFFE00] =	vst v4;
	v3 =	vadd.s32 $0x1, v3  }
0x6b: {  	v2 =	vmul.f32 v2, v1;
	[tilespmem:s2+$0xFFFFFE20] =	vst v5;
	v3 =	vbroadcast v3, $0x0  }
0x6c: {  	v4 =	vmul.f32 v8, v1;
	[tilespmem:s2+$0xFFFFFE30] =	vst v6  }
0x6d: {  	v5 =	vmul.f32 v7, v1;
	[tilespmem:s2+$0xFFFFFE50] =	vst v2  }
0x6e: {  	v1 =	vmul.f32 v10, v1;
	[tilespmem:s2+$0xFFFFFE10] =	vst v4  }
0x6f: {  	[tilespmem:s2+$0xFFFFFE60] =	vst v5  }
0x70: {  	[tilespmem:s2+$0xFFFFFE40] =	vst v1  }
0x71: {  	v1 =	vld.idx.msk [tilespmem:v3+s21+$0x0], $0xffff  }
0x72: {  	v3 =	vld [tilespmem:s2+$0xFFFFFE80]  }
0x73: {  	v4 =	vld [tilespmem:s2+$0xFFFFFEE0]  }
0x74: {  	v5 =	vld [tilespmem:s2+$0xFFFFFE90]  }
0x75: {  	v6 =	vld [tilespmem:s2+$0xFFFFFED0]  }
0x76: {  	s16 =	simm.s32 $0x2;
	v2 =	vld [tilespmem:s2+$0xFFFFFEF0]  }
0x77: {  	v7 =	vld [tilespmem:s2+$0xFFFFFEB0];
	v9 =	vmov s16;
	v3 =	vmul.f32 v3, v1  }
0x78: {  	v10 =	vld [tilespmem:s2+$0xFFFFFEC0];
	v9 =	vshrl.u32 v9, $0x3;
	v4 =	vmul.f32 v4, v1  }
0x79: {  	v8 =	vld [tilespmem:s2+$0xFFFFFEA0];
	v5 =	vmul.f32 v5, v1;
	[tilespmem:s2+$0xFFFFFE80] =	vst v3;
	v3 =	vshll.u32 v9, v0  }
0x7a: {  	v6 =	vmul.f32 v6, v1;
	[tilespmem:s2+$0xFFFFFEE0] =	vst v4;
	v3 =	vadd.s32 $0x2, v3  }
0x7b: {  	v2 =	vmul.f32 v2, v1;
	[tilespmem:s2+$0xFFFFFE90] =	vst v5;
	v3 =	vbroadcast v3, $0x0  }
0x7c: {  	v4 =	vmul.f32 v7, v1;
	[tilespmem:s2+$0xFFFFFED0] =	vst v6  }
0x7d: {  	v5 =	vmul.f32 v10, v1;
	[tilespmem:s2+$0xFFFFFEF0] =	vst v2  }
0x7e: {  	v1 =	vmul.f32 v8, v1;
	[tilespmem:s2+$0xFFFFFEB0] =	vst v4  }
0x7f: {  	[tilespmem:s2+$0xFFFFFEC0] =	vst v5  }
0x80: {  	v2 =	vld [tilespmem:s2+$0xFFFFFF10];
	[tilespmem:s2+$0xFFFFFEA0] =	vst v1  }
0x81: {  	v1 =	vld.idx.msk [tilespmem:v3+s21+$0x0], $0xffff  }
0x82: {  	v3 =	vld [tilespmem:s2+$0xFFFFFF40]  }
0x83: {  	v4 =	vld [tilespmem:s2+$0xFFFFFF20]  }
0x84: {  	v5 =	vld [tilespmem:s2+$0xFFFFFF50]  }
0x85: {  	s14 =	simm.s32 $0x3;
	v6 =	vld [tilespmem:s2+$0xFFFFFF00]  }
0x86: {  	v7 =	vld [tilespmem:s2+$0xFFFFFF30];
	v8 =	vmov s14;
	v2 =	vmul.f32 v2, v1  }
0x87: {  	v9 =	vld [tilespmem:s2+$0xFFFFFF70];
	v8 =	vshrl.u32 v8, $0x3;
	v3 =	vmul.f32 v3, v1  }
0x88: {  	v10 =	vld [tilespmem:s2+$0xFFFFFF60];
	v4 =	vmul.f32 v4, v1;
	[tilespmem:s2+$0xFFFFFF10] =	vst v2;
	v2 =	vshll.u32 v8, v0  }
0x89: {  	v5 =	vmul.f32 v5, v1;
	[tilespmem:s2+$0xFFFFFF40] =	vst v3;
	v2 =	vadd.s32 $0x3, v2  }
0x8a: {  	v3 =	vmul.f32 v6, v1;
	[tilespmem:s2+$0xFFFFFF20] =	vst v4;
	v2 =	vbroadcast v2, $0x0  }
0x8b: {  	v4 =	vmul.f32 v7, v1;
	[tilespmem:s2+$0xFFFFFF50] =	vst v5  }
0x8c: {  	v5 =	vmul.f32 v9, v1;
	[tilespmem:s2+$0xFFFFFF00] =	vst v3  }
0x8d: {  	v1 =	vmul.f32 v10, v1;
	[tilespmem:s2+$0xFFFFFF30] =	vst v4  }
0x8e: {  	[tilespmem:s2+$0xFFFFFF70] =	vst v5  }
0x8f: {  	[tilespmem:s2+$0xFFFFFF60] =	vst v1  }
0x90: {  	v1 =	vld.idx.msk [tilespmem:v2+s21+$0x0], $0xffff  }
0x91: {  	v2 =	vld [tilespmem:s2+$0xFFFFFF90]  }
0x92: {  	v4 =	vld [tilespmem:s2+$0xFFFFFFE0]  }
0x93: {  	v5 =	vld [tilespmem:s2+$0xFFFFFF80]  }
0x94: {  	v6 =	vld [tilespmem:s2+$0xFFFFFFD0]  }
0x95: {  	s15 =	simm.s32 $0x4;
	v3 =	vld [tilespmem:s2+$0xFFFFFFF0]  }
0x96: {  	v7 =	vld [tilespmem:s2+$0xFFFFFFA0];
	v9 =	vmov s15;
	v2 =	vmul.f32 v2, v1  }
0x97: {  	v10 =	vld [tilespmem:s2+$0xFFFFFFC0];
	v9 =	vshrl.u32 v9, $0x3;
	v4 =	vmul.f32 v4, v1  }
0x98: {  	v8 =	vld [tilespmem:s2+$0xFFFFFFB0];
	v5 =	vmul.f32 v5, v1;
	[tilespmem:s2+$0xFFFFFF90] =	vst v2;
	v2 =	vshll.u32 v9, v0  }
0x99: {  	v6 =	vmul.f32 v6, v1;
	[tilespmem:s2+$0xFFFFFFE0] =	vst v4;
	v2 =	vadd.s32 $0x4, v2  }
0x9a: {  	v3 =	vmul.f32 v3, v1;
	[tilespmem:s2+$0xFFFFFF80] =	vst v5;
	v2 =	vbroadcast v2, $0x0  }
0x9b: {  	v4 =	vmul.f32 v7, v1;
	[tilespmem:s2+$0xFFFFFFD0] =	vst v6  }
0x9c: {  	v5 =	vmul.f32 v10, v1;
	[tilespmem:s2+$0xFFFFFFF0] =	vst v3;
	v3 =	vld [tilespmem:s2+$0x10]  }
0x9d: {  	v1 =	vmul.f32 v8, v1;
	v6 =	vld [tilespmem:s2+$0x0];
	[tilespmem:s2+$0xFFFFFFA0] =	vst v4  }
0x9e: {  	v10 =	vld [tilespmem:s2+$0x30];
	[tilespmem:s2+$0xFFFFFFC0] =	vst v5  }
0x9f: {  	v8 =	vld [tilespmem:s2+$0x20];
	[tilespmem:s2+$0xFFFFFFB0] =	vst v1  }
0xa0: {  	v1 =	vld.idx.msk [tilespmem:v2+s21+$0x0], $0xffff  }
0xa1: {  	v7 =	vld [tilespmem:s2+$0x50]  }
0xa2: {  	v4 =	vld [tilespmem:s2+$0x40]  }
0xa3: {  	v5 =	vld [tilespmem:s2+$0x60]  }
0xa4: {  	s16 =	simm.s32 $0x5;
	v2 =	vld [tilespmem:s2+$0x70]  }
0xa5: {  	s0 =	simm.s32 $0x1AFB0;
	s14 =	simm.s32 $0x8;
	v9 =	vmul.f32 v6, v1;
	v6 =	vmul.f32 v10, v1;
	v10 =	vmov s16  }
.LBB2_3:
0xa6: {  	p1 =	slt.u32 s14, $0x48  }
0xa7: {  	v3 =	vmul.f32 v3, v1;
	v8 =	vmul.f32 v8, v1;
	v10 =	vshrl.u32 v10, $0x3;
	s2 =	sadd.s32 $0x400, s2;
	s15 =	smov.u32 s14;
	s14 =	sadd.s32 $0x8, s14  }
0xa8: {  	v7 =	vmul.f32 v7, v1;
	[tilespmem:s0+$0x0] =	vst v9;
	v4 =	vmul.f32 v4, v1;
	v9 =	vshll.u32 v10, v0  }
0xa9: {  	[tilespmem:s0+$0x10] =	vst v3;
	v3 =	vmul.f32 v5, v1;
	v1 =	vmul.f32 v2, v1;
	v2 =	vadd.s32 $0x5, v9  }
0xaa: {  	[tilespmem:s0+$0x20] =	vst v8;
	v2 =	vbroadcast v2, $0x0  }
0xab: {  	[tilespmem:s0+$0x30] =	vst v6  }
0xac: {  	[tilespmem:s0+$0x50] =	vst v7;
	v5 =	vld [tilespmem:s0+$0xA0]  }
0xad: {  	[tilespmem:s0+$0x70] =	vst v1;
	v1 =	vld [tilespmem:s0+$0x80]  }
0xae: {  	[tilespmem:s0+$0x60] =	vst v3;
	v3 =	vld [tilespmem:s0+$0xF0]  }
0xaf: {  	[tilespmem:s0+$0x40] =	vst v4;
	v4 =	vld [tilespmem:s0+$0x90]  }
0xb0: {  	v2 =	vld.idx.msk [tilespmem:v2+s21+$0x0], $0xffff  }
0xb1: {  	v6 =	vld [tilespmem:s0+$0xC0]  }
0xb2: {  	v7 =	vld [tilespmem:s0+$0xB0]  }
0xb3: {  	v8 =	vld [tilespmem:s0+$0xD0]  }
0xb4: {  	v9 =	vld [tilespmem:s0+$0xE0]  }
0xb5: {  	s16 =	sadd.s32 $0x6, s31  }
0xb6: {  	v10 =	vmov s16;
	v1 =	vmul.f32 v1, v2;
	v6 =	vmul.f32 v6, v2  }
0xb7: {  	v10 =	vshrl.u32 v10, $0x3;
	v5 =	vmul.f32 v5, v2;
	v7 =	vmul.f32 v7, v2  }
0xb8: {  	[tilespmem:s0+$0x80] =	vst v1;
	v1 =	vmul.f32 v4, v2;
	v4 =	vmul.f32 v8, v2;
	v8 =	vshll.u32 v10, v0  }
0xb9: {  	[tilespmem:s0+$0xA0] =	vst v5;
	v5 =	vmul.f32 v9, v2;
	v2 =	vmul.f32 v3, v2;
	v3 =	vadd.s32 $0x6, v8  }
0xba: {  	[tilespmem:s0+$0xC0] =	vst v6;
	v3 =	vbroadcast v3, $0x0  }
0xbb: {  	[tilespmem:s0+$0xB0] =	vst v7  }
0xbc: {  	[tilespmem:s0+$0x90] =	vst v1;
	v1 =	vld [tilespmem:s0+$0x100]  }
0xbd: {  	[tilespmem:s0+$0xF0] =	vst v2;
	v2 =	vld [tilespmem:s0+$0x160]  }
0xbe: {  	[tilespmem:s0+$0xD0] =	vst v4;
	v4 =	vld [tilespmem:s0+$0x150]  }
0xbf: {  	[tilespmem:s0+$0xE0] =	vst v5;
	v5 =	vld [tilespmem:s0+$0x120]  }
0xc0: {  	v3 =	vld.idx.msk [tilespmem:v3+s21+$0x0], $0xffff  }
0xc1: {  	v6 =	vld [tilespmem:s0+$0x110]  }
0xc2: {  	v7 =	vld [tilespmem:s0+$0x130]  }
0xc3: {  	v8 =	vld [tilespmem:s0+$0x140]  }
0xc4: {  	v9 =	vld [tilespmem:s0+$0x170]  }
0xc5: {  	s16 =	sadd.s32 $0x7, s31;
	s31 =	smov.u32 s15  }
0xc6: {  	v10 =	vmov s16;
	v1 =	vmul.f32 v1, v3;
	v6 =	vmul.f32 v6, v3  }
0xc7: {  	v10 =	vshrl.u32 v10, $0x3;
	v5 =	vmul.f32 v5, v3;
	v7 =	vmul.f32 v7, v3  }
0xc8: {  	v4 =	vmul.f32 v4, v3;
	[tilespmem:s0+$0x100] =	vst v1;
	v1 =	vmul.f32 v8, v3;
	v8 =	vshll.u32 v10, v0  }
0xc9: {  	v2 =	vmul.f32 v2, v3;
	[tilespmem:s0+$0x110] =	vst v6;
	v3 =	vmul.f32 v9, v3;
	v6 =	vadd.s32 $0x7, v8  }
0xca: {  	[tilespmem:s0+$0x120] =	vst v5;
	v5 =	vbroadcast v6, $0x0  }
0xcb: {  	[tilespmem:s0+$0x150] =	vst v4  }
0xcc: {  	[tilespmem:s0+$0x160] =	vst v2;
	v2 =	vld [tilespmem:s0+$0x1C0]  }
0xcd: {  	[tilespmem:s0+$0x130] =	vst v7;
	v4 =	vld [tilespmem:s0+$0x180]  }
0xce: {  	[tilespmem:s0+$0x170] =	vst v3;
	v3 =	vld [tilespmem:s0+$0x190]  }
0xcf: {  	[tilespmem:s0+$0x140] =	vst v1;
	v1 =	vld [tilespmem:s0+$0x1F0]  }
0xd0: {  	v5 =	vld.idx.msk [tilespmem:v5+s21+$0x0], $0xffff  }
0xd1: {  	v6 =	vld [tilespmem:s0+$0x1A0]  }
0xd2: {  	v7 =	vld [tilespmem:s0+$0x1B0]  }
0xd3: {  	v8 =	vld [tilespmem:s0+$0x1D0]  }
0xd4: {  	v9 =	vld [tilespmem:s0+$0x1E0];
	_ =	sdelay $0x1  }
0xd5: {  	v4 =	vmul.f32 v4, v5;
	v3 =	vmul.f32 v3, v5  }
0xd6: {  	v10 =	vmov s31;
	v6 =	vmul.f32 v6, v5;
	v7 =	vmul.f32 v7, v5  }
0xd7: {  	v10 =	vshrl.u32 v10, $0x3;
	v2 =	vmul.f32 v2, v5;
	[tilespmem:s0+$0x180] =	vst v4;
	v4 =	vmul.f32 v8, v5  }
0xd8: {  	v1 =	vmul.f32 v1, v5;
	v8 =	vshll.u32 v10, v0;
	[tilespmem:s0+$0x190] =	vst v3;
	v3 =	vmul.f32 v9, v5  }
0xd9: {  	v5 =	vbroadcast v8, $0x0;
	[tilespmem:s0+$0x1C0] =	vst v2  }
0xda: {  	[tilespmem:s0+$0x1A0] =	vst v6  }
0xdb: {  	v2 =	vld [tilespmem:s2+$0xFFFFFE50];
	[tilespmem:s0+$0x1B0] =	vst v7  }
0xdc: {  	v6 =	vld [tilespmem:s2+$0xFFFFFE30];
	[tilespmem:s0+$0x1F0] =	vst v1  }
0xdd: {  	v1 =	vld [tilespmem:s2+$0xFFFFFE60];
	[tilespmem:s0+$0x1D0] =	vst v4  }
0xde: {  	v4 =	vld [tilespmem:s2+$0xFFFFFE70];
	[tilespmem:s0+$0x1E0] =	vst v3;
	s0 =	smov.u32 s2  }
0xdf: {  	v3 =	vld.idx.msk [tilespmem:v5+s21+$0x0], $0xffff  }
0xe0: {  	v5 =	vld [tilespmem:s2+$0xFFFFFE00]  }
0xe1: {  	v7 =	vld [tilespmem:s2+$0xFFFFFE20]  }
0xe2: {  	v8 =	vld [tilespmem:s2+$0xFFFFFE10]  }
0xe3: {  	v9 =	vld [tilespmem:s2+$0xFFFFFE40]  }
0xe4: {  	s15 =	sadd.s32 $0x1, s31  }
0xe5: {  	v10 =	vmov s15;
	v4 =	vmul.f32 v4, v3;
	v5 =	vmul.f32 v5, v3  }
0xe6: {  	v10 =	vshrl.u32 v10, $0x3;
	v1 =	vmul.f32 v1, v3;
	v7 =	vmul.f32 v7, v3  }
0xe7: {  	v6 =	vmul.f32 v6, v3;
	v8 =	vmul.f32 v8, v3;
	[tilespmem:s2+$0xFFFFFE70] =	vst v4;
	v4 =	vshll.u32 v10, v0  }
0xe8: {  	v2 =	vmul.f32 v2, v3;
	[tilespmem:s2+$0xFFFFFE00] =	vst v5;
	v5 =	vmul.f32 v9, v3;
	v3 =	vadd.s32 $0x1, v4  }
0xe9: {  	[tilespmem:s2+$0xFFFFFE20] =	vst v7;
	v3 =	vbroadcast v3, $0x0  }
0xea: {  	[tilespmem:s2+$0xFFFFFE30] =	vst v6  }
0xeb: {  	[tilespmem:s2+$0xFFFFFE50] =	vst v2;
	v2 =	vld [tilespmem:s2+$0xFFFFFEF0]  }
0xec: {  	[tilespmem:s2+$0xFFFFFE10] =	vst v8;
	v4 =	vld [tilespmem:s2+$0xFFFFFED0]  }
0xed: {  	[tilespmem:s2+$0xFFFFFE60] =	vst v1;
	v1 =	vld [tilespmem:s2+$0xFFFFFEB0]  }
0xee: {  	[tilespmem:s2+$0xFFFFFE40] =	vst v5;
	v5 =	vld [tilespmem:s2+$0xFFFFFEE0]  }
0xef: {  	v3 =	vld.idx.msk [tilespmem:v3+s21+$0x0], $0xffff  }
0xf0: {  	v6 =	vld [tilespmem:s2+$0xFFFFFE80]  }
0xf1: {  	v7 =	vld [tilespmem:s2+$0xFFFFFE90]  }
0xf2: {  	v8 =	vld [tilespmem:s2+$0xFFFFFEA0]  }
0xf3: {  	v9 =	vld [tilespmem:s2+$0xFFFFFEC0]  }
0xf4: {  	s15 =	sadd.s32 $0x2, s31  }
0xf5: {  	v10 =	vmov s15;
	v5 =	vmul.f32 v5, v3;
	v6 =	vmul.f32 v6, v3  }
0xf6: {  	v10 =	vshrl.u32 v10, $0x3;
	v1 =	vmul.f32 v1, v3;
	v7 =	vmul.f32 v7, v3  }
0xf7: {  	v4 =	vmul.f32 v4, v3;
	[tilespmem:s2+$0xFFFFFE80] =	vst v6;
	v6 =	vmul.f32 v8, v3;
	v8 =	vshll.u32 v10, v0  }
0xf8: {  	v2 =	vmul.f32 v2, v3;
	v9 =	vmul.f32 v9, v3;
	[tilespmem:s2+$0xFFFFFEE0] =	vst v5;
	v3 =	vadd.s32 $0x2, v8  }
0xf9: {  	[tilespmem:s2+$0xFFFFFE90] =	vst v7;
	v3 =	vbroadcast v3, $0x0  }
0xfa: {  	[tilespmem:s2+$0xFFFFFED0] =	vst v4  }
0xfb: {  	[tilespmem:s2+$0xFFFFFEF0] =	vst v2;
	v2 =	vld [tilespmem:s2+$0xFFFFFF70]  }
0xfc: {  	[tilespmem:s2+$0xFFFFFEB0] =	vst v1;
	v1 =	vld [tilespmem:s2+$0xFFFFFF50]  }
0xfd: {  	[tilespmem:s2+$0xFFFFFEC0] =	vst v9;
	v4 =	vld [tilespmem:s2+$0xFFFFFF30]  }
0xfe: {  	[tilespmem:s2+$0xFFFFFEA0] =	vst v6;
	v5 =	vld [tilespmem:s2+$0xFFFFFF40]  }
0xff: {  	v3 =	vld.idx.msk [tilespmem:v3+s21+$0x0], $0xffff  }
0x100: {  	v6 =	vld [tilespmem:s2+$0xFFFFFF10]  }
0x101: {  	v7 =	vld [tilespmem:s2+$0xFFFFFF20]  }
0x102: {  	v8 =	vld [tilespmem:s2+$0xFFFFFF00]  }
0x103: {  	v9 =	vld [tilespmem:s2+$0xFFFFFF60]  }
0x104: {  	s15 =	sadd.s32 $0x3, s31  }
0x105: {  	v10 =	vmov s15;
	v5 =	vmul.f32 v5, v3;
	v6 =	vmul.f32 v6, v3  }
0x106: {  	v10 =	vshrl.u32 v10, $0x3;
	v4 =	vmul.f32 v4, v3;
	v7 =	vmul.f32 v7, v3  }
0x107: {  	v1 =	vmul.f32 v1, v3;
	v8 =	vmul.f32 v8, v3;
	[tilespmem:s2+$0xFFFFFF10] =	vst v6;
	v6 =	vshll.u32 v10, v0  }
0x108: {  	v2 =	vmul.f32 v2, v3;
	[tilespmem:s2+$0xFFFFFF40] =	vst v5;
	v5 =	vmul.f32 v9, v3;
	v3 =	vadd.s32 $0x3, v6  }
0x109: {  	[tilespmem:s2+$0xFFFFFF20] =	vst v7;
	v3 =	vbroadcast v3, $0x0  }
0x10a: {  	[tilespmem:s2+$0xFFFFFF50] =	vst v1  }
0x10b: {  	[tilespmem:s2+$0xFFFFFF00] =	vst v8;
	v1 =	vld [tilespmem:s2+$0xFFFFFFF0]  }
0x10c: {  	[tilespmem:s2+$0xFFFFFF30] =	vst v4;
	v4 =	vld [tilespmem:s2+$0xFFFFFFD0]  }
0x10d: {  	[tilespmem:s2+$0xFFFFFF70] =	vst v2;
	v2 =	vld [tilespmem:s2+$0xFFFFFFA0]  }
0x10e: {  	[tilespmem:s2+$0xFFFFFF60] =	vst v5;
	v5 =	vld [tilespmem:s2+$0xFFFFFFE0]  }
0x10f: {  	v3 =	vld.idx.msk [tilespmem:v3+s21+$0x0], $0xffff  }
0x110: {  	v6 =	vld [tilespmem:s2+$0xFFFFFF90]  }
0x111: {  	v7 =	vld [tilespmem:s2+$0xFFFFFF80]  }
0x112: {  	v8 =	vld [tilespmem:s2+$0xFFFFFFB0]  }
0x113: {  	v9 =	vld [tilespmem:s2+$0xFFFFFFC0]  }
0x114: {  	s15 =	sadd.s32 $0x4, s31  }
0x115: {  	v10 =	vmov s15;
	v5 =	vmul.f32 v5, v3;
	v6 =	vmul.f32 v6, v3  }
0x116: {  	v10 =	vshrl.u32 v10, $0x3;
	v2 =	vmul.f32 v2, v3;
	v7 =	vmul.f32 v7, v3  }
0x117: {  	v4 =	vmul.f32 v4, v3;
	[tilespmem:s2+$0xFFFFFF90] =	vst v6;
	v6 =	vmul.f32 v8, v3;
	v8 =	vshll.u32 v10, v0  }
0x118: {  	v1 =	vmul.f32 v1, v3;
	v9 =	vmul.f32 v9, v3;
	[tilespmem:s2+$0xFFFFFFE0] =	vst v5;
	v3 =	vadd.s32 $0x4, v8  }
0x119: {  	[tilespmem:s2+$0xFFFFFF80] =	vst v7;
	v5 =	vbroadcast v3, $0x0  }
0x11a: {  	[tilespmem:s2+$0xFFFFFFD0] =	vst v4  }
0x11b: {  	[tilespmem:s2+$0xFFFFFFF0] =	vst v1;
	v3 =	vld [tilespmem:s2+$0x10]  }
0x11c: {  	[tilespmem:s2+$0xFFFFFFA0] =	vst v2;
	v10 =	vld [tilespmem:s2+$0x0]  }
0x11d: {  	[tilespmem:s2+$0xFFFFFFC0] =	vst v9;
	v8 =	vld [tilespmem:s2+$0x20]  }
0x11e: {  	[tilespmem:s2+$0xFFFFFFB0] =	vst v6;
	v2 =	vld [tilespmem:s2+$0x70]  }
0x11f: {  	v1 =	vld.idx.msk [tilespmem:v5+s21+$0x0], $0xffff  }
0x120: {  	v6 =	vld [tilespmem:s2+$0x30]  }
.Ltmp4:
0x121: {  	v7 =	vld [tilespmem:s2+$0x50];
	(pc) =	sbr.rel @p1 .LBB2_3-.Ltmp4, $4  }
0x122: {  	v4 =	vld [tilespmem:s2+$0x40]  }
0x123: {  	v5 =	vld [tilespmem:s2+$0x60]  }
0x124: {  	s15 =	sadd.s32 $0x5, s31  }
0x125: {  	v9 =	vmul.f32 v10, v1;
	v10 =	vmov s15;
	v6 =	vmul.f32 v6, v1  }
0x126: {  	v10 =	vshrl.u32 v10, $0x3  }
0x127: {  	v3 =	vmul.f32 v3, v1;
	[tilespmem:s0+$0x0] =	vst v9;
	v36 =	vshll.u32 v10, v0  }
0x128: {  	v8 =	vmul.f32 v8, v1;
	v2 =	vmul.f32 v2, v1;
	[tilespmem:s0+$0x30] =	vst v6;
	v37 =	vadd.s32 $0x5, v36  }
0x129: {  	[tilespmem:s0+$0x10] =	vst v3;
	v3 =	vmul.f32 v7, v1;
	v7 =	vbroadcast v37, $0x0  }
0x12a: {  	[tilespmem:s0+$0x20] =	vst v8  }
0x12b: {  	v5 =	vmul.f32 v5, v1;
	[tilespmem:s0+$0x70] =	vst v2  }
0x12c: {  	v1 =	vmul.f32 v4, v1;
	[tilespmem:s0+$0x50] =	vst v3  }
0x12d: {  	[tilespmem:s0+$0x60] =	vst v5  }
0x12e: {  	v2 =	vld [tilespmem:s0+$0x80];
	[tilespmem:s0+$0x40] =	vst v1  }
0x12f: {  	v1 =	vld.idx.msk [tilespmem:v7+s21+$0x0], $0xffff  }
0x130: {  	v3 =	vld [tilespmem:s0+$0xA0]  }
0x131: {  	v38 =	vld [tilespmem:s0+$0xC0]  }
0x132: {  	v39 =	vld [tilespmem:s0+$0xB0]  }
0x133: {  	s2 =	sadd.s32 $0x6, s31;
	v41 =	vld [tilespmem:s0+$0xF0]  }
0x134: {  	v43 =	vld [tilespmem:s0+$0xD0];
	v42 =	vmov s2;
	v2 =	vmul.f32 v2, v1  }
0x135: {  	v40 =	vld [tilespmem:s0+$0x90];
	v8 =	vshrl.u32 v42, $0x3;
	v3 =	vmul.f32 v3, v1  }
0x136: {  	v44 =	vld [tilespmem:s0+$0xE0];
	v4 =	vmul.f32 v38, v1;
	[tilespmem:s0+$0x80] =	vst v2;
	v2 =	vshll.u32 v8, v0  }
0x137: {  	v5 =	vmul.f32 v39, v1;
	[tilespmem:s0+$0xA0] =	vst v3;
	v2 =	vadd.s32 $0x6, v2  }
0x138: {  	v45 =	vmul.f32 v41, v1;
	[tilespmem:s0+$0xC0] =	vst v4;
	v2 =	vbroadcast v2, $0x0  }
0x139: {  	v46 =	vmul.f32 v43, v1;
	[tilespmem:s0+$0xB0] =	vst v5  }
0x13a: {  	v3 =	vmul.f32 v40, v1;
	[tilespmem:s0+$0xF0] =	vst v45  }
0x13b: {  	v1 =	vmul.f32 v44, v1;
	[tilespmem:s0+$0xD0] =	vst v46  }
0x13c: {  	[tilespmem:s0+$0x90] =	vst v3  }
0x13d: {  	v3 =	vld [tilespmem:s0+$0x100];
	[tilespmem:s0+$0xE0] =	vst v1  }
0x13e: {  	v1 =	vld.idx.msk [tilespmem:v2+s21+$0x0], $0xffff  }
0x13f: {  	v2 =	vld [tilespmem:s0+$0x110]  }
0x140: {  	v47 =	vld [tilespmem:s0+$0x120]  }
0x141: {  	v48 =	vld [tilespmem:s0+$0x150]  }
0x142: {  	s31 =	sadd.s32 $0x7, s31;
	v50 =	vld [tilespmem:s0+$0x130]  }
0x143: {  	v52 =	vld [tilespmem:s0+$0x170];
	v51 =	vmov s31;
	v3 =	vmul.f32 v3, v1  }
0x144: {  	v49 =	vld [tilespmem:s0+$0x160];
	v8 =	vshrl.u32 v51, $0x3;
	v2 =	vmul.f32 v2, v1  }
0x145: {  	v53 =	vld [tilespmem:s0+$0x140];
	v4 =	vmul.f32 v47, v1;
	[tilespmem:s0+$0x100] =	vst v3;
	v3 =	vshll.u32 v8, v0  }
0x146: {  	v5 =	vmul.f32 v48, v1;
	[tilespmem:s0+$0x110] =	vst v2;
	v2 =	vadd.s32 $0x7, v3  }
0x147: {  	v54 =	vmul.f32 v50, v1;
	[tilespmem:s0+$0x120] =	vst v4;
	v2 =	vbroadcast v2, $0x0  }
0x148: {  	v55 =	vmul.f32 v52, v1;
	[tilespmem:s0+$0x150] =	vst v5  }
0x149: {  	[tilespmem:s0+$0x130] =	vst v54;
	v3 =	vmul.f32 v49, v1  }
0x14a: {  	[tilespmem:s0+$0x170] =	vst v55;
	v1 =	vmul.f32 v53, v1  }
0x14b: {  	[tilespmem:s0+$0x160] =	vst v3  }
0x14c: {  	v3 =	vld [tilespmem:s0+$0x180];
	[tilespmem:s0+$0x140] =	vst v1  }
0x14d: {  	v1 =	vld.idx.msk [tilespmem:v2+s21+$0x0], $0xffff  }
0x14e: {  	v2 =	vld [tilespmem:s0+$0x190]  }
0x14f: {  	v57 =	vld [tilespmem:s0+$0x1A0]  }
0x150: {  	v60 =	vld [tilespmem:s0+$0x1D0]  }
0x151: {  	v56 =	vld [tilespmem:s0+$0x1C0]  }
0x152: {  	v58 =	vld [tilespmem:s0+$0x1B0];
	v3 =	vmul.f32 v3, v1  }
0x153: {  	v59 =	vld [tilespmem:s0+$0x1F0];
	v2 =	vmul.f32 v2, v1  }
0x154: {  	v61 =	vld [tilespmem:s0+$0x1E0];
	v62 =	vmul.f32 v57, v1;
	[tilespmem:s0+$0x180] =	vst v3  }
0x155: {  	v63 =	vmul.f32 v60, v1;
	[tilespmem:s0+$0x190] =	vst v2  }
0x156: {  	v3 =	vmul.f32 v56, v1;
	[tilespmem:s0+$0x1A0] =	vst v62  }
0x157: {  	v2 =	vmul.f32 v58, v1;
	[tilespmem:s0+$0x1D0] =	vst v63  }
0x158: {  	[tilespmem:s0+$0x1C0] =	vst v3;
	v3 =	vmul.f32 v59, v1  }
0x159: {  	[tilespmem:s0+$0x1B0] =	vst v2;
	v1 =	vmul.f32 v61, v1  }
0x15a: {  	[tilespmem:s0+$0x1F0] =	vst v3  }
.Ltmp5:
0x15b: {  	[tilespmem:s0+$0x1E0] =	vst v1;
	(pc) =	sbr.rel @p0 .LBB2_8-.Ltmp5, $4  }
0x15c: {  	[spmem:s3] =	stream.indirect.scatter.add.f32 [tilespmem:s19], [sflag:$0x4], $0x80, s22, s17, $0xb8;
	[tilespmem:$0x1FEF0] =	vst v63  }
0x15d: {  	_ =	swait.ge [sflag:s23], $0x2800  }
0x15e: {  	[sflag:s23] =	ssyncset.done $0x0  }
0x15f: {  	[sflag:s23] =	ssyncadd.s32 $0xFFFFD800  }
0x160: {  	v1 =	vld [tilespmem:s30+$0x16030];
	_ =	sdelay $0x4  }
0x161: {  	[tilespmem:$0x1FDB0] =	vst v1  }
0x162: {  	v1 =	vld [tilespmem:s30+$0x16040];
	_ =	sdelay $0x4  }
0x163: {  	[tilespmem:$0x1FDC0] =	vst v1  }
0x164: {  	v1 =	vld [tilespmem:s30+$0x16050];
	_ =	sdelay $0x4  }
0x165: {  	[tilespmem:$0x1FDD0] =	vst v1  }
0x166: {  	v1 =	vld [tilespmem:s30+$0x16060];
	_ =	sdelay $0x4  }
0x167: {  	[tilespmem:$0x1FDE0] =	vst v1  }
0x168: {  	v1 =	vld [tilespmem:s30+$0x16070];
	_ =	sdelay $0x4  }
0x169: {  	[tilespmem:$0x1FDF0] =	vst v1  }
0x16a: {  	[tilespmem:s19], [sflag:$0x1] =	stream.indirect.gather [hbm4b:s1+s17], $0x80, s18, s17, $0xb8;
	[tilespmem:$0x1FEF0] =	vst v63  }
0x16b: {  	_ =	swait.ge [sflag:s24], $0x2800  }
0x16c: {  	s0 =	smul.u32 $0x50, s29;
	[sflag:s24] =	ssyncset.done $0x0  }
0x16d: {  	[sflag:s24] =	ssyncadd.s32 $0xFFFFD800  }
0x16e: {  	v1 =	vld [tilespmem:s0+$0x13880];
	_ =	sdelay $0x4  }
0x16f: {  	[tilespmem:$0x1FE50] =	vst v1  }
0x170: {  	v1 =	vld [tilespmem:s0+$0x13890];
	_ =	sdelay $0x4  }
0x171: {  	[tilespmem:$0x1FE60] =	vst v1  }
0x172: {  	v1 =	vld [tilespmem:s0+$0x138A0];
	_ =	sdelay $0x4  }
0x173: {  	[tilespmem:$0x1FE70] =	vst v1  }
0x174: {  	v1 =	vld [tilespmem:s0+$0x138B0];
	_ =	sdelay $0x4  }
0x175: {  	[tilespmem:$0x1FE80] =	vst v1  }
0x176: {  	v1 =	vld [tilespmem:s0+$0x138C0];
	_ =	sdelay $0x4  }
0x177: {  	[tilespmem:$0x1FE90] =	vst v1  }
0x178: {  	v1 =	vld [tilespmem:s0+$0x186A0];
	_ =	sdelay $0x4  }
0x179: {  	[tilespmem:$0x1FEA0] =	vst v1  }
0x17a: {  	v1 =	vld [tilespmem:s0+$0x186B0];
	_ =	sdelay $0x4  }
0x17b: {  	[tilespmem:$0x1FEB0] =	vst v1  }
0x17c: {  	v1 =	vld [tilespmem:s0+$0x186C0];
	_ =	sdelay $0x4  }
0x17d: {  	[tilespmem:$0x1FEC0] =	vst v1  }
0x17e: {  	v1 =	vld [tilespmem:s0+$0x186D0];
	_ =	sdelay $0x3  }
0x17f: {  	s29 =	simm.s32 $0x0  }
0x180: {  	[tilespmem:$0x1FED0] =	vst v1;
	v1 =	vmov s29  }
0x181: {  	v1 =	vshrl.u32 v1, $0x3  }
0x182: {  	v2 =	vld [tilespmem:s0+$0x186E0];
	v1 =	vshll.u32 v1, v0  }
0x183: {  	v1 =	vbroadcast v1, $0x0;
	_ =	sdelay $0x3  }
0x184: {  	s2 =	simm.s32 $0x1D7B0;
	[tilespmem:$0x1FEE0] =	vst v2  }
0x185: {  	v3 =	vld [tilespmem:s2+$0xFFFFFE70]  }
0x186: {  	v1 =	vld.idx.msk [tilespmem:v1+s21+$0x0], $0xffff  }
0x187: {  	v4 =	vld [tilespmem:s2+$0xFFFFFE00]  }
0x188: {  	v5 =	vld [tilespmem:s2+$0xFFFFFE20]  }
0x189: {  	v6 =	vld [tilespmem:s2+$0xFFFFFE30]  }
0x18a: {  	s14 =	simm.s32 $0x1;
	v2 =	vld [tilespmem:s2+$0xFFFFFE50]  }
0x18b: {  	v9 =	vmov s14;
	v8 =	vld [tilespmem:s2+$0xFFFFFE10];
	v3 =	vmul.f32 v3, v1  }
0x18c: {  	v9 =	vshrl.u32 v9, $0x3;
	v7 =	vld [tilespmem:s2+$0xFFFFFE60];
	v4 =	vmul.f32 v4, v1  }
0x18d: {  	v10 =	vld [tilespmem:s2+$0xFFFFFE40];
	v5 =	vmul.f32 v5, v1;
	[tilespmem:s2+$0xFFFFFE70] =	vst v3;
	v3 =	vshll.u32 v9, v0  }
0x18e: {  	v6 =	vmul.f32 v6, v1;
	[tilespmem:s2+$0xFFFFFE00] =	vst v4;
	v3 =	vadd.s32 $0x1, v3  }
0x18f: {  	v2 =	vmul.f32 v2, v1;
	[tilespmem:s2+$0xFFFFFE20] =	vst v5;
	v3 =	vbroadcast v3, $0x0  }
0x190: {  	v4 =	vmul.f32 v8, v1;
	[tilespmem:s2+$0xFFFFFE30] =	vst v6  }
0x191: {  	v5 =	vmul.f32 v7, v1;
	[tilespmem:s2+$0xFFFFFE50] =	vst v2  }
0x192: {  	v1 =	vmul.f32 v10, v1;
	[tilespmem:s2+$0xFFFFFE10] =	vst v4  }
0x193: {  	[tilespmem:s2+$0xFFFFFE60] =	vst v5  }
0x194: {  	[tilespmem:s2+$0xFFFFFE40] =	vst v1  }
0x195: {  	v1 =	vld.idx.msk [tilespmem:v3+s21+$0x0], $0xffff  }
0x196: {  	v3 =	vld [tilespmem:s2+$0xFFFFFE80]  }
0x197: {  	v4 =	vld [tilespmem:s2+$0xFFFFFEE0]  }
0x198: {  	v5 =	vld [tilespmem:s2+$0xFFFFFE90]  }
0x199: {  	v6 =	vld [tilespmem:s2+$0xFFFFFED0]  }
0x19a: {  	s15 =	simm.s32 $0x2;
	v2 =	vld [tilespmem:s2+$0xFFFFFEF0]  }
0x19b: {  	v7 =	vld [tilespmem:s2+$0xFFFFFEB0];
	v9 =	vmov s15;
	v3 =	vmul.f32 v3, v1  }
0x19c: {  	v10 =	vld [tilespmem:s2+$0xFFFFFEC0];
	v9 =	vshrl.u32 v9, $0x3;
	v4 =	vmul.f32 v4, v1  }
0x19d: {  	v8 =	vld [tilespmem:s2+$0xFFFFFEA0];
	v5 =	vmul.f32 v5, v1;
	[tilespmem:s2+$0xFFFFFE80] =	vst v3;
	v3 =	vshll.u32 v9, v0  }
0x19e: {  	v6 =	vmul.f32 v6, v1;
	[tilespmem:s2+$0xFFFFFEE0] =	vst v4;
	v3 =	vadd.s32 $0x2, v3  }
0x19f: {  	v2 =	vmul.f32 v2, v1;
	[tilespmem:s2+$0xFFFFFE90] =	vst v5;
	v3 =	vbroadcast v3, $0x0  }
0x1a0: {  	v4 =	vmul.f32 v7, v1;
	[tilespmem:s2+$0xFFFFFED0] =	vst v6  }
0x1a1: {  	v5 =	vmul.f32 v10, v1;
	[tilespmem:s2+$0xFFFFFEF0] =	vst v2  }
0x1a2: {  	v1 =	vmul.f32 v8, v1;
	[tilespmem:s2+$0xFFFFFEB0] =	vst v4  }
0x1a3: {  	[tilespmem:s2+$0xFFFFFEC0] =	vst v5  }
0x1a4: {  	v2 =	vld [tilespmem:s2+$0xFFFFFF10];
	[tilespmem:s2+$0xFFFFFEA0] =	vst v1  }
0x1a5: {  	v1 =	vld.idx.msk [tilespmem:v3+s21+$0x0], $0xffff  }
0x1a6: {  	v3 =	vld [tilespmem:s2+$0xFFFFFF40]  }
0x1a7: {  	v4 =	vld [tilespmem:s2+$0xFFFFFF20]  }
0x1a8: {  	v5 =	vld [tilespmem:s2+$0xFFFFFF50]  }
0x1a9: {  	s16 =	simm.s32 $0x3;
	v6 =	vld [tilespmem:s2+$0xFFFFFF00]  }
0x1aa: {  	v7 =	vld [tilespmem:s2+$0xFFFFFF30];
	v8 =	vmov s16;
	v2 =	vmul.f32 v2, v1  }
0x1ab: {  	v9 =	vld [tilespmem:s2+$0xFFFFFF70];
	v8 =	vshrl.u32 v8, $0x3;
	v3 =	vmul.f32 v3, v1  }
0x1ac: {  	v10 =	vld [tilespmem:s2+$0xFFFFFF60];
	v4 =	vmul.f32 v4, v1;
	[tilespmem:s2+$0xFFFFFF10] =	vst v2;
	v2 =	vshll.u32 v8, v0  }
0x1ad: {  	v5 =	vmul.f32 v5, v1;
	[tilespmem:s2+$0xFFFFFF40] =	vst v3;
	v2 =	vadd.s32 $0x3, v2  }
0x1ae: {  	v3 =	vmul.f32 v6, v1;
	[tilespmem:s2+$0xFFFFFF20] =	vst v4;
	v2 =	vbroadcast v2, $0x0  }
0x1af: {  	v4 =	vmul.f32 v7, v1;
	[tilespmem:s2+$0xFFFFFF50] =	vst v5  }
0x1b0: {  	v5 =	vmul.f32 v9, v1;
	[tilespmem:s2+$0xFFFFFF00] =	vst v3  }
0x1b1: {  	v1 =	vmul.f32 v10, v1;
	[tilespmem:s2+$0xFFFFFF30] =	vst v4  }
0x1b2: {  	[tilespmem:s2+$0xFFFFFF70] =	vst v5  }
0x1b3: {  	[tilespmem:s2+$0xFFFFFF60] =	vst v1  }
0x1b4: {  	v1 =	vld.idx.msk [tilespmem:v2+s21+$0x0], $0xffff  }
0x1b5: {  	v2 =	vld [tilespmem:s2+$0xFFFFFF90]  }
0x1b6: {  	v4 =	vld [tilespmem:s2+$0xFFFFFFE0]  }
0x1b7: {  	v5 =	vld [tilespmem:s2+$0xFFFFFF80]  }
0x1b8: {  	v6 =	vld [tilespmem:s2+$0xFFFFFFD0]  }
0x1b9: {  	s30 =	simm.s32 $0x4;
	v3 =	vld [tilespmem:s2+$0xFFFFFFF0]  }
0x1ba: {  	v7 =	vld [tilespmem:s2+$0xFFFFFFA0];
	v9 =	vmov s30;
	v2 =	vmul.f32 v2, v1  }
0x1bb: {  	v10 =	vld [tilespmem:s2+$0xFFFFFFC0];
	v9 =	vshrl.u32 v9, $0x3;
	v4 =	vmul.f32 v4, v1  }
0x1bc: {  	v8 =	vld [tilespmem:s2+$0xFFFFFFB0];
	v5 =	vmul.f32 v5, v1;
	[tilespmem:s2+$0xFFFFFF90] =	vst v2;
	v2 =	vshll.u32 v9, v0  }
0x1bd: {  	v6 =	vmul.f32 v6, v1;
	[tilespmem:s2+$0xFFFFFFE0] =	vst v4;
	v2 =	vadd.s32 $0x4, v2  }
0x1be: {  	v3 =	vmul.f32 v3, v1;
	[tilespmem:s2+$0xFFFFFF80] =	vst v5;
	v2 =	vbroadcast v2, $0x0  }
0x1bf: {  	v4 =	vmul.f32 v7, v1;
	[tilespmem:s2+$0xFFFFFFD0] =	vst v6  }
0x1c0: {  	v5 =	vmul.f32 v10, v1;
	[tilespmem:s2+$0xFFFFFFF0] =	vst v3;
	v3 =	vld [tilespmem:s2+$0x10]  }
0x1c1: {  	v1 =	vmul.f32 v8, v1;
	v6 =	vld [tilespmem:s2+$0x0];
	[tilespmem:s2+$0xFFFFFFA0] =	vst v4  }
0x1c2: {  	v10 =	vld [tilespmem:s2+$0x30];
	[tilespmem:s2+$0xFFFFFFC0] =	vst v5  }
0x1c3: {  	v8 =	vld [tilespmem:s2+$0x20];
	[tilespmem:s2+$0xFFFFFFB0] =	vst v1  }
0x1c4: {  	v1 =	vld.idx.msk [tilespmem:v2+s21+$0x0], $0xffff  }
0x1c5: {  	v7 =	vld [tilespmem:s2+$0x50]  }
0x1c6: {  	v4 =	vld [tilespmem:s2+$0x40]  }
0x1c7: {  	v5 =	vld [tilespmem:s2+$0x60]  }
0x1c8: {  	s31 =	simm.s32 $0x5;
	v2 =	vld [tilespmem:s2+$0x70]  }
0x1c9: {  	s14 =	simm.s32 $0x8;
	s0 =	simm.s32 $0x1D7B0;
	v9 =	vmul.f32 v6, v1;
	v6 =	vmul.f32 v10, v1;
	v10 =	vmov s31  }
.LBB2_6:
0x1ca: {  	p0 =	slt.u32 s14, $0x48  }
0x1cb: {  	v3 =	vmul.f32 v3, v1;
	v8 =	vmul.f32 v8, v1;
	v10 =	vshrl.u32 v10, $0x3;
	s2 =	sadd.s32 $0x400, s2;
	s15 =	smov.u32 s14;
	s14 =	sadd.s32 $0x8, s14  }
0x1cc: {  	v7 =	vmul.f32 v7, v1;
	[tilespmem:s0+$0x0] =	vst v9;
	v4 =	vmul.f32 v4, v1;
	v9 =	vshll.u32 v10, v0  }
0x1cd: {  	[tilespmem:s0+$0x10] =	vst v3;
	v3 =	vmul.f32 v5, v1;
	v1 =	vmul.f32 v2, v1;
	v2 =	vadd.s32 $0x5, v9  }
0x1ce: {  	[tilespmem:s0+$0x20] =	vst v8;
	v2 =	vbroadcast v2, $0x0  }
0x1cf: {  	[tilespmem:s0+$0x30] =	vst v6  }
0x1d0: {  	[tilespmem:s0+$0x50] =	vst v7;
	v5 =	vld [tilespmem:s0+$0xA0]  }
0x1d1: {  	[tilespmem:s0+$0x70] =	vst v1;
	v1 =	vld [tilespmem:s0+$0x80]  }
0x1d2: {  	[tilespmem:s0+$0x60] =	vst v3;
	v3 =	vld [tilespmem:s0+$0xF0]  }
0x1d3: {  	[tilespmem:s0+$0x40] =	vst v4;
	v4 =	vld [tilespmem:s0+$0x90]  }
0x1d4: {  	v2 =	vld.idx.msk [tilespmem:v2+s21+$0x0], $0xffff  }
0x1d5: {  	v6 =	vld [tilespmem:s0+$0xC0]  }
0x1d6: {  	v7 =	vld [tilespmem:s0+$0xB0]  }
0x1d7: {  	v8 =	vld [tilespmem:s0+$0xD0]  }
0x1d8: {  	v9 =	vld [tilespmem:s0+$0xE0]  }
0x1d9: {  	s16 =	sadd.s32 $0x6, s29  }
0x1da: {  	v10 =	vmov s16;
	v1 =	vmul.f32 v1, v2;
	v6 =	vmul.f32 v6, v2  }
0x1db: {  	v10 =	vshrl.u32 v10, $0x3;
	v5 =	vmul.f32 v5, v2;
	v7 =	vmul.f32 v7, v2  }
0x1dc: {  	[tilespmem:s0+$0x80] =	vst v1;
	v1 =	vmul.f32 v4, v2;
	v4 =	vmul.f32 v8, v2;
	v8 =	vshll.u32 v10, v0  }
0x1dd: {  	[tilespmem:s0+$0xA0] =	vst v5;
	v5 =	vmul.f32 v9, v2;
	v2 =	vmul.f32 v3, v2;
	v3 =	vadd.s32 $0x6, v8  }
0x1de: {  	[tilespmem:s0+$0xC0] =	vst v6;
	v3 =	vbroadcast v3, $0x0  }
0x1df: {  	[tilespmem:s0+$0xB0] =	vst v7  }
0x1e0: {  	[tilespmem:s0+$0x90] =	vst v1;
	v1 =	vld [tilespmem:s0+$0x100]  }
0x1e1: {  	[tilespmem:s0+$0xF0] =	vst v2;
	v2 =	vld [tilespmem:s0+$0x160]  }
0x1e2: {  	[tilespmem:s0+$0xD0] =	vst v4;
	v4 =	vld [tilespmem:s0+$0x150]  }
0x1e3: {  	[tilespmem:s0+$0xE0] =	vst v5;
	v5 =	vld [tilespmem:s0+$0x120]  }
0x1e4: {  	v3 =	vld.idx.msk [tilespmem:v3+s21+$0x0], $0xffff  }
0x1e5: {  	v6 =	vld [tilespmem:s0+$0x110]  }
0x1e6: {  	v7 =	vld [tilespmem:s0+$0x130]  }
0x1e7: {  	v8 =	vld [tilespmem:s0+$0x140]  }
0x1e8: {  	v9 =	vld [tilespmem:s0+$0x170]  }
0x1e9: {  	s16 =	sadd.s32 $0x7, s29;
	s29 =	smov.u32 s15  }
0x1ea: {  	v10 =	vmov s16;
	v1 =	vmul.f32 v1, v3;
	v6 =	vmul.f32 v6, v3  }
0x1eb: {  	v10 =	vshrl.u32 v10, $0x3;
	v5 =	vmul.f32 v5, v3;
	v7 =	vmul.f32 v7, v3  }
0x1ec: {  	v4 =	vmul.f32 v4, v3;
	[tilespmem:s0+$0x100] =	vst v1;
	v1 =	vmul.f32 v8, v3;
	v8 =	vshll.u32 v10, v0  }
0x1ed: {  	v2 =	vmul.f32 v2, v3;
	[tilespmem:s0+$0x110] =	vst v6;
	v3 =	vmul.f32 v9, v3;
	v6 =	vadd.s32 $0x7, v8  }
0x1ee: {  	[tilespmem:s0+$0x120] =	vst v5;
	v5 =	vbroadcast v6, $0x0  }
0x1ef: {  	[tilespmem:s0+$0x150] =	vst v4  }
0x1f0: {  	[tilespmem:s0+$0x160] =	vst v2;
	v2 =	vld [tilespmem:s0+$0x1C0]  }
0x1f1: {  	[tilespmem:s0+$0x130] =	vst v7;
	v4 =	vld [tilespmem:s0+$0x180]  }
0x1f2: {  	[tilespmem:s0+$0x170] =	vst v3;
	v3 =	vld [tilespmem:s0+$0x190]  }
0x1f3: {  	[tilespmem:s0+$0x140] =	vst v1;
	v1 =	vld [tilespmem:s0+$0x1F0]  }
0x1f4: {  	v5 =	vld.idx.msk [tilespmem:v5+s21+$0x0], $0xffff  }
0x1f5: {  	v6 =	vld [tilespmem:s0+$0x1A0]  }
0x1f6: {  	v7 =	vld [tilespmem:s0+$0x1B0]  }
0x1f7: {  	v8 =	vld [tilespmem:s0+$0x1D0]  }
0x1f8: {  	v9 =	vld [tilespmem:s0+$0x1E0];
	_ =	sdelay $0x1  }
0x1f9: {  	v4 =	vmul.f32 v4, v5;
	v3 =	vmul.f32 v3, v5  }
0x1fa: {  	v10 =	vmov s29;
	v6 =	vmul.f32 v6, v5;
	v7 =	vmul.f32 v7, v5  }
0x1fb: {  	v10 =	vshrl.u32 v10, $0x3;
	v2 =	vmul.f32 v2, v5;
	[tilespmem:s0+$0x180] =	vst v4;
	v4 =	vmul.f32 v8, v5  }
0x1fc: {  	v1 =	vmul.f32 v1, v5;
	v8 =	vshll.u32 v10, v0;
	[tilespmem:s0+$0x190] =	vst v3;
	v3 =	vmul.f32 v9, v5  }
0x1fd: {  	v5 =	vbroadcast v8, $0x0;
	[tilespmem:s0+$0x1C0] =	vst v2  }
0x1fe: {  	[tilespmem:s0+$0x1A0] =	vst v6  }
0x1ff: {  	v2 =	vld [tilespmem:s2+$0xFFFFFE50];
	[tilespmem:s0+$0x1B0] =	vst v7  }
0x200: {  	v6 =	vld [tilespmem:s2+$0xFFFFFE30];
	[tilespmem:s0+$0x1F0] =	vst v1  }
0x201: {  	v1 =	vld [tilespmem:s2+$0xFFFFFE60];
	[tilespmem:s0+$0x1D0] =	vst v4  }
0x202: {  	v4 =	vld [tilespmem:s2+$0xFFFFFE70];
	[tilespmem:s0+$0x1E0] =	vst v3;
	s0 =	smov.u32 s2  }
0x203: {  	v3 =	vld.idx.msk [tilespmem:v5+s21+$0x0], $0xffff  }
0x204: {  	v5 =	vld [tilespmem:s2+$0xFFFFFE00]  }
0x205: {  	v7 =	vld [tilespmem:s2+$0xFFFFFE20]  }
0x206: {  	v8 =	vld [tilespmem:s2+$0xFFFFFE10]  }
0x207: {  	v9 =	vld [tilespmem:s2+$0xFFFFFE40]  }
0x208: {  	s15 =	sadd.s32 $0x1, s29  }
0x209: {  	v10 =	vmov s15;
	v4 =	vmul.f32 v4, v3;
	v5 =	vmul.f32 v5, v3  }
0x20a: {  	v10 =	vshrl.u32 v10, $0x3;
	v1 =	vmul.f32 v1, v3;
	v7 =	vmul.f32 v7, v3  }
0x20b: {  	v6 =	vmul.f32 v6, v3;
	v8 =	vmul.f32 v8, v3;
	[tilespmem:s2+$0xFFFFFE70] =	vst v4;
	v4 =	vshll.u32 v10, v0  }
0x20c: {  	v2 =	vmul.f32 v2, v3;
	[tilespmem:s2+$0xFFFFFE00] =	vst v5;
	v5 =	vmul.f32 v9, v3;
	v3 =	vadd.s32 $0x1, v4  }
0x20d: {  	[tilespmem:s2+$0xFFFFFE20] =	vst v7;
	v3 =	vbroadcast v3, $0x0  }
0x20e: {  	[tilespmem:s2+$0xFFFFFE30] =	vst v6  }
0x20f: {  	[tilespmem:s2+$0xFFFFFE50] =	vst v2;
	v2 =	vld [tilespmem:s2+$0xFFFFFEF0]  }
0x210: {  	[tilespmem:s2+$0xFFFFFE10] =	vst v8;
	v4 =	vld [tilespmem:s2+$0xFFFFFED0]  }
0x211: {  	[tilespmem:s2+$0xFFFFFE60] =	vst v1;
	v1 =	vld [tilespmem:s2+$0xFFFFFEB0]  }
0x212: {  	[tilespmem:s2+$0xFFFFFE40] =	vst v5;
	v5 =	vld [tilespmem:s2+$0xFFFFFEE0]  }
0x213: {  	v3 =	vld.idx.msk [tilespmem:v3+s21+$0x0], $0xffff  }
0x214: {  	v6 =	vld [tilespmem:s2+$0xFFFFFE80]  }
0x215: {  	v7 =	vld [tilespmem:s2+$0xFFFFFE90]  }
0x216: {  	v8 =	vld [tilespmem:s2+$0xFFFFFEA0]  }
0x217: {  	v9 =	vld [tilespmem:s2+$0xFFFFFEC0]  }
0x218: {  	s15 =	sadd.s32 $0x2, s29  }
0x219: {  	v10 =	vmov s15;
	v5 =	vmul.f32 v5, v3;
	v6 =	vmul.f32 v6, v3  }
0x21a: {  	v10 =	vshrl.u32 v10, $0x3;
	v1 =	vmul.f32 v1, v3;
	v7 =	vmul.f32 v7, v3  }
0x21b: {  	v4 =	vmul.f32 v4, v3;
	[tilespmem:s2+$0xFFFFFE80] =	vst v6;
	v6 =	vmul.f32 v8, v3;
	v8 =	vshll.u32 v10, v0  }
0x21c: {  	v2 =	vmul.f32 v2, v3;
	v9 =	vmul.f32 v9, v3;
	[tilespmem:s2+$0xFFFFFEE0] =	vst v5;
	v3 =	vadd.s32 $0x2, v8  }
0x21d: {  	[tilespmem:s2+$0xFFFFFE90] =	vst v7;
	v3 =	vbroadcast v3, $0x0  }
0x21e: {  	[tilespmem:s2+$0xFFFFFED0] =	vst v4  }
0x21f: {  	[tilespmem:s2+$0xFFFFFEF0] =	vst v2;
	v2 =	vld [tilespmem:s2+$0xFFFFFF70]  }
0x220: {  	[tilespmem:s2+$0xFFFFFEB0] =	vst v1;
	v1 =	vld [tilespmem:s2+$0xFFFFFF50]  }
0x221: {  	[tilespmem:s2+$0xFFFFFEC0] =	vst v9;
	v4 =	vld [tilespmem:s2+$0xFFFFFF30]  }
0x222: {  	[tilespmem:s2+$0xFFFFFEA0] =	vst v6;
	v5 =	vld [tilespmem:s2+$0xFFFFFF40]  }
0x223: {  	v3 =	vld.idx.msk [tilespmem:v3+s21+$0x0], $0xffff  }
0x224: {  	v6 =	vld [tilespmem:s2+$0xFFFFFF10]  }
0x225: {  	v7 =	vld [tilespmem:s2+$0xFFFFFF20]  }
0x226: {  	v8 =	vld [tilespmem:s2+$0xFFFFFF00]  }
0x227: {  	v9 =	vld [tilespmem:s2+$0xFFFFFF60]  }
0x228: {  	s15 =	sadd.s32 $0x3, s29  }
0x229: {  	v10 =	vmov s15;
	v5 =	vmul.f32 v5, v3;
	v6 =	vmul.f32 v6, v3  }
0x22a: {  	v10 =	vshrl.u32 v10, $0x3;
	v4 =	vmul.f32 v4, v3;
	v7 =	vmul.f32 v7, v3  }
0x22b: {  	v1 =	vmul.f32 v1, v3;
	v8 =	vmul.f32 v8, v3;
	[tilespmem:s2+$0xFFFFFF10] =	vst v6;
	v6 =	vshll.u32 v10, v0  }
0x22c: {  	v2 =	vmul.f32 v2, v3;
	[tilespmem:s2+$0xFFFFFF40] =	vst v5;
	v5 =	vmul.f32 v9, v3;
	v3 =	vadd.s32 $0x3, v6  }
0x22d: {  	[tilespmem:s2+$0xFFFFFF20] =	vst v7;
	v3 =	vbroadcast v3, $0x0  }
0x22e: {  	[tilespmem:s2+$0xFFFFFF50] =	vst v1  }
0x22f: {  	[tilespmem:s2+$0xFFFFFF00] =	vst v8;
	v1 =	vld [tilespmem:s2+$0xFFFFFFF0]  }
0x230: {  	[tilespmem:s2+$0xFFFFFF30] =	vst v4;
	v4 =	vld [tilespmem:s2+$0xFFFFFFD0]  }
0x231: {  	[tilespmem:s2+$0xFFFFFF70] =	vst v2;
	v2 =	vld [tilespmem:s2+$0xFFFFFFA0]  }
0x232: {  	[tilespmem:s2+$0xFFFFFF60] =	vst v5;
	v5 =	vld [tilespmem:s2+$0xFFFFFFE0]  }
0x233: {  	v3 =	vld.idx.msk [tilespmem:v3+s21+$0x0], $0xffff  }
0x234: {  	v6 =	vld [tilespmem:s2+$0xFFFFFF90]  }
0x235: {  	v7 =	vld [tilespmem:s2+$0xFFFFFF80]  }
0x236: {  	v8 =	vld [tilespmem:s2+$0xFFFFFFB0]  }
0x237: {  	v9 =	vld [tilespmem:s2+$0xFFFFFFC0]  }
0x238: {  	s15 =	sadd.s32 $0x4, s29  }
0x239: {  	v10 =	vmov s15;
	v5 =	vmul.f32 v5, v3;
	v6 =	vmul.f32 v6, v3  }
0x23a: {  	v10 =	vshrl.u32 v10, $0x3;
	v2 =	vmul.f32 v2, v3;
	v7 =	vmul.f32 v7, v3  }
0x23b: {  	v4 =	vmul.f32 v4, v3;
	[tilespmem:s2+$0xFFFFFF90] =	vst v6;
	v6 =	vmul.f32 v8, v3;
	v8 =	vshll.u32 v10, v0  }
0x23c: {  	v1 =	vmul.f32 v1, v3;
	v9 =	vmul.f32 v9, v3;
	[tilespmem:s2+$0xFFFFFFE0] =	vst v5;
	v3 =	vadd.s32 $0x4, v8  }
0x23d: {  	[tilespmem:s2+$0xFFFFFF80] =	vst v7;
	v5 =	vbroadcast v3, $0x0  }
0x23e: {  	[tilespmem:s2+$0xFFFFFFD0] =	vst v4  }
0x23f: {  	[tilespmem:s2+$0xFFFFFFF0] =	vst v1;
	v3 =	vld [tilespmem:s2+$0x10]  }
0x240: {  	[tilespmem:s2+$0xFFFFFFA0] =	vst v2;
	v10 =	vld [tilespmem:s2+$0x0]  }
0x241: {  	[tilespmem:s2+$0xFFFFFFC0] =	vst v9;
	v8 =	vld [tilespmem:s2+$0x20]  }
0x242: {  	[tilespmem:s2+$0xFFFFFFB0] =	vst v6;
	v2 =	vld [tilespmem:s2+$0x70]  }
0x243: {  	v1 =	vld.idx.msk [tilespmem:v5+s21+$0x0], $0xffff  }
0x244: {  	v6 =	vld [tilespmem:s2+$0x30]  }
.Ltmp6:
0x245: {  	v7 =	vld [tilespmem:s2+$0x50];
	(pc) =	sbr.rel @p0 .LBB2_6-.Ltmp6, $4  }
0x246: {  	v4 =	vld [tilespmem:s2+$0x40]  }
0x247: {  	v5 =	vld [tilespmem:s2+$0x60]  }
0x248: {  	s15 =	sadd.s32 $0x5, s29  }
0x249: {  	v9 =	vmul.f32 v10, v1;
	v10 =	vmov s15;
	v6 =	vmul.f32 v6, v1  }
0x24a: {  	v10 =	vshrl.u32 v10, $0x3  }
0x24b: {  	v3 =	vmul.f32 v3, v1;
	[tilespmem:s0+$0x0] =	vst v9;
	v36 =	vshll.u32 v10, v0  }
0x24c: {  	v8 =	vmul.f32 v8, v1;
	v2 =	vmul.f32 v2, v1;
	[tilespmem:s0+$0x30] =	vst v6;
	v37 =	vadd.s32 $0x5, v36  }
0x24d: {  	[tilespmem:s0+$0x10] =	vst v3;
	v3 =	vmul.f32 v7, v1;
	v7 =	vbroadcast v37, $0x0  }
0x24e: {  	[tilespmem:s0+$0x20] =	vst v8  }
0x24f: {  	v5 =	vmul.f32 v5, v1;
	[tilespmem:s0+$0x70] =	vst v2  }
0x250: {  	v1 =	vmul.f32 v4, v1;
	[tilespmem:s0+$0x50] =	vst v3  }
0x251: {  	[tilespmem:s0+$0x60] =	vst v5  }
0x252: {  	v2 =	vld [tilespmem:s0+$0x80];
	[tilespmem:s0+$0x40] =	vst v1  }
0x253: {  	v1 =	vld.idx.msk [tilespmem:v7+s21+$0x0], $0xffff  }
0x254: {  	v3 =	vld [tilespmem:s0+$0xA0]  }
0x255: {  	v38 =	vld [tilespmem:s0+$0xC0]  }
0x256: {  	v39 =	vld [tilespmem:s0+$0xB0]  }
0x257: {  	s2 =	sadd.s32 $0x6, s29;
	v41 =	vld [tilespmem:s0+$0xF0]  }
0x258: {  	v43 =	vld [tilespmem:s0+$0xD0];
	v42 =	vmov s2;
	v2 =	vmul.f32 v2, v1  }
0x259: {  	v40 =	vld [tilespmem:s0+$0x90];
	v8 =	vshrl.u32 v42, $0x3;
	v3 =	vmul.f32 v3, v1  }
0x25a: {  	v44 =	vld [tilespmem:s0+$0xE0];
	v4 =	vmul.f32 v38, v1;
	[tilespmem:s0+$0x80] =	vst v2;
	v2 =	vshll.u32 v8, v0  }
0x25b: {  	v5 =	vmul.f32 v39, v1;
	[tilespmem:s0+$0xA0] =	vst v3;
	v2 =	vadd.s32 $0x6, v2  }
0x25c: {  	v45 =	vmul.f32 v41, v1;
	[tilespmem:s0+$0xC0] =	vst v4;
	v2 =	vbroadcast v2, $0x0  }
0x25d: {  	v46 =	vmul.f32 v43, v1;
	[tilespmem:s0+$0xB0] =	vst v5  }
0x25e: {  	v3 =	vmul.f32 v40, v1;
	[tilespmem:s0+$0xF0] =	vst v45  }
0x25f: {  	v1 =	vmul.f32 v44, v1;
	[tilespmem:s0+$0xD0] =	vst v46  }
0x260: {  	[tilespmem:s0+$0x90] =	vst v3  }
0x261: {  	v3 =	vld [tilespmem:s0+$0x100];
	[tilespmem:s0+$0xE0] =	vst v1  }
0x262: {  	v1 =	vld.idx.msk [tilespmem:v2+s21+$0x0], $0xffff  }
0x263: {  	v2 =	vld [tilespmem:s0+$0x110]  }
0x264: {  	v47 =	vld [tilespmem:s0+$0x120]  }
0x265: {  	v48 =	vld [tilespmem:s0+$0x150]  }
0x266: {  	s31 =	sadd.s32 $0x7, s29;
	v50 =	vld [tilespmem:s0+$0x130]  }
0x267: {  	v52 =	vld [tilespmem:s0+$0x170];
	v51 =	vmov s31;
	v3 =	vmul.f32 v3, v1  }
0x268: {  	v49 =	vld [tilespmem:s0+$0x160];
	v8 =	vshrl.u32 v51, $0x3;
	v2 =	vmul.f32 v2, v1  }
0x269: {  	v53 =	vld [tilespmem:s0+$0x140];
	v4 =	vmul.f32 v47, v1;
	[tilespmem:s0+$0x100] =	vst v3;
	v3 =	vshll.u32 v8, v0  }
0x26a: {  	v5 =	vmul.f32 v48, v1;
	[tilespmem:s0+$0x110] =	vst v2;
	v2 =	vadd.s32 $0x7, v3  }
0x26b: {  	v54 =	vmul.f32 v50, v1;
	[tilespmem:s0+$0x120] =	vst v4;
	v2 =	vbroadcast v2, $0x0  }
0x26c: {  	v55 =	vmul.f32 v52, v1;
	[tilespmem:s0+$0x150] =	vst v5  }
0x26d: {  	[tilespmem:s0+$0x130] =	vst v54;
	v3 =	vmul.f32 v49, v1  }
0x26e: {  	[tilespmem:s0+$0x170] =	vst v55;
	v1 =	vmul.f32 v53, v1  }
0x26f: {  	[tilespmem:s0+$0x160] =	vst v3  }
0x270: {  	v3 =	vld [tilespmem:s0+$0x180];
	[tilespmem:s0+$0x140] =	vst v1  }
0x271: {  	v1 =	vld.idx.msk [tilespmem:v2+s21+$0x0], $0xffff  }
0x272: {  	v2 =	vld [tilespmem:s0+$0x190]  }
0x273: {  	v57 =	vld [tilespmem:s0+$0x1A0]  }
0x274: {  	v60 =	vld [tilespmem:s0+$0x1D0]  }
0x275: {  	v56 =	vld [tilespmem:s0+$0x1C0]  }
0x276: {  	v58 =	vld [tilespmem:s0+$0x1B0];
	v3 =	vmul.f32 v3, v1  }
0x277: {  	v59 =	vld [tilespmem:s0+$0x1F0];
	v2 =	vmul.f32 v2, v1  }
0x278: {  	v61 =	vld [tilespmem:s0+$0x1E0];
	v62 =	vmul.f32 v57, v1;
	[tilespmem:s0+$0x180] =	vst v3  }
0x279: {  	v63 =	vmul.f32 v60, v1;
	[tilespmem:s0+$0x190] =	vst v2  }
0x27a: {  	v3 =	vmul.f32 v56, v1;
	[tilespmem:s0+$0x1A0] =	vst v62  }
0x27b: {  	v2 =	vmul.f32 v58, v1;
	[tilespmem:s0+$0x1D0] =	vst v63  }
0x27c: {  	[tilespmem:s0+$0x1C0] =	vst v3;
	v3 =	vmul.f32 v59, v1  }
0x27d: {  	[tilespmem:s0+$0x1B0] =	vst v2;
	v1 =	vmul.f32 v61, v1  }
0x27e: {  	[tilespmem:s0+$0x1F0] =	vst v3  }
.Ltmp7:
0x27f: {  	[tilespmem:s0+$0x1E0] =	vst v1;
	(pc) =	sbr.rel .LBB2_8-.Ltmp7, $4  }
0x280: {  	[spmem:s3] =	stream.indirect.scatter.add.f32 [tilespmem:s25], [sflag:$0x3], $0x80, s22, s17, $0xb8;
	[tilespmem:$0x1FEF0] =	vst v63  }
0x281: {  	_ =	swait.ge [sflag:s13], $0x2800  }
0x282: {  	[sflag:s13] =	ssyncset.done $0x0  }
0x283: {  	[sflag:s13] =	ssyncadd.s32 $0xFFFFD800  }
.LBB2_10:
0x284: {  	_ =	sfence.sel $0x180000  }
0x285: {  	[bflag:$0x0] =	sbarrier.arrive $0xFFFF  }
0x286: {  	_ =	strace $0x90000047  }
0x287: {  	s0 =	stileid.u32;
	[bflag:$0x2] =	sbarrier.arrive $0xFFFF  }
0x288: {  	p0 =	sne.s32 s0, $0x0;
	s0 =	rddreg [dreg:$0x4]  }
0x289: {  	s0 =	sadd.s32 @!p0 $0x100000, s0  }
0x28a: {  	[sflag:s0] =	ssyncadd.tile.s32 @!p0 $0x1;
	_ =	shalt  }
.Lfunc_end2:
_tile_overlayer_lowered:
.L_overlay_start_2:
0x28b: {  	(tag) =	ssettag $0x2  }
0x28c: {  	s0 =	rddreg [dreg:$0x0];
	s2 =	stileid.u32  }
0x28d: {  	s1 =	rddreg [dreg:$0x1];
	p0 =	sne.s32 s2, $0x0  }
0x28e: {  	s3 =	rddreg [dreg:$0x2];
	[bflag:$0x3] =	sbarrier.arrive $0xFFFF;
	s2 =	simm.s32 @!p0 $0x1C03  }
0x28f: {  	[timem:s3], [sflag:s2] =	dma.local @!p0 [hbm:s0], s1  }
0x290: {  	s0 =	simm.s32 @!p0 $0x3  }
0x291: {  	_ =	swait.ge @!p0 [sflag:s0], s1  }
0x292: {  	s1 =	ssub.s32 @!p0 $0x0, s1;
	[sflag:s0] =	ssyncset.done @!p0 $0x0  }
0x293: {  	[sflag:s0] =	ssyncadd.s32 @!p0 s1  }
0x294: {  	[bflag:$0x3] =	sbarrier.arrive $0xFFFF  }
0x295: {  	_ =	shalt  }

</sc_bundles>
